<compile_context>
chip_gen: v7x
topology: tpu7x:2x2x1
jax: 0.10.2.dev20260603
libtpu: 0.0.44.dev20260713+nightly
codegen_flags: <defaults>
</compile_context>

<pallas_src>
import jax
import jax.numpy as jnp
from jax import lax
from jax.experimental import pallas as pl
from jax.experimental.pallas import tpu as pltpu
from jax.experimental.pallas import tpu_sc as plsc

N = 10000
E = 320000
D = 128

LANES = 128
EROWS = E // LANES
NC = 2
NS = 16
NW = NC * NS
RPT = 80
CHUNK = 40
EPAD = RPT * NW
NPAD = 10240
NPT = NPAD // NS

_MESH = plsc.VectorSubcoreMesh(core_axis_name="c", subcore_axis_name="s")


def _sc_agg_body(h_hbm, src_hbm, dst_hbm,
                 part_hbm, src_v, dst_v, rows0, rows1, acc_sh,
                 sem0, sem1, sems0, sems1):
    cid = lax.axis_index("c")
    sid = lax.axis_index("s")
    wid = cid * NS + sid

    @pl.loop(0, LANES)
    def _(r):
        @pl.loop(0, D // 16)
        def _(c):
            rows0[r, pl.ds(c * 16, 16)] = jnp.zeros((16,), jnp.float32)

    for k in range(NPT // LANES):
        pltpu.make_async_copy(
            rows0, acc_sh.at[pl.ds(sid * NPT + k * LANES, LANES)], sems0).start()
    for k in range(NPT // LANES):
        pltpu.make_async_copy(
            rows0, acc_sh.at[pl.ds(sid * NPT + k * LANES, LANES)], sems0).wait()

    base = wid * RPT
    plsc.subcore_barrier()

    @pl.loop(0, RPT // CHUNK)
    def _(c):
        cb = base + c * CHUNK
        pltpu.sync_copy(src_hbm.at[pl.ds(cb, CHUNK)], src_v)
        pltpu.sync_copy(dst_hbm.at[pl.ds(cb, CHUNK)], dst_v)
        pltpu.make_async_copy(h_hbm.at[src_v.at[0]], rows0, sem0).start()

        @pl.loop(0, CHUNK, step=2)
        def _(j):
            pltpu.make_async_copy(h_hbm.at[src_v.at[j + 1]], rows1, sem1).start()
            pltpu.make_async_copy(h_hbm.at[src_v.at[j]], rows0, sem0).wait()
            pltpu.sync_copy(rows0, acc_sh.at[dst_v.at[j]], add=True)

            @pl.when(j + 2 < CHUNK)
            def _():
                pltpu.make_async_copy(h_hbm.at[src_v.at[j + 2]], rows0, sem0).start()

            pltpu.make_async_copy(h_hbm.at[src_v.at[j + 1]], rows1, sem1).wait()
            pltpu.sync_copy(rows1, acc_sh.at[dst_v.at[j + 1]], add=True)

    plsc.subcore_barrier()

    pltpu.sync_copy(acc_sh.at[pl.ds(sid * NPT, NPT)],
                    part_hbm.at[cid, pl.ds(sid * NPT, NPT)])


_sc_agg = pl.kernel(
    _sc_agg_body,
    out_type=[jax.ShapeDtypeStruct((NC, NPAD, D), jnp.float32)],
    mesh=_MESH,
    scratch_types=[
        pltpu.VMEM((CHUNK, LANES), jnp.int32),
        pltpu.VMEM((CHUNK, LANES), jnp.int32),
        pltpu.VMEM((LANES, D), jnp.float32),
        pltpu.VMEM((LANES, D), jnp.float32),
        pltpu.VMEM_SHARED((NPAD, D), jnp.float32),
        pltpu.SemaphoreType.DMA,
        pltpu.SemaphoreType.DMA,
        pltpu.SemaphoreType.DMA,
        pltpu.SemaphoreType.DMA,
    ])


def _sc_deg_body(dst_hbm, zero_hbm, ones_hbm,
                 degp_hbm, dst_v, ones_v, deg_sh, sem0):
    cid = lax.axis_index("c")
    sid = lax.axis_index("s")
    wid = cid * NS + sid

    pltpu.sync_copy(zero_hbm.at[pl.ds(sid * NPT, NPT)],
                    deg_sh.at[pl.ds(sid * NPT, NPT)])
    pltpu.sync_copy(ones_hbm, ones_v)
    pltpu.sync_copy(dst_hbm.at[pl.ds(wid * RPT, RPT)], dst_v)

    plsc.subcore_barrier()

    @pl.loop(0, RPT, step=8)
    def _(j):
        for k in range(8):
            pltpu.make_async_copy(
                ones_v, deg_sh.at[dst_v.at[j + k]], sem0).start(add=True)
        for k in range(8):
            pltpu.make_async_copy(
                ones_v, deg_sh.at[dst_v.at[j + k]], sem0).wait()

    plsc.subcore_barrier()

    pltpu.sync_copy(deg_sh.at[pl.ds(sid * NPT, NPT)],
                    degp_hbm.at[cid, pl.ds(sid * NPT, NPT)])


_sc_deg = pl.kernel(
    _sc_deg_body,
    out_type=[jax.ShapeDtypeStruct((NC, NPAD, D), jnp.float32)],
    mesh=_MESH,
    scratch_types=[
        pltpu.VMEM((RPT, LANES), jnp.int32),
        pltpu.VMEM((LANES, D), jnp.float32),
        pltpu.VMEM_SHARED((NPAD, D), jnp.float32),
        pltpu.SemaphoreType.DMA,
    ])


def _dotT(x, w):
    return lax.dot_general(x, w, (((1,), (1,)), ((), ())),
                           preferred_element_type=jnp.float32)


def _in_proj_body(x_ref, w_ref, b_ref, o_ref):
    o_ref[...] = _dotT(x_ref[...], w_ref[...]) + b_ref[...]


_in_proj = pl.pallas_call(
    _in_proj_body,
    out_shape=jax.ShapeDtypeStruct((N, D), jnp.float32),
)


def _combine_body(pp, dgp, o):
    deg = dgp[0, :N, :1] + dgp[1, :N, :1]
    o[...] = (pp[0, :N] + pp[1, :N]) / jnp.maximum(deg, 1.0)


_combine = pl.pallas_call(
    _combine_body, out_shape=jax.ShapeDtypeStruct((N, D), jnp.float32))


def _layer_factory(final: bool):
    def body(*refs):
        if final:
            (mean_msg, h, wl, bl, wr, al, gm, be, wo, bo, o) = refs
        else:
            (mean_msg, h, wl, bl, wr, al, gm, be, o) = refs
        y = _dotT(mean_msg[...], wl[...]) + bl[...] + _dotT(h[...], wr[...])
        m = jnp.mean(y, axis=0, keepdims=True)
        sub = y - al[...] * m
        var = jnp.mean(sub * sub, axis=0, keepdims=True)
        z = gm[...] * sub * lax.rsqrt(var + 1e-5) + be[...]
        hn = jnp.where(z > 0, z, 0.1 * z)
        if final:
            o[...] = _dotT(hn, wo[...]) + bo[...]
        else:
            o[...] = hn

    return pl.pallas_call(
        body, out_shape=jax.ShapeDtypeStruct((N, D), jnp.float32))


_layer = _layer_factory(final=False)
_layer_final = _layer_factory(final=True)


def kernel(x, edge_index, W_in, b_in,
           Wl1, bl1, Wr1, a1, g1, be1,
           Wl2, bl2, Wr2, a2, g2, be2,
           Wl3, bl3, Wr3, a3, g3, be3,
           W_out, b_out):
    npad_edges = EPAD * LANES - E
    ei = edge_index.astype(jnp.int32)
    src2 = jnp.concatenate(
        [ei[0], jnp.zeros((npad_edges,), jnp.int32)]).reshape(EPAD, LANES)
    dst2 = jnp.concatenate(
        [ei[1], jnp.full((npad_edges,), N, jnp.int32)]).reshape(EPAD, LANES)
    zeros_nd = jnp.zeros((NPAD, D), jnp.float32)
    ones_rows = jnp.ones((LANES, D), jnp.float32)

    r1 = lambda v: v.reshape(1, D)

    h = _in_proj(x, W_in, r1(b_in))
    (degp,) = _sc_deg(dst2, zeros_nd, ones_rows)
    (part,) = _sc_agg(h, src2, dst2)
    mm = _combine(part, degp)
    h = _layer(mm, h, Wl1, r1(bl1), Wr1, r1(a1), r1(g1), r1(be1))
    (part,) = _sc_agg(h, src2, dst2)
    mm = _combine(part, degp)
    h = _layer(mm, h, Wl2, r1(bl2), Wr2, r1(a2), r1(g2), r1(be2))
    (part,) = _sc_agg(h, src2, dst2)
    mm = _combine(part, degp)
    out = _layer_final(mm, h, Wl3, r1(bl3), Wr3, r1(a3), r1(g3),
                       r1(be3), W_out, r1(b_out))
    return out

# --- scband reference (transcript-rebuilt; emitter-appended) ---
"""Pipeline reference for scband-high-accuracy-gnn-67044439490651 (READ-ONLY COPY).

The authoritative reference and input builder live on the scoring server;
editing this copy changes nothing except your own understanding.
"""

import jax, jax.numpy as jnp
import numpy as np

N = 10000
E = 320000
D = 128


def leaky(x):
    return jnp.where(x > 0, x, 0.1 * x)


def graph_norm(x, alpha, gamma, beta):
    # PyG GraphNorm over a single graph: mean/var across node dim
    mean = x.mean(axis=0)
    sub = x - alpha * mean
    var = (sub * sub).mean(axis=0)
    return gamma * sub / jnp.sqrt(var + 1e-5) + beta


def sage_conv(x, src, dst, Wl, bl, Wr):
    # PyG SAGEConv (mean aggr): lin_l(mean_{j->i} x_j) + lin_r(x_i); lin_r has no bias
    msg = x[src]
    agg = jax.ops.segment_sum(msg, dst, num_segments=N)
    deg = jax.ops.segment_sum(jnp.ones(src.shape[0], jnp.float32), dst, num_segments=N)
    mean = agg / jnp.clip(deg, 1.0)[:, None]
    return mean @ Wl.T + bl + x @ Wr.T


def setup_inputs(seed: int = 0) -> dict:
    key = jax.random.key(seed)
    ks = jax.random.split(key, 40)
    s = 0.05
    inp = {}
    inp["x"] = jax.random.normal(ks[0], (N, D), dtype=jnp.float32)
    inp["edge_index"] = jax.random.randint(ks[1], (2, E), 0, N)
    inp["W_in"] = jax.random.normal(ks[2], (D, D), dtype=jnp.float32) * s
    inp["b_in"] = jnp.zeros((D,), jnp.float32)
    k = 3
    for i in (1, 2, 3):
        inp[f"Wl{i}"] = jax.random.normal(ks[k], (D, D), dtype=jnp.float32) * s; k += 1
        inp[f"bl{i}"] = jnp.zeros((D,), jnp.float32)
        inp[f"Wr{i}"] = jax.random.normal(ks[k], (D, D), dtype=jnp.float32) * s; k += 1
        inp[f"a{i}"] = jnp.ones((D,), jnp.float32)
        inp[f"g{i}"] = jnp.ones((D,), jnp.float32)
        inp[f"be{i}"] = jnp.zeros((D,), jnp.float32)
    inp["W_out"] = jax.random.normal(ks[k], (D, D), dtype=jnp.float32) * s
    inp["b_out"] = jnp.zeros((D,), jnp.float32)
    return inp


def reference(x, edge_index, W_in, b_in,
              Wl1, bl1, Wr1, a1, g1, be1,
              Wl2, bl2, Wr2, a2, g2, be2,
              Wl3, bl3, Wr3, a3, g3, be3,
              W_out, b_out):
    src = edge_index[0]
    dst = edge_index[1]
    h = x @ W_in.T + b_in
    h = leaky(graph_norm(sage_conv(h, src, dst, Wl1, bl1, Wr1), a1, g1, be1))
    # dropout p=0.05 is identity in eval mode
    h = leaky(graph_norm(sage_conv(h, src, dst, Wl2, bl2, Wr2), a2, g2, be2))
    h = leaky(graph_norm(sage_conv(h, src, dst, Wl3, bl3, Wr3), a3, g3, be3))
    return h @ W_out.T + b_out

if __name__ == "__main__":
    import jax
    _d = setup_inputs()
    print(jax.jit(kernel)(*tuple(_d.values())))

</pallas_src>

<mosaic_0001>
#map = affine_map<(d0, d1) -> (0, 0)>
#map1 = affine_map<(d0, d1) -> (0, 0, 0)>
module attributes {stable_mosaic.version = 14 : i64} {
  func.func @_sc_deg_body(%arg0: i32, %arg1: i32, %arg2: memref<2560x128xi32, #tpu.memory_space<hbm>>, %arg3: memref<10240x128xf32, #tpu.memory_space<hbm>>, %arg4: memref<128x128xf32, #tpu.memory_space<hbm>>, %arg5: memref<2x10240x128xf32, #tpu.memory_space<hbm>>, %arg6: memref<80x128xi32, #tpu.memory_space<vmem>>, %arg7: memref<128x128xf32, #tpu.memory_space<vmem>>, %arg8: memref<10240x128xf32, #tpu.memory_space<vmem_shared>>, %arg9: memref<!tpu.dma_semaphore, #tpu.memory_space<semaphore_mem>>) attributes {dimension_semantics = [#tpu.dimension_semantics<core_parallel>, #tpu.dimension_semantics<subcore_parallel>], iteration_bounds = array<i64: 2, 16>, scalar_prefetch = 0 : i64, scratch_operands = 4 : i64, tpu.core_type = #tpu.core_type<sc_vector_subcore>, window_params = [{transform_indices = #map}, {transform_indices = #map}, {transform_indices = #map}, {transform_indices = #map1}]} {
    %mul3A = arith.constant 16 : i32
    %mul3A_0 = arith.muli %arg0, %mul3A : i32
    %add3A = arith.addi %mul3A_0, %arg1 : i32
    %mul3A_1 = arith.constant 640 : i32
    %mul3A_2 = arith.muli %arg1, %mul3A_1 : i32
    %mul3A_3 = arith.constant 640 : i32
    %mul3A_4 = arith.muli %arg1, %mul3A_3 : i32
    "tpu.region"() ({
      %run_scoped3A = tpu.sem_alloc : memref<!tpu.dma_semaphore, #tpu.memory_space<semaphore_mem>>
      %dma_start3A = arith.constant 0 : i32
      %dma_start3A_16 = tpu.memref_slice %arg8[%mul3A_4, %dma_start3A] : memref<10240x128xf32, #tpu.memory_space<vmem_shared>> -> memref<640x128xf32, #tpu.memory_space<vmem_shared>>
      %dma_start3A_17 = arith.constant 0 : i32
      %dma_start3A_18 = tpu.memref_slice %arg3[%mul3A_2, %dma_start3A_17] : memref<10240x128xf32, #tpu.memory_space<hbm>> -> memref<640x128xf32, #tpu.memory_space<hbm>>
      tpu.enqueue_dma source(%dma_start3A_18 : memref<640x128xf32, #tpu.memory_space<hbm>>) target(%dma_start3A_16 : memref<640x128xf32, #tpu.memory_space<vmem_shared>>) target_semaphore(%run_scoped3A : memref<!tpu.dma_semaphore, #tpu.memory_space<semaphore_mem>>)
      %dma_wait3A = arith.constant 0 : i32
      %dma_wait3A_19 = tpu.memref_slice %arg8[%mul3A_4, %dma_wait3A] : memref<10240x128xf32, #tpu.memory_space<vmem_shared>> -> memref<640x128xf32, #tpu.memory_space<vmem_shared>>
      %dma_wait3A_20 = arith.constant 0 : i32
      %dma_wait3A_21 = tpu.memref_slice %arg3[%mul3A_2, %dma_wait3A_20] : memref<10240x128xf32, #tpu.memory_space<hbm>> -> memref<640x128xf32, #tpu.memory_space<hbm>>
      tpu.wait_dma2 semaphore(%run_scoped3A : memref<!tpu.dma_semaphore, #tpu.memory_space<semaphore_mem>>) src(%dma_wait3A_21 : memref<640x128xf32, #tpu.memory_space<hbm>>) dst(%dma_wait3A_19 : memref<640x128xf32, #tpu.memory_space<vmem_shared>>)
      tpu.yield
    }) : () -> ()
    "tpu.region"() ({
      %run_scoped3A = tpu.sem_alloc : memref<!tpu.dma_semaphore, #tpu.memory_space<semaphore_mem>>
      tpu.enqueue_dma source(%arg4 : memref<128x128xf32, #tpu.memory_space<hbm>>) target(%arg7 : memref<128x128xf32, #tpu.memory_space<vmem>>) target_semaphore(%run_scoped3A : memref<!tpu.dma_semaphore, #tpu.memory_space<semaphore_mem>>)
      tpu.wait_dma2 semaphore(%run_scoped3A : memref<!tpu.dma_semaphore, #tpu.memory_space<semaphore_mem>>) src(%arg4 : memref<128x128xf32, #tpu.memory_space<hbm>>) dst(%arg7 : memref<128x128xf32, #tpu.memory_space<vmem>>)
      tpu.yield
    }) : () -> ()
    %mul3A_5 = arith.constant 80 : i32
    %mul3A_6 = arith.muli %add3A, %mul3A_5 : i32
    "tpu.region"() ({
      %run_scoped3A = tpu.sem_alloc : memref<!tpu.dma_semaphore, #tpu.memory_space<semaphore_mem>>
      %dma_start3A = arith.constant 0 : i32
      %dma_start3A_16 = tpu.memref_slice %arg2[%mul3A_6, %dma_start3A] : memref<2560x128xi32, #tpu.memory_space<hbm>> -> memref<80x128xi32, #tpu.memory_space<hbm>>
      %dma_start3A_17 = arith.constant 0 : i32
      %dma_start3A_18 = tpu.memref_slice %arg2[%mul3A_6, %dma_start3A_17] : memref<2560x128xi32, #tpu.memory_space<hbm>> -> memref<80x128xi32, #tpu.memory_space<hbm>>
      tpu.enqueue_dma source(%dma_start3A_18 : memref<80x128xi32, #tpu.memory_space<hbm>>) target(%arg6 : memref<80x128xi32, #tpu.memory_space<vmem>>) target_semaphore(%run_scoped3A : memref<!tpu.dma_semaphore, #tpu.memory_space<semaphore_mem>>)
      %dma_wait3A = arith.constant 0 : i32
      %dma_wait3A_19 = tpu.memref_slice %arg2[%mul3A_6, %dma_wait3A] : memref<2560x128xi32, #tpu.memory_space<hbm>> -> memref<80x128xi32, #tpu.memory_space<hbm>>
      %dma_wait3A_20 = arith.constant 0 : i32
      %dma_wait3A_21 = tpu.memref_slice %arg2[%mul3A_6, %dma_wait3A_20] : memref<2560x128xi32, #tpu.memory_space<hbm>> -> memref<80x128xi32, #tpu.memory_space<hbm>>
      tpu.wait_dma2 semaphore(%run_scoped3A : memref<!tpu.dma_semaphore, #tpu.memory_space<semaphore_mem>>) src(%dma_wait3A_21 : memref<80x128xi32, #tpu.memory_space<hbm>>) dst(%arg6 : memref<80x128xi32, #tpu.memory_space<vmem>>)
      tpu.yield
    }) : () -> ()
    %barrier3A = arith.constant 0 : index
    tpu.barrier barrier_id(%barrier3A)
    %scan3A = arith.constant 0 : i32
    %scan3A_7 = arith.constant 10 : i32
    %scan3A_8 = arith.addi %scan3A, %scan3A_7 : i32
    %scan3A_9 = arith.constant 1 : i32
    scf.for %scan3A_16 = %scan3A to %scan3A_8 step %scan3A_9  : i32 {
      %mul3A_17 = arith.constant 8 : i32
      %mul3A_18 = arith.muli %scan3A_16, %mul3A_17 : i32
      %add3A_19 = arith.constant 0 : i32
      %add3A_20 = arith.addi %add3A_19, %mul3A_18 : i32
      %add3A_21 = arith.constant 0 : i32
      %add3A_22 = arith.addi %add3A_20, %add3A_21 : i32
      %dma_start3A = arith.constant 0 : i32
      %dma_start3A_23 = tpu.memref_slice %arg6[%add3A_22, %dma_start3A] : memref<80x128xi32, #tpu.memory_space<vmem>> -> memref<1x128xi32, #tpu.memory_space<vmem>>
      %dma_start3A_24 = tpu.memref_squeeze %dma_start3A_23 : memref<1x128xi32, #tpu.memory_space<vmem>> -> memref<128xi32, #tpu.memory_space<vmem>>
      %dma_start3A_25 = arith.constant 0 : i32
      %dma_start3A_26 = arith.constant 0 : i32
      %dma_start3A_27 = tpu.memref_slice %arg8[%dma_start3A_25, %dma_start3A_26] : memref<10240x128xf32, #tpu.memory_space<vmem_shared>> -> memref<10240x128xf32, #tpu.memory_space<vmem_shared>>
      tpu.enqueue_indirect_dma source(%arg7 : memref<128x128xf32, #tpu.memory_space<vmem>>) target(%dma_start3A_27 : memref<10240x128xf32, #tpu.memory_space<vmem_shared>>) offsets(%dma_start3A_24 : memref<128xi32, #tpu.memory_space<vmem>>) semaphore(%arg9 : memref<!tpu.dma_semaphore, #tpu.memory_space<semaphore_mem>>) {add = true}
      %add3A_28 = arith.constant 1 : i32
      %add3A_29 = arith.addi %add3A_20, %add3A_28 : i32
      %dma_start3A_30 = arith.constant 0 : i32
      %dma_start3A_31 = tpu.memref_slice %arg6[%add3A_29, %dma_start3A_30] : memref<80x128xi32, #tpu.memory_space<vmem>> -> memref<1x128xi32, #tpu.memory_space<vmem>>
      %dma_start3A_32 = tpu.memref_squeeze %dma_start3A_31 : memref<1x128xi32, #tpu.memory_space<vmem>> -> memref<128xi32, #tpu.memory_space<vmem>>
      %dma_start3A_33 = arith.constant 0 : i32
      %dma_start3A_34 = arith.constant 0 : i32
      %dma_start3A_35 = tpu.memref_slice %arg8[%dma_start3A_33, %dma_start3A_34] : memref<10240x128xf32, #tpu.memory_space<vmem_shared>> -> memref<10240x128xf32, #tpu.memory_space<vmem_shared>>
      tpu.enqueue_indirect_dma source(%arg7 : memref<128x128xf32, #tpu.memory_space<vmem>>) target(%dma_start3A_35 : memref<10240x128xf32, #tpu.memory_space<vmem_shared>>) offsets(%dma_start3A_32 : memref<128xi32, #tpu.memory_space<vmem>>) semaphore(%arg9 : memref<!tpu.dma_semaphore, #tpu.memory_space<semaphore_mem>>) {add = true}
      %add3A_36 = arith.constant 2 : i32
      %add3A_37 = arith.addi %add3A_20, %add3A_36 : i32
      %dma_start3A_38 = arith.constant 0 : i32
      %dma_start3A_39 = tpu.memref_slice %arg6[%add3A_37, %dma_start3A_38] : memref<80x128xi32, #tpu.memory_space<vmem>> -> memref<1x128xi32, #tpu.memory_space<vmem>>
      %dma_start3A_40 = tpu.memref_squeeze %dma_start3A_39 : memref<1x128xi32, #tpu.memory_space<vmem>> -> memref<128xi32, #tpu.memory_space<vmem>>
      %dma_start3A_41 = arith.constant 0 : i32
      %dma_start3A_42 = arith.constant 0 : i32
      %dma_start3A_43 = tpu.memref_slice %arg8[%dma_start3A_41, %dma_start3A_42] : memref<10240x128xf32, #tpu.memory_space<vmem_shared>> -> memref<10240x128xf32, #tpu.memory_space<vmem_shared>>
      tpu.enqueue_indirect_dma source(%arg7 : memref<128x128xf32, #tpu.memory_space<vmem>>) target(%dma_start3A_43 : memref<10240x128xf32, #tpu.memory_space<vmem_shared>>) offsets(%dma_start3A_40 : memref<128xi32, #tpu.memory_space<vmem>>) semaphore(%arg9 : memref<!tpu.dma_semaphore, #tpu.memory_space<semaphore_mem>>) {add = true}
      %add3A_44 = arith.constant 3 : i32
      %add3A_45 = arith.addi %add3A_20, %add3A_44 : i32
      %dma_start3A_46 = arith.constant 0 : i32
      %dma_start3A_47 = tpu.memref_slice %arg6[%add3A_45, %dma_start3A_46] : memref<80x128xi32, #tpu.memory_space<vmem>> -> memref<1x128xi32, #tpu.memory_space<vmem>>
      %dma_start3A_48 = tpu.memref_squeeze %dma_start3A_47 : memref<1x128xi32, #tpu.memory_space<vmem>> -> memref<128xi32, #tpu.memory_space<vmem>>
      %dma_start3A_49 = arith.constant 0 : i32
      %dma_start3A_50 = arith.constant 0 : i32
      %dma_start3A_51 = tpu.memref_slice %arg8[%dma_start3A_49, %dma_start3A_50] : memref<10240x128xf32, #tpu.memory_space<vmem_shared>> -> memref<10240x128xf32, #tpu.memory_space<vmem_shared>>
      tpu.enqueue_indirect_dma source(%arg7 : memref<128x128xf32, #tpu.memory_space<vmem>>) target(%dma_start3A_51 : memref<10240x128xf32, #tpu.memory_space<vmem_shared>>) offsets(%dma_start3A_48 : memref<128xi32, #tpu.memory_space<vmem>>) semaphore(%arg9 : memref<!tpu.dma_semaphore, #tpu.memory_space<semaphore_mem>>) {add = true}
      %add3A_52 = arith.constant 4 : i32
      %add3A_53 = arith.addi %add3A_20, %add3A_52 : i32
      %dma_start3A_54 = arith.constant 0 : i32
      %dma_start3A_55 = tpu.memref_slice %arg6[%add3A_53, %dma_start3A_54] : memref<80x128xi32, #tpu.memory_space<vmem>> -> memref<1x128xi32, #tpu.memory_space<vmem>>
      %dma_start3A_56 = tpu.memref_squeeze %dma_start3A_55 : memref<1x128xi32, #tpu.memory_space<vmem>> -> memref<128xi32, #tpu.memory_space<vmem>>
      %dma_start3A_57 = arith.constant 0 : i32
      %dma_start3A_58 = arith.constant 0 : i32
      %dma_start3A_59 = tpu.memref_slice %arg8[%dma_start3A_57, %dma_start3A_58] : memref<10240x128xf32, #tpu.memory_space<vmem_shared>> -> memref<10240x128xf32, #tpu.memory_space<vmem_shared>>
      tpu.enqueue_indirect_dma source(%arg7 : memref<128x128xf32, #tpu.memory_space<vmem>>) target(%dma_start3A_59 : memref<10240x128xf32, #tpu.memory_space<vmem_shared>>) offsets(%dma_start3A_56 : memref<128xi32, #tpu.memory_space<vmem>>) semaphore(%arg9 : memref<!tpu.dma_semaphore, #tpu.memory_space<semaphore_mem>>) {add = true}
      %add3A_60 = arith.constant 5 : i32
      %add3A_61 = arith.addi %add3A_20, %add3A_60 : i32
      %dma_start3A_62 = arith.constant 0 : i32
      %dma_start3A_63 = tpu.memref_slice %arg6[%add3A_61, %dma_start3A_62] : memref<80x128xi32, #tpu.memory_space<vmem>> -> memref<1x128xi32, #tpu.memory_space<vmem>>
      %dma_start3A_64 = tpu.memref_squeeze %dma_start3A_63 : memref<1x128xi32, #tpu.memory_space<vmem>> -> memref<128xi32, #tpu.memory_space<vmem>>
      %dma_start3A_65 = arith.constant 0 : i32
      %dma_start3A_66 = arith.constant 0 : i32
      %dma_start3A_67 = tpu.memref_slice %arg8[%dma_start3A_65, %dma_start3A_66] : memref<10240x128xf32, #tpu.memory_space<vmem_shared>> -> memref<10240x128xf32, #tpu.memory_space<vmem_shared>>
      tpu.enqueue_indirect_dma source(%arg7 : memref<128x128xf32, #tpu.memory_space<vmem>>) target(%dma_start3A_67 : memref<10240x128xf32, #tpu.memory_space<vmem_shared>>) offsets(%dma_start3A_64 : memref<128xi32, #tpu.memory_space<vmem>>) semaphore(%arg9 : memref<!tpu.dma_semaphore, #tpu.memory_space<semaphore_mem>>) {add = true}
      %add3A_68 = arith.constant 6 : i32
      %add3A_69 = arith.addi %add3A_20, %add3A_68 : i32
      %dma_start3A_70 = arith.constant 0 : i32
      %dma_start3A_71 = tpu.memref_slice %arg6[%add3A_69, %dma_start3A_70] : memref<80x128xi32, #tpu.memory_space<vmem>> -> memref<1x128xi32, #tpu.memory_space<vmem>>
      %dma_start3A_72 = tpu.memref_squeeze %dma_start3A_71 : memref<1x128xi32, #tpu.memory_space<vmem>> -> memref<128xi32, #tpu.memory_space<vmem>>
      %dma_start3A_73 = arith.constant 0 : i32
      %dma_start3A_74 = arith.constant 0 : i32
      %dma_start3A_75 = tpu.memref_slice %arg8[%dma_start3A_73, %dma_start3A_74] : memref<10240x128xf32, #tpu.memory_space<vmem_shared>> -> memref<10240x128xf32, #tpu.memory_space<vmem_shared>>
      tpu.enqueue_indirect_dma source(%arg7 : memref<128x128xf32, #tpu.memory_space<vmem>>) target(%dma_start3A_75 : memref<10240x128xf32, #tpu.memory_space<vmem_shared>>) offsets(%dma_start3A_72 : memref<128xi32, #tpu.memory_space<vmem>>) semaphore(%arg9 : memref<!tpu.dma_semaphore, #tpu.memory_space<semaphore_mem>>) {add = true}
      %add3A_76 = arith.constant 7 : i32
      %add3A_77 = arith.addi %add3A_20, %add3A_76 : i32
      %dma_start3A_78 = arith.constant 0 : i32
      %dma_start3A_79 = tpu.memref_slice %arg6[%add3A_77, %dma_start3A_78] : memref<80x128xi32, #tpu.memory_space<vmem>> -> memref<1x128xi32, #tpu.memory_space<vmem>>
      %dma_start3A_80 = tpu.memref_squeeze %dma_start3A_79 : memref<1x128xi32, #tpu.memory_space<vmem>> -> memref<128xi32, #tpu.memory_space<vmem>>
      %dma_start3A_81 = arith.constant 0 : i32
      %dma_start3A_82 = arith.constant 0 : i32
      %dma_start3A_83 = tpu.memref_slice %arg8[%dma_start3A_81, %dma_start3A_82] : memref<10240x128xf32, #tpu.memory_space<vmem_shared>> -> memref<10240x128xf32, #tpu.memory_space<vmem_shared>>
      tpu.enqueue_indirect_dma source(%arg7 : memref<128x128xf32, #tpu.memory_space<vmem>>) target(%dma_start3A_83 : memref<10240x128xf32, #tpu.memory_space<vmem_shared>>) offsets(%dma_start3A_80 : memref<128xi32, #tpu.memory_space<vmem>>) semaphore(%arg9 : memref<!tpu.dma_semaphore, #tpu.memory_space<semaphore_mem>>) {add = true}
      %add3A_84 = arith.constant 0 : i32
      %add3A_85 = arith.addi %add3A_20, %add3A_84 : i32
      %dma_wait3A = arith.constant 0 : i32
      %dma_wait3A_86 = tpu.memref_slice %arg6[%add3A_85, %dma_wait3A] : memref<80x128xi32, #tpu.memory_space<vmem>> -> memref<1x128xi32, #tpu.memory_space<vmem>>
      %dma_wait3A_87 = tpu.memref_squeeze %dma_wait3A_86 : memref<1x128xi32, #tpu.memory_space<vmem>> -> memref<128xi32, #tpu.memory_space<vmem>>
      %dma_wait3A_88 = arith.constant 0 : i32
      %dma_wait3A_89 = arith.constant 0 : i32
      %dma_wait3A_90 = tpu.memref_slice %arg8[%dma_wait3A_88, %dma_wait3A_89] : memref<10240x128xf32, #tpu.memory_space<vmem_shared>> -> memref<10240x128xf32, #tpu.memory_space<vmem_shared>>
      tpu.wait_indirect_dma semaphore(%arg9 : memref<!tpu.dma_semaphore, #tpu.memory_space<semaphore_mem>>) src(%arg7 : memref<128x128xf32, #tpu.memory_space<vmem>>) dst(%dma_wait3A_90 : memref<10240x128xf32, #tpu.memory_space<vmem_shared>>)
      %add3A_91 = arith.constant 1 : i32
      %add3A_92 = arith.addi %add3A_20, %add3A_91 : i32
      %dma_wait3A_93 = arith.constant 0 : i32
      %dma_wait3A_94 = tpu.memref_slice %arg6[%add3A_92, %dma_wait3A_93] : memref<80x128xi32, #tpu.memory_space<vmem>> -> memref<1x128xi32, #tpu.memory_space<vmem>>
      %dma_wait3A_95 = tpu.memref_squeeze %dma_wait3A_94 : memref<1x128xi32, #tpu.memory_space<vmem>> -> memref<128xi32, #tpu.memory_space<vmem>>
      %dma_wait3A_96 = arith.constant 0 : i32
      %dma_wait3A_97 = arith.constant 0 : i32
      %dma_wait3A_98 = tpu.memref_slice %arg8[%dma_wait3A_96, %dma_wait3A_97] : memref<10240x128xf32, #tpu.memory_space<vmem_shared>> -> memref<10240x128xf32, #tpu.memory_space<vmem_shared>>
      tpu.wait_indirect_dma semaphore(%arg9 : memref<!tpu.dma_semaphore, #tpu.memory_space<semaphore_mem>>) src(%arg7 : memref<128x128xf32, #tpu.memory_space<vmem>>) dst(%dma_wait3A_98 : memref<10240x128xf32, #tpu.memory_space<vmem_shared>>)
      %add3A_99 = arith.constant 2 : i32
      %add3A_100 = arith.addi %add3A_20, %add3A_99 : i32
      %dma_wait3A_101 = arith.constant 0 : i32
      %dma_wait3A_102 = tpu.memref_slice %arg6[%add3A_100, %dma_wait3A_101] : memref<80x128xi32, #tpu.memory_space<vmem>> -> memref<1x128xi32, #tpu.memory_space<vmem>>
      %dma_wait3A_103 = tpu.memref_squeeze %dma_wait3A_102 : memref<1x128xi32, #tpu.memory_space<vmem>> -> memref<128xi32, #tpu.memory_space<vmem>>
      %dma_wait3A_104 = arith.constant 0 : i32
      %dma_wait3A_105 = arith.constant 0 : i32
      %dma_wait3A_106 = tpu.memref_slice %arg8[%dma_wait3A_104, %dma_wait3A_105] : memref<10240x128xf32, #tpu.memory_space<vmem_shared>> -> memref<10240x128xf32, #tpu.memory_space<vmem_shared>>
      tpu.wait_indirect_dma semaphore(%arg9 : memref<!tpu.dma_semaphore, #tpu.memory_space<semaphore_mem>>) src(%arg7 : memref<128x128xf32, #tpu.memory_space<vmem>>) dst(%dma_wait3A_106 : memref<10240x128xf32, #tpu.memory_space<vmem_shared>>)
      %add3A_107 = arith.constant 3 : i32
      %add3A_108 = arith.addi %add3A_20, %add3A_107 : i32
      %dma_wait3A_109 = arith.constant 0 : i32
      %dma_wait3A_110 = tpu.memref_slice %arg6[%add3A_108, %dma_wait3A_109] : memref<80x128xi32, #tpu.memory_space<vmem>> -> memref<1x128xi32, #tpu.memory_space<vmem>>
      %dma_wait3A_111 = tpu.memref_squeeze %dma_wait3A_110 : memref<1x128xi32, #tpu.memory_space<vmem>> -> memref<128xi32, #tpu.memory_space<vmem>>
      %dma_wait3A_112 = arith.constant 0 : i32
      %dma_wait3A_113 = arith.constant 0 : i32
      %dma_wait3A_114 = tpu.memref_slice %arg8[%dma_wait3A_112, %dma_wait3A_113] : memref<10240x128xf32, #tpu.memory_space<vmem_shared>> -> memref<10240x128xf32, #tpu.memory_space<vmem_shared>>
      tpu.wait_indirect_dma semaphore(%arg9 : memref<!tpu.dma_semaphore, #tpu.memory_space<semaphore_mem>>) src(%arg7 : memref<128x128xf32, #tpu.memory_space<vmem>>) dst(%dma_wait3A_114 : memref<10240x128xf32, #tpu.memory_space<vmem_shared>>)
      %add3A_115 = arith.constant 4 : i32
      %add3A_116 = arith.addi %add3A_20, %add3A_115 : i32
      %dma_wait3A_117 = arith.constant 0 : i32
      %dma_wait3A_118 = tpu.memref_slice %arg6[%add3A_116, %dma_wait3A_117] : memref<80x128xi32, #tpu.memory_space<vmem>> -> memref<1x128xi32, #tpu.memory_space<vmem>>
      %dma_wait3A_119 = tpu.memref_squeeze %dma_wait3A_118 : memref<1x128xi32, #tpu.memory_space<vmem>> -> memref<128xi32, #tpu.memory_space<vmem>>
      %dma_wait3A_120 = arith.constant 0 : i32
      %dma_wait3A_121 = arith.constant 0 : i32
      %dma_wait3A_122 = tpu.memref_slice %arg8[%dma_wait3A_120, %dma_wait3A_121] : memref<10240x128xf32, #tpu.memory_space<vmem_shared>> -> memref<10240x128xf32, #tpu.memory_space<vmem_shared>>
      tpu.wait_indirect_dma semaphore(%arg9 : memref<!tpu.dma_semaphore, #tpu.memory_space<semaphore_mem>>) src(%arg7 : memref<128x128xf32, #tpu.memory_space<vmem>>) dst(%dma_wait3A_122 : memref<10240x128xf32, #tpu.memory_space<vmem_shared>>)
      %add3A_123 = arith.constant 5 : i32
      %add3A_124 = arith.addi %add3A_20, %add3A_123 : i32
      %dma_wait3A_125 = arith.constant 0 : i32
      %dma_wait3A_126 = tpu.memref_slice %arg6[%add3A_124, %dma_wait3A_125] : memref<80x128xi32, #tpu.memory_space<vmem>> -> memref<1x128xi32, #tpu.memory_space<vmem>>
      %dma_wait3A_127 = tpu.memref_squeeze %dma_wait3A_126 : memref<1x128xi32, #tpu.memory_space<vmem>> -> memref<128xi32, #tpu.memory_space<vmem>>
      %dma_wait3A_128 = arith.constant 0 : i32
      %dma_wait3A_129 = arith.constant 0 : i32
      %dma_wait3A_130 = tpu.memref_slice %arg8[%dma_wait3A_128, %dma_wait3A_129] : memref<10240x128xf32, #tpu.memory_space<vmem_shared>> -> memref<10240x128xf32, #tpu.memory_space<vmem_shared>>
      tpu.wait_indirect_dma semaphore(%arg9 : memref<!tpu.dma_semaphore, #tpu.memory_space<semaphore_mem>>) src(%arg7 : memref<128x128xf32, #tpu.memory_space<vmem>>) dst(%dma_wait3A_130 : memref<10240x128xf32, #tpu.memory_space<vmem_shared>>)
      %add3A_131 = arith.constant 6 : i32
      %add3A_132 = arith.addi %add3A_20, %add3A_131 : i32
      %dma_wait3A_133 = arith.constant 0 : i32
      %dma_wait3A_134 = tpu.memref_slice %arg6[%add3A_132, %dma_wait3A_133] : memref<80x128xi32, #tpu.memory_space<vmem>> -> memref<1x128xi32, #tpu.memory_space<vmem>>
      %dma_wait3A_135 = tpu.memref_squeeze %dma_wait3A_134 : memref<1x128xi32, #tpu.memory_space<vmem>> -> memref<128xi32, #tpu.memory_space<vmem>>
      %dma_wait3A_136 = arith.constant 0 : i32
      %dma_wait3A_137 = arith.constant 0 : i32
      %dma_wait3A_138 = tpu.memref_slice %arg8[%dma_wait3A_136, %dma_wait3A_137] : memref<10240x128xf32, #tpu.memory_space<vmem_shared>> -> memref<10240x128xf32, #tpu.memory_space<vmem_shared>>
      tpu.wait_indirect_dma semaphore(%arg9 : memref<!tpu.dma_semaphore, #tpu.memory_space<semaphore_mem>>) src(%arg7 : memref<128x128xf32, #tpu.memory_space<vmem>>) dst(%dma_wait3A_138 : memref<10240x128xf32, #tpu.memory_space<vmem_shared>>)
      %add3A_139 = arith.constant 7 : i32
      %add3A_140 = arith.addi %add3A_20, %add3A_139 : i32
      %dma_wait3A_141 = arith.constant 0 : i32
      %dma_wait3A_142 = tpu.memref_slice %arg6[%add3A_140, %dma_wait3A_141] : memref<80x128xi32, #tpu.memory_space<vmem>> -> memref<1x128xi32, #tpu.memory_space<vmem>>
      %dma_wait3A_143 = tpu.memref_squeeze %dma_wait3A_142 : memref<1x128xi32, #tpu.memory_space<vmem>> -> memref<128xi32, #tpu.memory_space<vmem>>
      %dma_wait3A_144 = arith.constant 0 : i32
      %dma_wait3A_145 = arith.constant 0 : i32
      %dma_wait3A_146 = tpu.memref_slice %arg8[%dma_wait3A_144, %dma_wait3A_145] : memref<10240x128xf32, #tpu.memory_space<vmem_shared>> -> memref<10240x128xf32, #tpu.memory_space<vmem_shared>>
      tpu.wait_indirect_dma semaphore(%arg9 : memref<!tpu.dma_semaphore, #tpu.memory_space<semaphore_mem>>) src(%arg7 : memref<128x128xf32, #tpu.memory_space<vmem>>) dst(%dma_wait3A_146 : memref<10240x128xf32, #tpu.memory_space<vmem_shared>>)
    }
    %scan3A_10 = arith.constant 10 : i32
    %barrier3A_11 = arith.constant 0 : index
    tpu.barrier barrier_id(%barrier3A_11)
    %mul3A_12 = arith.constant 640 : i32
    %mul3A_13 = arith.muli %arg1, %mul3A_12 : i32
    %mul3A_14 = arith.constant 640 : i32
    %mul3A_15 = arith.muli %arg1, %mul3A_14 : i32
    "tpu.region"() ({
      %run_scoped3A = tpu.sem_alloc : memref<!tpu.dma_semaphore, #tpu.memory_space<semaphore_mem>>
      %dma_start3A = arith.constant 0 : i32
      %dma_start3A_16 = tpu.memref_slice %arg5[%arg0, %mul3A_15, %dma_start3A] : memref<2x10240x128xf32, #tpu.memory_space<hbm>> -> memref<1x640x128xf32, #tpu.memory_space<hbm>>
      %dma_start3A_17 = tpu.memref_squeeze %dma_start3A_16 : memref<1x640x128xf32, #tpu.memory_space<hbm>> -> memref<640x128xf32, #tpu.memory_space<hbm>>
      %dma_start3A_18 = arith.constant 0 : i32
      %dma_start3A_19 = tpu.memref_slice %arg8[%mul3A_13, %dma_start3A_18] : memref<10240x128xf32, #tpu.memory_space<vmem_shared>> -> memref<640x128xf32, #tpu.memory_space<vmem_shared>>
      tpu.enqueue_dma source(%dma_start3A_19 : memref<640x128xf32, #tpu.memory_space<vmem_shared>>) target(%dma_start3A_17 : memref<640x128xf32, #tpu.memory_space<hbm>>) target_semaphore(%run_scoped3A : memref<!tpu.dma_semaphore, #tpu.memory_space<semaphore_mem>>)
      %dma_wait3A = arith.constant 0 : i32
      %dma_wait3A_20 = tpu.memref_slice %arg5[%arg0, %mul3A_15, %dma_wait3A] : memref<2x10240x128xf32, #tpu.memory_space<hbm>> -> memref<1x640x128xf32, #tpu.memory_space<hbm>>
      %dma_wait3A_21 = tpu.memref_squeeze %dma_wait3A_20 : memref<1x640x128xf32, #tpu.memory_space<hbm>> -> memref<640x128xf32, #tpu.memory_space<hbm>>
      %dma_wait3A_22 = arith.constant 0 : i32
      %dma_wait3A_23 = tpu.memref_slice %arg8[%mul3A_13, %dma_wait3A_22] : memref<10240x128xf32, #tpu.memory_space<vmem_shared>> -> memref<640x128xf32, #tpu.memory_space<vmem_shared>>
      tpu.wait_dma2 semaphore(%run_scoped3A : memref<!tpu.dma_semaphore, #tpu.memory_space<semaphore_mem>>) src(%dma_wait3A_23 : memref<640x128xf32, #tpu.memory_space<vmem_shared>>) dst(%dma_wait3A_21 : memref<640x128xf32, #tpu.memory_space<hbm>>)
      tpu.yield
    }) : () -> ()
    return
  }
}

#map = affine_map<(d0, d1) -> (0, 0)>
#map1 = affine_map<(d0, d1) -> (0, 0, 0)>
module attributes {stable_mosaic.version = 14 : i64} {
  func.func @_sc_agg_body(%arg0: i32, %arg1: i32, %arg2: memref<10000x128xf32, #tpu.memory_space<hbm>>, %arg3: memref<2560x128xi32, #tpu.memory_space<hbm>>, %arg4: memref<2560x128xi32, #tpu.memory_space<hbm>>, %arg5: memref<2x10240x128xf32, #tpu.memory_space<hbm>>, %arg6: memref<40x128xi32, #tpu.memory_space<vmem>>, %arg7: memref<40x128xi32, #tpu.memory_space<vmem>>, %arg8: memref<128x128xf32, #tpu.memory_space<vmem>>, %arg9: memref<128x128xf32, #tpu.memory_space<vmem>>, %arg10: memref<10240x128xf32, #tpu.memory_space<vmem_shared>>, %arg11: memref<!tpu.dma_semaphore, #tpu.memory_space<semaphore_mem>>, %arg12: memref<!tpu.dma_semaphore, #tpu.memory_space<semaphore_mem>>, %arg13: memref<!tpu.dma_semaphore, #tpu.memory_space<semaphore_mem>>, %arg14: memref<!tpu.dma_semaphore, #tpu.memory_space<semaphore_mem>>) attributes {dimension_semantics = [#tpu.dimension_semantics<core_parallel>, #tpu.dimension_semantics<subcore_parallel>], iteration_bounds = array<i64: 2, 16>, scalar_prefetch = 0 : i64, scratch_operands = 9 : i64, tpu.core_type = #tpu.core_type<sc_vector_subcore>, window_params = [{transform_indices = #map}, {transform_indices = #map}, {transform_indices = #map}, {transform_indices = #map1}]} {
    %mul3A = arith.constant 16 : i32
    %mul3A_0 = arith.muli %arg0, %mul3A : i32
    %add3A = arith.addi %mul3A_0, %arg1 : i32
    %scan3A = arith.constant 0 : i32
    %scan3A_1 = arith.constant 128 : i32
    %scan3A_2 = arith.addi %scan3A, %scan3A_1 : i32
    %scan3A_3 = arith.constant 1 : i32
    scf.for %scan3A_95 = %scan3A to %scan3A_2 step %scan3A_3  : i32 {
      %mul3A_96 = arith.constant 1 : i32
      %mul3A_97 = arith.muli %scan3A_95, %mul3A_96 : i32
      %add3A_98 = arith.constant 0 : i32
      %add3A_99 = arith.addi %add3A_98, %mul3A_97 : i32
      %scan3A_100 = arith.constant 0 : i32
      %scan3A_101 = arith.constant 8 : i32
      %scan3A_102 = arith.addi %scan3A_100, %scan3A_101 : i32
      %scan3A_103 = arith.constant 1 : i32
      scf.for %scan3A_105 = %scan3A_100 to %scan3A_102 step %scan3A_103  : i32 {
        %mul3A_106 = arith.constant 1 : i32
        %mul3A_107 = arith.muli %scan3A_105, %mul3A_106 : i32
        %add3A_108 = arith.constant 0 : i32
        %add3A_109 = arith.addi %add3A_108, %mul3A_107 : i32
        %broadcast_in_dim3A = arith.constant 0.000000e+00 : f32
        %broadcast_in_dim3A_110 = vector.broadcast %broadcast_in_dim3A : f32 to vector<16xf32>
        %mul3A_111 = arith.constant 16 : i32
        %mul3A_112 = arith.muli %add3A_109, %mul3A_111 : i32
        %swap3A = arith.index_cast %add3A_99 : i32 to index
        %swap3A_113 = arith.index_cast %mul3A_112 : i32 to index
        %swap3A_114 = tpu.vector_load %arg8[%swap3A, %swap3A_113] {strides = array<i32>} : memref<128x128xf32, #tpu.memory_space<vmem>>, vector<1x16xf32>,
        %swap3A_115 = vector.shape_cast %swap3A_114 : vector<1x16xf32> to vector<16xf32>
        %swap3A_116 = vector.shape_cast %broadcast_in_dim3A_110 : vector<16xf32> to vector<1x16xf32>
        tpu.vector_store %arg8[%swap3A, %swap3A_113], %swap3A_116 {strides = array<i32>} : memref<128x128xf32, #tpu.memory_space<vmem>>, vector<1x16xf32>,
      }
      %scan3A_104 = arith.constant 8 : i32
    }
    %scan3A_4 = arith.constant 128 : i32
    %mul3A_5 = arith.constant 640 : i32
    %mul3A_6 = arith.muli %arg1, %mul3A_5 : i32
    %add3A_7 = arith.constant 0 : i32
    %add3A_8 = arith.addi %mul3A_6, %add3A_7 : i32
    %dma_start3A = arith.constant 0 : i32
    %dma_start3A_9 = tpu.memref_slice %arg10[%add3A_8, %dma_start3A] : memref<10240x128xf32, #tpu.memory_space<vmem_shared>> -> memref<128x128xf32, #tpu.memory_space<vmem_shared>>
    %dma_start3A_10 = arith.constant 0 : i32
    %dma_start3A_11 = tpu.memref_slice %arg10[%add3A_8, %dma_start3A_10] : memref<10240x128xf32, #tpu.memory_space<vmem_shared>> -> memref<128x128xf32, #tpu.memory_space<vmem_shared>>
    tpu.enqueue_dma source(%arg8 : memref<128x128xf32, #tpu.memory_space<vmem>>) target(%dma_start3A_11 : memref<128x128xf32, #tpu.memory_space<vmem_shared>>) target_semaphore(%arg13 : memref<!tpu.dma_semaphore, #tpu.memory_space<semaphore_mem>>)
    %mul3A_12 = arith.constant 640 : i32
    %mul3A_13 = arith.muli %arg1, %mul3A_12 : i32
    %add3A_14 = arith.constant 128 : i32
    %add3A_15 = arith.addi %mul3A_13, %add3A_14 : i32
    %dma_start3A_16 = arith.constant 0 : i32
    %dma_start3A_17 = tpu.memref_slice %arg10[%add3A_15, %dma_start3A_16] : memref<10240x128xf32, #tpu.memory_space<vmem_shared>> -> memref<128x128xf32, #tpu.memory_space<vmem_shared>>
    %dma_start3A_18 = arith.constant 0 : i32
    %dma_start3A_19 = tpu.memref_slice %arg10[%add3A_15, %dma_start3A_18] : memref<10240x128xf32, #tpu.memory_space<vmem_shared>> -> memref<128x128xf32, #tpu.memory_space<vmem_shared>>
    tpu.enqueue_dma source(%arg8 : memref<128x128xf32, #tpu.memory_space<vmem>>) target(%dma_start3A_19 : memref<128x128xf32, #tpu.memory_space<vmem_shared>>) target_semaphore(%arg13 : memref<!tpu.dma_semaphore, #tpu.memory_space<semaphore_mem>>)
    %mul3A_20 = arith.constant 640 : i32
    %mul3A_21 = arith.muli %arg1, %mul3A_20 : i32
    %add3A_22 = arith.constant 256 : i32
    %add3A_23 = arith.addi %mul3A_21, %add3A_22 : i32
    %dma_start3A_24 = arith.constant 0 : i32
    %dma_start3A_25 = tpu.memref_slice %arg10[%add3A_23, %dma_start3A_24] : memref<10240x128xf32, #tpu.memory_space<vmem_shared>> -> memref<128x128xf32, #tpu.memory_space<vmem_shared>>
    %dma_start3A_26 = arith.constant 0 : i32
    %dma_start3A_27 = tpu.memref_slice %arg10[%add3A_23, %dma_start3A_26] : memref<10240x128xf32, #tpu.memory_space<vmem_shared>> -> memref<128x128xf32, #tpu.memory_space<vmem_shared>>
    tpu.enqueue_dma source(%arg8 : memref<128x128xf32, #tpu.memory_space<vmem>>) target(%dma_start3A_27 : memref<128x128xf32, #tpu.memory_space<vmem_shared>>) target_semaphore(%arg13 : memref<!tpu.dma_semaphore, #tpu.memory_space<semaphore_mem>>)
    %mul3A_28 = arith.constant 640 : i32
    %mul3A_29 = arith.muli %arg1, %mul3A_28 : i32
    %add3A_30 = arith.constant 384 : i32
    %add3A_31 = arith.addi %mul3A_29, %add3A_30 : i32
    %dma_start3A_32 = arith.constant 0 : i32
    %dma_start3A_33 = tpu.memref_slice %arg10[%add3A_31, %dma_start3A_32] : memref<10240x128xf32, #tpu.memory_space<vmem_shared>> -> memref<128x128xf32, #tpu.memory_space<vmem_shared>>
    %dma_start3A_34 = arith.constant 0 : i32
    %dma_start3A_35 = tpu.memref_slice %arg10[%add3A_31, %dma_start3A_34] : memref<10240x128xf32, #tpu.memory_space<vmem_shared>> -> memref<128x128xf32, #tpu.memory_space<vmem_shared>>
    tpu.enqueue_dma source(%arg8 : memref<128x128xf32, #tpu.memory_space<vmem>>) target(%dma_start3A_35 : memref<128x128xf32, #tpu.memory_space<vmem_shared>>) target_semaphore(%arg13 : memref<!tpu.dma_semaphore, #tpu.memory_space<semaphore_mem>>)
    %mul3A_36 = arith.constant 640 : i32
    %mul3A_37 = arith.muli %arg1, %mul3A_36 : i32
    %add3A_38 = arith.constant 512 : i32
    %add3A_39 = arith.addi %mul3A_37, %add3A_38 : i32
    %dma_start3A_40 = arith.constant 0 : i32
    %dma_start3A_41 = tpu.memref_slice %arg10[%add3A_39, %dma_start3A_40] : memref<10240x128xf32, #tpu.memory_space<vmem_shared>> -> memref<128x128xf32, #tpu.memory_space<vmem_shared>>
    %dma_start3A_42 = arith.constant 0 : i32
    %dma_start3A_43 = tpu.memref_slice %arg10[%add3A_39, %dma_start3A_42] : memref<10240x128xf32, #tpu.memory_space<vmem_shared>> -> memref<128x128xf32, #tpu.memory_space<vmem_shared>>
    tpu.enqueue_dma source(%arg8 : memref<128x128xf32, #tpu.memory_space<vmem>>) target(%dma_start3A_43 : memref<128x128xf32, #tpu.memory_space<vmem_shared>>) target_semaphore(%arg13 : memref<!tpu.dma_semaphore, #tpu.memory_space<semaphore_mem>>)
    %mul3A_44 = arith.constant 640 : i32
    %mul3A_45 = arith.muli %arg1, %mul3A_44 : i32
    %add3A_46 = arith.constant 0 : i32
    %add3A_47 = arith.addi %mul3A_45, %add3A_46 : i32
    %dma_wait3A = arith.constant 0 : i32
    %dma_wait3A_48 = tpu.memref_slice %arg10[%add3A_47, %dma_wait3A] : memref<10240x128xf32, #tpu.memory_space<vmem_shared>> -> memref<128x128xf32, #tpu.memory_space<vmem_shared>>
    %dma_wait3A_49 = arith.constant 0 : i32
    %dma_wait3A_50 = tpu.memref_slice %arg10[%add3A_47, %dma_wait3A_49] : memref<10240x128xf32, #tpu.memory_space<vmem_shared>> -> memref<128x128xf32, #tpu.memory_space<vmem_shared>>
    tpu.wait_dma2 semaphore(%arg13 : memref<!tpu.dma_semaphore, #tpu.memory_space<semaphore_mem>>) src(%arg8 : memref<128x128xf32, #tpu.memory_space<vmem>>) dst(%dma_wait3A_50 : memref<128x128xf32, #tpu.memory_space<vmem_shared>>)
    %mul3A_51 = arith.constant 640 : i32
    %mul3A_52 = arith.muli %arg1, %mul3A_51 : i32
    %add3A_53 = arith.constant 128 : i32
    %add3A_54 = arith.addi %mul3A_52, %add3A_53 : i32
    %dma_wait3A_55 = arith.constant 0 : i32
    %dma_wait3A_56 = tpu.memref_slice %arg10[%add3A_54, %dma_wait3A_55] : memref<10240x128xf32, #tpu.memory_space<vmem_shared>> -> memref<128x128xf32, #tpu.memory_space<vmem_shared>>
    %dma_wait3A_57 = arith.constant 0 : i32
    %dma_wait3A_58 = tpu.memref_slice %arg10[%add3A_54, %dma_wait3A_57] : memref<10240x128xf32, #tpu.memory_space<vmem_shared>> -> memref<128x128xf32, #tpu.memory_space<vmem_shared>>
    tpu.wait_dma2 semaphore(%arg13 : memref<!tpu.dma_semaphore, #tpu.memory_space<semaphore_mem>>) src(%arg8 : memref<128x128xf32, #tpu.memory_space<vmem>>) dst(%dma_wait3A_58 : memref<128x128xf32, #tpu.memory_space<vmem_shared>>)
    %mul3A_59 = arith.constant 640 : i32
    %mul3A_60 = arith.muli %arg1, %mul3A_59 : i32
    %add3A_61 = arith.constant 256 : i32
    %add3A_62 = arith.addi %mul3A_60, %add3A_61 : i32
    %dma_wait3A_63 = arith.constant 0 : i32
    %dma_wait3A_64 = tpu.memref_slice %arg10[%add3A_62, %dma_wait3A_63] : memref<10240x128xf32, #tpu.memory_space<vmem_shared>> -> memref<128x128xf32, #tpu.memory_space<vmem_shared>>
    %dma_wait3A_65 = arith.constant 0 : i32
    %dma_wait3A_66 = tpu.memref_slice %arg10[%add3A_62, %dma_wait3A_65] : memref<10240x128xf32, #tpu.memory_space<vmem_shared>> -> memref<128x128xf32, #tpu.memory_space<vmem_shared>>
    tpu.wait_dma2 semaphore(%arg13 : memref<!tpu.dma_semaphore, #tpu.memory_space<semaphore_mem>>) src(%arg8 : memref<128x128xf32, #tpu.memory_space<vmem>>) dst(%dma_wait3A_66 : memref<128x128xf32, #tpu.memory_space<vmem_shared>>)
    %mul3A_67 = arith.constant 640 : i32
    %mul3A_68 = arith.muli %arg1, %mul3A_67 : i32
    %add3A_69 = arith.constant 384 : i32
    %add3A_70 = arith.addi %mul3A_68, %add3A_69 : i32
    %dma_wait3A_71 = arith.constant 0 : i32
    %dma_wait3A_72 = tpu.memref_slice %arg10[%add3A_70, %dma_wait3A_71] : memref<10240x128xf32, #tpu.memory_space<vmem_shared>> -> memref<128x128xf32, #tpu.memory_space<vmem_shared>>
    %dma_wait3A_73 = arith.constant 0 : i32
    %dma_wait3A_74 = tpu.memref_slice %arg10[%add3A_70, %dma_wait3A_73] : memref<10240x128xf32, #tpu.memory_space<vmem_shared>> -> memref<128x128xf32, #tpu.memory_space<vmem_shared>>
    tpu.wait_dma2 semaphore(%arg13 : memref<!tpu.dma_semaphore, #tpu.memory_space<semaphore_mem>>) src(%arg8 : memref<128x128xf32, #tpu.memory_space<vmem>>) dst(%dma_wait3A_74 : memref<128x128xf32, #tpu.memory_space<vmem_shared>>)
    %mul3A_75 = arith.constant 640 : i32
    %mul3A_76 = arith.muli %arg1, %mul3A_75 : i32
    %add3A_77 = arith.constant 512 : i32
    %add3A_78 = arith.addi %mul3A_76, %add3A_77 : i32
    %dma_wait3A_79 = arith.constant 0 : i32
    %dma_wait3A_80 = tpu.memref_slice %arg10[%add3A_78, %dma_wait3A_79] : memref<10240x128xf32, #tpu.memory_space<vmem_shared>> -> memref<128x128xf32, #tpu.memory_space<vmem_shared>>
    %dma_wait3A_81 = arith.constant 0 : i32
    %dma_wait3A_82 = tpu.memref_slice %arg10[%add3A_78, %dma_wait3A_81] : memref<10240x128xf32, #tpu.memory_space<vmem_shared>> -> memref<128x128xf32, #tpu.memory_space<vmem_shared>>
    tpu.wait_dma2 semaphore(%arg13 : memref<!tpu.dma_semaphore, #tpu.memory_space<semaphore_mem>>) src(%arg8 : memref<128x128xf32, #tpu.memory_space<vmem>>) dst(%dma_wait3A_82 : memref<128x128xf32, #tpu.memory_space<vmem_shared>>)
    %mul3A_83 = arith.constant 80 : i32
    %mul3A_84 = arith.muli %add3A, %mul3A_83 : i32
    %barrier3A = arith.constant 0 : index
    tpu.barrier barrier_id(%barrier3A)
    %scan3A_85 = arith.constant 0 : i32
    %scan3A_86 = arith.constant 2 : i32
    %scan3A_87 = arith.addi %scan3A_85, %scan3A_86 : i32
    %scan3A_88 = arith.constant 1 : i32
    scf.for %scan3A_95 = %scan3A_85 to %scan3A_87 step %scan3A_88  : i32 {
      %mul3A_96 = arith.constant 1 : i32
      %mul3A_97 = arith.muli %scan3A_95, %mul3A_96 : i32
      %add3A_98 = arith.constant 0 : i32
      %add3A_99 = arith.addi %add3A_98, %mul3A_97 : i32
      %mul3A_100 = arith.constant 40 : i32
      %mul3A_101 = arith.muli %add3A_99, %mul3A_100 : i32
      %add3A_102 = arith.addi %mul3A_84, %mul3A_101 : i32
      "tpu.region"() ({
        %run_scoped3A = tpu.sem_alloc : memref<!tpu.dma_semaphore, #tpu.memory_space<semaphore_mem>>
        %dma_start3A_115 = arith.constant 0 : i32
        %dma_start3A_116 = tpu.memref_slice %arg3[%add3A_102, %dma_start3A_115] : memref<2560x128xi32, #tpu.memory_space<hbm>> -> memref<40x128xi32, #tpu.memory_space<hbm>>
        %dma_start3A_117 = arith.constant 0 : i32
        %dma_start3A_118 = tpu.memref_slice %arg3[%add3A_102, %dma_start3A_117] : memref<2560x128xi32, #tpu.memory_space<hbm>> -> memref<40x128xi32, #tpu.memory_space<hbm>>
        tpu.enqueue_dma source(%dma_start3A_118 : memref<40x128xi32, #tpu.memory_space<hbm>>) target(%arg6 : memref<40x128xi32, #tpu.memory_space<vmem>>) target_semaphore(%run_scoped3A : memref<!tpu.dma_semaphore, #tpu.memory_space<semaphore_mem>>)
        %dma_wait3A_119 = arith.constant 0 : i32
        %dma_wait3A_120 = tpu.memref_slice %arg3[%add3A_102, %dma_wait3A_119] : memref<2560x128xi32, #tpu.memory_space<hbm>> -> memref<40x128xi32, #tpu.memory_space<hbm>>
        %dma_wait3A_121 = arith.constant 0 : i32
        %dma_wait3A_122 = tpu.memref_slice %arg3[%add3A_102, %dma_wait3A_121] : memref<2560x128xi32, #tpu.memory_space<hbm>> -> memref<40x128xi32, #tpu.memory_space<hbm>>
        tpu.wait_dma2 semaphore(%run_scoped3A : memref<!tpu.dma_semaphore, #tpu.memory_space<semaphore_mem>>) src(%dma_wait3A_122 : memref<40x128xi32, #tpu.memory_space<hbm>>) dst(%arg6 : memref<40x128xi32, #tpu.memory_space<vmem>>)
        tpu.yield
      }) : () -> ()
      "tpu.region"() ({
        %run_scoped3A = tpu.sem_alloc : memref<!tpu.dma_semaphore, #tpu.memory_space<semaphore_mem>>
        %dma_start3A_115 = arith.constant 0 : i32
        %dma_start3A_116 = tpu.memref_slice %arg4[%add3A_102, %dma_start3A_115] : memref<2560x128xi32, #tpu.memory_space<hbm>> -> memref<40x128xi32, #tpu.memory_space<hbm>>
        %dma_start3A_117 = arith.constant 0 : i32
        %dma_start3A_118 = tpu.memref_slice %arg4[%add3A_102, %dma_start3A_117] : memref<2560x128xi32, #tpu.memory_space<hbm>> -> memref<40x128xi32, #tpu.memory_space<hbm>>
        tpu.enqueue_dma source(%dma_start3A_118 : memref<40x128xi32, #tpu.memory_space<hbm>>) target(%arg7 : memref<40x128xi32, #tpu.memory_space<vmem>>) target_semaphore(%run_scoped3A : memref<!tpu.dma_semaphore, #tpu.memory_space<semaphore_mem>>)
        %dma_wait3A_119 = arith.constant 0 : i32
        %dma_wait3A_120 = tpu.memref_slice %arg4[%add3A_102, %dma_wait3A_119] : memref<2560x128xi32, #tpu.memory_space<hbm>> -> memref<40x128xi32, #tpu.memory_space<hbm>>
        %dma_wait3A_121 = arith.constant 0 : i32
        %dma_wait3A_122 = tpu.memref_slice %arg4[%add3A_102, %dma_wait3A_121] : memref<2560x128xi32, #tpu.memory_space<hbm>> -> memref<40x128xi32, #tpu.memory_space<hbm>>
        tpu.wait_dma2 semaphore(%run_scoped3A : memref<!tpu.dma_semaphore, #tpu.memory_space<semaphore_mem>>) src(%dma_wait3A_122 : memref<40x128xi32, #tpu.memory_space<hbm>>) dst(%arg7 : memref<40x128xi32, #tpu.memory_space<vmem>>)
        tpu.yield
      }) : () -> ()
      %dma_start3A_103 = arith.constant 0 : i32
      %dma_start3A_104 = arith.constant 0 : i32
      %dma_start3A_105 = tpu.memref_slice %arg6[%dma_start3A_103, %dma_start3A_104] : memref<40x128xi32, #tpu.memory_space<vmem>> -> memref<1x128xi32, #tpu.memory_space<vmem>>
      %dma_start3A_106 = tpu.memref_squeeze %dma_start3A_105 : memref<1x128xi32, #tpu.memory_space<vmem>> -> memref<128xi32, #tpu.memory_space<vmem>>
      %dma_start3A_107 = arith.constant 0 : i32
      %dma_start3A_108 = arith.constant 0 : i32
      %dma_start3A_109 = tpu.memref_slice %arg2[%dma_start3A_107, %dma_start3A_108] : memref<10000x128xf32, #tpu.memory_space<hbm>> -> memref<10000x128xf32, #tpu.memory_space<hbm>>
      tpu.enqueue_indirect_dma source(%dma_start3A_109 : memref<10000x128xf32, #tpu.memory_space<hbm>>) target(%arg8 : memref<128x128xf32, #tpu.memory_space<vmem>>) offsets(%dma_start3A_106 : memref<128xi32, #tpu.memory_space<vmem>>) semaphore(%arg11 : memref<!tpu.dma_semaphore, #tpu.memory_space<semaphore_mem>>)
      %scan3A_110 = arith.constant 0 : i32
      %scan3A_111 = arith.constant 20 : i32
      %scan3A_112 = arith.addi %scan3A_110, %scan3A_111 : i32
      %scan3A_113 = arith.constant 1 : i32
      scf.for %scan3A_115 = %scan3A_110 to %scan3A_112 step %scan3A_113  : i32 {
        %mul3A_116 = arith.constant 2 : i32
        %mul3A_117 = arith.muli %scan3A_115, %mul3A_116 : i32
        %add3A_118 = arith.constant 0 : i32
        %add3A_119 = arith.addi %add3A_118, %mul3A_117 : i32
        %add3A_120 = arith.constant 1 : i32
        %add3A_121 = arith.addi %add3A_119, %add3A_120 : i32
        %dma_start3A_122 = arith.constant 0 : i32
        %dma_start3A_123 = tpu.memref_slice %arg6[%add3A_121, %dma_start3A_122] : memref<40x128xi32, #tpu.memory_space<vmem>> -> memref<1x128xi32, #tpu.memory_space<vmem>>
        %dma_start3A_124 = tpu.memref_squeeze %dma_start3A_123 : memref<1x128xi32, #tpu.memory_space<vmem>> -> memref<128xi32, #tpu.memory_space<vmem>>
        %dma_start3A_125 = arith.constant 0 : i32
        %dma_start3A_126 = arith.constant 0 : i32
        %dma_start3A_127 = tpu.memref_slice %arg2[%dma_start3A_125, %dma_start3A_126] : memref<10000x128xf32, #tpu.memory_space<hbm>> -> memref<10000x128xf32, #tpu.memory_space<hbm>>
        tpu.enqueue_indirect_dma source(%dma_start3A_127 : memref<10000x128xf32, #tpu.memory_space<hbm>>) target(%arg9 : memref<128x128xf32, #tpu.memory_space<vmem>>) offsets(%dma_start3A_124 : memref<128xi32, #tpu.memory_space<vmem>>) semaphore(%arg12 : memref<!tpu.dma_semaphore, #tpu.memory_space<semaphore_mem>>)
        %dma_wait3A_128 = arith.constant 0 : i32
        %dma_wait3A_129 = tpu.memref_slice %arg6[%add3A_119, %dma_wait3A_128] : memref<40x128xi32, #tpu.memory_space<vmem>> -> memref<1x128xi32, #tpu.memory_space<vmem>>
        %dma_wait3A_130 = tpu.memref_squeeze %dma_wait3A_129 : memref<1x128xi32, #tpu.memory_space<vmem>> -> memref<128xi32, #tpu.memory_space<vmem>>
        %dma_wait3A_131 = arith.constant 0 : i32
        %dma_wait3A_132 = arith.constant 0 : i32
        %dma_wait3A_133 = tpu.memref_slice %arg2[%dma_wait3A_131, %dma_wait3A_132] : memref<10000x128xf32, #tpu.memory_space<hbm>> -> memref<10000x128xf32, #tpu.memory_space<hbm>>
        tpu.wait_indirect_dma semaphore(%arg11 : memref<!tpu.dma_semaphore, #tpu.memory_space<semaphore_mem>>) src(%dma_wait3A_133 : memref<10000x128xf32, #tpu.memory_space<hbm>>) dst(%arg8 : memref<128x128xf32, #tpu.memory_space<vmem>>)
        "tpu.region"() ({
          %run_scoped3A = tpu.sem_alloc : memref<!tpu.dma_semaphore, #tpu.memory_space<semaphore_mem>>
          %dma_start3A_148 = arith.constant 0 : i32
          %dma_start3A_149 = tpu.memref_slice %arg7[%add3A_119, %dma_start3A_148] : memref<40x128xi32, #tpu.memory_space<vmem>> -> memref<1x128xi32, #tpu.memory_space<vmem>>
          %dma_start3A_150 = tpu.memref_squeeze %dma_start3A_149 : memref<1x128xi32, #tpu.memory_space<vmem>> -> memref<128xi32, #tpu.memory_space<vmem>>
          %dma_start3A_151 = arith.constant 0 : i32
          %dma_start3A_152 = arith.constant 0 : i32
          %dma_start3A_153 = tpu.memref_slice %arg10[%dma_start3A_151, %dma_start3A_152] : memref<10240x128xf32, #tpu.memory_space<vmem_shared>> -> memref<10240x128xf32, #tpu.memory_space<vmem_shared>>
          tpu.enqueue_indirect_dma source(%arg8 : memref<128x128xf32, #tpu.memory_space<vmem>>) target(%dma_start3A_153 : memref<10240x128xf32, #tpu.memory_space<vmem_shared>>) offsets(%dma_start3A_150 : memref<128xi32, #tpu.memory_space<vmem>>) semaphore(%run_scoped3A : memref<!tpu.dma_semaphore, #tpu.memory_space<semaphore_mem>>) {add = true}
          %dma_wait3A_154 = arith.constant 0 : i32
          %dma_wait3A_155 = tpu.memref_slice %arg7[%add3A_119, %dma_wait3A_154] : memref<40x128xi32, #tpu.memory_space<vmem>> -> memref<1x128xi32, #tpu.memory_space<vmem>>
          %dma_wait3A_156 = tpu.memref_squeeze %dma_wait3A_155 : memref<1x128xi32, #tpu.memory_space<vmem>> -> memref<128xi32, #tpu.memory_space<vmem>>
          %dma_wait3A_157 = arith.constant 0 : i32
          %dma_wait3A_158 = arith.constant 0 : i32
          %dma_wait3A_159 = tpu.memref_slice %arg10[%dma_wait3A_157, %dma_wait3A_158] : memref<10240x128xf32, #tpu.memory_space<vmem_shared>> -> memref<10240x128xf32, #tpu.memory_space<vmem_shared>>
          tpu.wait_indirect_dma semaphore(%run_scoped3A : memref<!tpu.dma_semaphore, #tpu.memory_space<semaphore_mem>>) src(%arg8 : memref<128x128xf32, #tpu.memory_space<vmem>>) dst(%dma_wait3A_159 : memref<10240x128xf32, #tpu.memory_space<vmem_shared>>)
          tpu.yield
        }) : () -> ()
        %add3A_134 = arith.constant 2 : i32
        %add3A_135 = arith.addi %add3A_119, %add3A_134 : i32
        %lt3A = arith.constant 40 : i32
        %lt3A_136 = arith.cmpi slt, %add3A_135, %lt3A : i32
        %convert_element_type3A = arith.extui %lt3A_136 : i1 to i32
        %cond3A = arith.constant 0 : i32
        %cond3A_137 = arith.cmpi ne, %convert_element_type3A, %cond3A : i32
        scf.if %cond3A_137 {
          %add3A_148 = arith.constant 2 : i32
          %add3A_149 = arith.addi %add3A_119, %add3A_148 : i32
          %dma_start3A_150 = arith.constant 0 : i32
          %dma_start3A_151 = tpu.memref_slice %arg6[%add3A_149, %dma_start3A_150] : memref<40x128xi32, #tpu.memory_space<vmem>> -> memref<1x128xi32, #tpu.memory_space<vmem>>
          %dma_start3A_152 = tpu.memref_squeeze %dma_start3A_151 : memref<1x128xi32, #tpu.memory_space<vmem>> -> memref<128xi32, #tpu.memory_space<vmem>>
          %dma_start3A_153 = arith.constant 0 : i32
          %dma_start3A_154 = arith.constant 0 : i32
          %dma_start3A_155 = tpu.memref_slice %arg2[%dma_start3A_153, %dma_start3A_154] : memref<10000x128xf32, #tpu.memory_space<hbm>> -> memref<10000x128xf32, #tpu.memory_space<hbm>>
          tpu.enqueue_indirect_dma source(%dma_start3A_155 : memref<10000x128xf32, #tpu.memory_space<hbm>>) target(%arg8 : memref<128x128xf32, #tpu.memory_space<vmem>>) offsets(%dma_start3A_152 : memref<128xi32, #tpu.memory_space<vmem>>) semaphore(%arg11 : memref<!tpu.dma_semaphore, #tpu.memory_space<semaphore_mem>>)
        } else {
        }
        %add3A_138 = arith.constant 1 : i32
        %add3A_139 = arith.addi %add3A_119, %add3A_138 : i32
        %dma_wait3A_140 = arith.constant 0 : i32
        %dma_wait3A_141 = tpu.memref_slice %arg6[%add3A_139, %dma_wait3A_140] : memref<40x128xi32, #tpu.memory_space<vmem>> -> memref<1x128xi32, #tpu.memory_space<vmem>>
        %dma_wait3A_142 = tpu.memref_squeeze %dma_wait3A_141 : memref<1x128xi32, #tpu.memory_space<vmem>> -> memref<128xi32, #tpu.memory_space<vmem>>
        %dma_wait3A_143 = arith.constant 0 : i32
        %dma_wait3A_144 = arith.constant 0 : i32
        %dma_wait3A_145 = tpu.memref_slice %arg2[%dma_wait3A_143, %dma_wait3A_144] : memref<10000x128xf32, #tpu.memory_space<hbm>> -> memref<10000x128xf32, #tpu.memory_space<hbm>>
        tpu.wait_indirect_dma semaphore(%arg12 : memref<!tpu.dma_semaphore, #tpu.memory_space<semaphore_mem>>) src(%dma_wait3A_145 : memref<10000x128xf32, #tpu.memory_space<hbm>>) dst(%arg9 : memref<128x128xf32, #tpu.memory_space<vmem>>)
        %add3A_146 = arith.constant 1 : i32
        %add3A_147 = arith.addi %add3A_119, %add3A_146 : i32
        "tpu.region"() ({
          %run_scoped3A = tpu.sem_alloc : memref<!tpu.dma_semaphore, #tpu.memory_space<semaphore_mem>>
          %dma_start3A_148 = arith.constant 0 : i32
          %dma_start3A_149 = tpu.memref_slice %arg7[%add3A_147, %dma_start3A_148] : memref<40x128xi32, #tpu.memory_space<vmem>> -> memref<1x128xi32, #tpu.memory_space<vmem>>
          %dma_start3A_150 = tpu.memref_squeeze %dma_start3A_149 : memref<1x128xi32, #tpu.memory_space<vmem>> -> memref<128xi32, #tpu.memory_space<vmem>>
          %dma_start3A_151 = arith.constant 0 : i32
          %dma_start3A_152 = arith.constant 0 : i32
          %dma_start3A_153 = tpu.memref_slice %arg10[%dma_start3A_151, %dma_start3A_152] : memref<10240x128xf32, #tpu.memory_space<vmem_shared>> -> memref<10240x128xf32, #tpu.memory_space<vmem_shared>>
          tpu.enqueue_indirect_dma source(%arg9 : memref<128x128xf32, #tpu.memory_space<vmem>>) target(%dma_start3A_153 : memref<10240x128xf32, #tpu.memory_space<vmem_shared>>) offsets(%dma_start3A_150 : memref<128xi32, #tpu.memory_space<vmem>>) semaphore(%run_scoped3A : memref<!tpu.dma_semaphore, #tpu.memory_space<semaphore_mem>>) {add = true}
          %dma_wait3A_154 = arith.constant 0 : i32
          %dma_wait3A_155 = tpu.memref_slice %arg7[%add3A_147, %dma_wait3A_154] : memref<40x128xi32, #tpu.memory_space<vmem>> -> memref<1x128xi32, #tpu.memory_space<vmem>>
          %dma_wait3A_156 = tpu.memref_squeeze %dma_wait3A_155 : memref<1x128xi32, #tpu.memory_space<vmem>> -> memref<128xi32, #tpu.memory_space<vmem>>
          %dma_wait3A_157 = arith.constant 0 : i32
          %dma_wait3A_158 = arith.constant 0 : i32
          %dma_wait3A_159 = tpu.memref_slice %arg10[%dma_wait3A_157, %dma_wait3A_158] : memref<10240x128xf32, #tpu.memory_space<vmem_shared>> -> memref<10240x128xf32, #tpu.memory_space<vmem_shared>>
          tpu.wait_indirect_dma semaphore(%run_scoped3A : memref<!tpu.dma_semaphore, #tpu.memory_space<semaphore_mem>>) src(%arg9 : memref<128x128xf32, #tpu.memory_space<vmem>>) dst(%dma_wait3A_159 : memref<10240x128xf32, #tpu.memory_space<vmem_shared>>)
          tpu.yield
        }) : () -> ()
      }
      %scan3A_114 = arith.constant 20 : i32
    }
    %scan3A_89 = arith.constant 2 : i32
    %barrier3A_90 = arith.constant 0 : index
    tpu.barrier barrier_id(%barrier3A_90)
    %mul3A_91 = arith.constant 640 : i32
    %mul3A_92 = arith.muli %arg1, %mul3A_91 : i32
    %mul3A_93 = arith.constant 640 : i32
    %mul3A_94 = arith.muli %arg1, %mul3A_93 : i32
    "tpu.region"() ({
      %run_scoped3A = tpu.sem_alloc : memref<!tpu.dma_semaphore, #tpu.memory_space<semaphore_mem>>
      %dma_start3A_95 = arith.constant 0 : i32
      %dma_start3A_96 = tpu.memref_slice %arg5[%arg0, %mul3A_94, %dma_start3A_95] : memref<2x10240x128xf32, #tpu.memory_space<hbm>> -> memref<1x640x128xf32, #tpu.memory_space<hbm>>
      %dma_start3A_97 = tpu.memref_squeeze %dma_start3A_96 : memref<1x640x128xf32, #tpu.memory_space<hbm>> -> memref<640x128xf32, #tpu.memory_space<hbm>>
      %dma_start3A_98 = arith.constant 0 : i32
      %dma_start3A_99 = tpu.memref_slice %arg10[%mul3A_92, %dma_start3A_98] : memref<10240x128xf32, #tpu.memory_space<vmem_shared>> -> memref<640x128xf32, #tpu.memory_space<vmem_shared>>
      tpu.enqueue_dma source(%dma_start3A_99 : memref<640x128xf32, #tpu.memory_space<vmem_shared>>) target(%dma_start3A_97 : memref<640x128xf32, #tpu.memory_space<hbm>>) target_semaphore(%run_scoped3A : memref<!tpu.dma_semaphore, #tpu.memory_space<semaphore_mem>>)
      %dma_wait3A_100 = arith.constant 0 : i32
      %dma_wait3A_101 = tpu.memref_slice %arg5[%arg0, %mul3A_94, %dma_wait3A_100] : memref<2x10240x128xf32, #tpu.memory_space<hbm>> -> memref<1x640x128xf32, #tpu.memory_space<hbm>>
      %dma_wait3A_102 = tpu.memref_squeeze %dma_wait3A_101 : memref<1x640x128xf32, #tpu.memory_space<hbm>> -> memref<640x128xf32, #tpu.memory_space<hbm>>
      %dma_wait3A_103 = arith.constant 0 : i32
      %dma_wait3A_104 = tpu.memref_slice %arg10[%mul3A_92, %dma_wait3A_103] : memref<10240x128xf32, #tpu.memory_space<vmem_shared>> -> memref<640x128xf32, #tpu.memory_space<vmem_shared>>
      tpu.wait_dma2 semaphore(%run_scoped3A : memref<!tpu.dma_semaphore, #tpu.memory_space<semaphore_mem>>) src(%dma_wait3A_104 : memref<640x128xf32, #tpu.memory_space<vmem_shared>>) dst(%dma_wait3A_102 : memref<640x128xf32, #tpu.memory_space<hbm>>)
      tpu.yield
    }) : () -> ()
    return
  }
}

#map = affine_map<(d0, d1) -> (0, 0)>
#map1 = affine_map<(d0, d1) -> (0, 0, 0)>
module attributes {stable_mosaic.version = 14 : i64} {
  func.func @_sc_agg_body(%arg0: i32, %arg1: i32, %arg2: memref<10000x128xf32, #tpu.memory_space<hbm>>, %arg3: memref<2560x128xi32, #tpu.memory_space<hbm>>, %arg4: memref<2560x128xi32, #tpu.memory_space<hbm>>, %arg5: memref<2x10240x128xf32, #tpu.memory_space<hbm>>, %arg6: memref<40x128xi32, #tpu.memory_space<vmem>>, %arg7: memref<40x128xi32, #tpu.memory_space<vmem>>, %arg8: memref<128x128xf32, #tpu.memory_space<vmem>>, %arg9: memref<128x128xf32, #tpu.memory_space<vmem>>, %arg10: memref<10240x128xf32, #tpu.memory_space<vmem_shared>>, %arg11: memref<!tpu.dma_semaphore, #tpu.memory_space<semaphore_mem>>, %arg12: memref<!tpu.dma_semaphore, #tpu.memory_space<semaphore_mem>>, %arg13: memref<!tpu.dma_semaphore, #tpu.memory_space<semaphore_mem>>, %arg14: memref<!tpu.dma_semaphore, #tpu.memory_space<semaphore_mem>>) attributes {dimension_semantics = [#tpu.dimension_semantics<core_parallel>, #tpu.dimension_semantics<subcore_parallel>], iteration_bounds = array<i64: 2, 16>, scalar_prefetch = 0 : i64, scratch_operands = 9 : i64, tpu.core_type = #tpu.core_type<sc_vector_subcore>, window_params = [{transform_indices = #map}, {transform_indices = #map}, {transform_indices = #map}, {transform_indices = #map1}]} {
    %mul3A = arith.constant 16 : i32
    %mul3A_0 = arith.muli %arg0, %mul3A : i32
    %add3A = arith.addi %mul3A_0, %arg1 : i32
    %scan3A = arith.constant 0 : i32
    %scan3A_1 = arith.constant 128 : i32
    %scan3A_2 = arith.addi %scan3A, %scan3A_1 : i32
    %scan3A_3 = arith.constant 1 : i32
    scf.for %scan3A_95 = %scan3A to %scan3A_2 step %scan3A_3  : i32 {
      %mul3A_96 = arith.constant 1 : i32
      %mul3A_97 = arith.muli %scan3A_95, %mul3A_96 : i32
      %add3A_98 = arith.constant 0 : i32
      %add3A_99 = arith.addi %add3A_98, %mul3A_97 : i32
      %scan3A_100 = arith.constant 0 : i32
      %scan3A_101 = arith.constant 8 : i32
      %scan3A_102 = arith.addi %scan3A_100, %scan3A_101 : i32
      %scan3A_103 = arith.constant 1 : i32
      scf.for %scan3A_105 = %scan3A_100 to %scan3A_102 step %scan3A_103  : i32 {
        %mul3A_106 = arith.constant 1 : i32
        %mul3A_107 = arith.muli %scan3A_105, %mul3A_106 : i32
        %add3A_108 = arith.constant 0 : i32
        %add3A_109 = arith.addi %add3A_108, %mul3A_107 : i32
        %broadcast_in_dim3A = arith.constant 0.000000e+00 : f32
        %broadcast_in_dim3A_110 = vector.broadcast %broadcast_in_dim3A : f32 to vector<16xf32>
        %mul3A_111 = arith.constant 16 : i32
        %mul3A_112 = arith.muli %add3A_109, %mul3A_111 : i32
        %swap3A = arith.index_cast %add3A_99 : i32 to index
        %swap3A_113 = arith.index_cast %mul3A_112 : i32 to index
        %swap3A_114 = tpu.vector_load %arg8[%swap3A, %swap3A_113] {strides = array<i32>} : memref<128x128xf32, #tpu.memory_space<vmem>>, vector<1x16xf32>,
        %swap3A_115 = vector.shape_cast %swap3A_114 : vector<1x16xf32> to vector<16xf32>
        %swap3A_116 = vector.shape_cast %broadcast_in_dim3A_110 : vector<16xf32> to vector<1x16xf32>
        tpu.vector_store %arg8[%swap3A, %swap3A_113], %swap3A_116 {strides = array<i32>} : memref<128x128xf32, #tpu.memory_space<vmem>>, vector<1x16xf32>,
      }
      %scan3A_104 = arith.constant 8 : i32
    }
    %scan3A_4 = arith.constant 128 : i32
    %mul3A_5 = arith.constant 640 : i32
    %mul3A_6 = arith.muli %arg1, %mul3A_5 : i32
    %add3A_7 = arith.constant 0 : i32
    %add3A_8 = arith.addi %mul3A_6, %add3A_7 : i32
    %dma_start3A = arith.constant 0 : i32
    %dma_start3A_9 = tpu.memref_slice %arg10[%add3A_8, %dma_start3A] : memref<10240x128xf32, #tpu.memory_space<vmem_shared>> -> memref<128x128xf32, #tpu.memory_space<vmem_shared>>
    %dma_start3A_10 = arith.constant 0 : i32
    %dma_start3A_11 = tpu.memref_slice %arg10[%add3A_8, %dma_start3A_10] : memref<10240x128xf32, #tpu.memory_space<vmem_shared>> -> memref<128x128xf32, #tpu.memory_space<vmem_shared>>
    tpu.enqueue_dma source(%arg8 : memref<128x128xf32, #tpu.memory_space<vmem>>) target(%dma_start3A_11 : memref<128x128xf32, #tpu.memory_space<vmem_shared>>) target_semaphore(%arg13 : memref<!tpu.dma_semaphore, #tpu.memory_space<semaphore_mem>>)
    %mul3A_12 = arith.constant 640 : i32
    %mul3A_13 = arith.muli %arg1, %mul3A_12 : i32
    %add3A_14 = arith.constant 128 : i32
    %add3A_15 = arith.addi %mul3A_13, %add3A_14 : i32
    %dma_start3A_16 = arith.constant 0 : i32
    %dma_start3A_17 = tpu.memref_slice %arg10[%add3A_15, %dma_start3A_16] : memref<10240x128xf32, #tpu.memory_space<vmem_shared>> -> memref<128x128xf32, #tpu.memory_space<vmem_shared>>
    %dma_start3A_18 = arith.constant 0 : i32
    %dma_start3A_19 = tpu.memref_slice %arg10[%add3A_15, %dma_start3A_18] : memref<10240x128xf32, #tpu.memory_space<vmem_shared>> -> memref<128x128xf32, #tpu.memory_space<vmem_shared>>
    tpu.enqueue_dma source(%arg8 : memref<128x128xf32, #tpu.memory_space<vmem>>) target(%dma_start3A_19 : memref<128x128xf32, #tpu.memory_space<vmem_shared>>) target_semaphore(%arg13 : memref<!tpu.dma_semaphore, #tpu.memory_space<semaphore_mem>>)
    %mul3A_20 = arith.constant 640 : i32
    %mul3A_21 = arith.muli %arg1, %mul3A_20 : i32
    %add3A_22 = arith.constant 256 : i32
    %add3A_23 = arith.addi %mul3A_21, %add3A_22 : i32
    %dma_start3A_24 = arith.constant 0 : i32
    %dma_start3A_25 = tpu.memref_slice %arg10[%add3A_23, %dma_start3A_24] : memref<10240x128xf32, #tpu.memory_space<vmem_shared>> -> memref<128x128xf32, #tpu.memory_space<vmem_shared>>
    %dma_start3A_26 = arith.constant 0 : i32
    %dma_start3A_27 = tpu.memref_slice %arg10[%add3A_23, %dma_start3A_26] : memref<10240x128xf32, #tpu.memory_space<vmem_shared>> -> memref<128x128xf32, #tpu.memory_space<vmem_shared>>
    tpu.enqueue_dma source(%arg8 : memref<128x128xf32, #tpu.memory_space<vmem>>) target(%dma_start3A_27 : memref<128x128xf32, #tpu.memory_space<vmem_shared>>) target_semaphore(%arg13 : memref<!tpu.dma_semaphore, #tpu.memory_space<semaphore_mem>>)
    %mul3A_28 = arith.constant 640 : i32
    %mul3A_29 = arith.muli %arg1, %mul3A_28 : i32
    %add3A_30 = arith.constant 384 : i32
    %add3A_31 = arith.addi %mul3A_29, %add3A_30 : i32
    %dma_start3A_32 = arith.constant 0 : i32
    %dma_start3A_33 = tpu.memref_slice %arg10[%add3A_31, %dma_start3A_32] : memref<10240x128xf32, #tpu.memory_space<vmem_shared>> -> memref<128x128xf32, #tpu.memory_space<vmem_shared>>
    %dma_start3A_34 = arith.constant 0 : i32
    %dma_start3A_35 = tpu.memref_slice %arg10[%add3A_31, %dma_start3A_34] : memref<10240x128xf32, #tpu.memory_space<vmem_shared>> -> memref<128x128xf32, #tpu.memory_space<vmem_shared>>
    tpu.enqueue_dma source(%arg8 : memref<128x128xf32, #tpu.memory_space<vmem>>) target(%dma_start3A_35 : memref<128x128xf32, #tpu.memory_space<vmem_shared>>) target_semaphore(%arg13 : memref<!tpu.dma_semaphore, #tpu.memory_space<semaphore_mem>>)
    %mul3A_36 = arith.constant 640 : i32
    %mul3A_37 = arith.muli %arg1, %mul3A_36 : i32
    %add3A_38 = arith.constant 512 : i32
    %add3A_39 = arith.addi %mul3A_37, %add3A_38 : i32
    %dma_start3A_40 = arith.constant 0 : i32
    %dma_start3A_41 = tpu.memref_slice %arg10[%add3A_39, %dma_start3A_40] : memref<10240x128xf32, #tpu.memory_space<vmem_shared>> -> memref<128x128xf32, #tpu.memory_space<vmem_shared>>
    %dma_start3A_42 = arith.constant 0 : i32
    %dma_start3A_43 = tpu.memref_slice %arg10[%add3A_39, %dma_start3A_42] : memref<10240x128xf32, #tpu.memory_space<vmem_shared>> -> memref<128x128xf32, #tpu.memory_space<vmem_shared>>
    tpu.enqueue_dma source(%arg8 : memref<128x128xf32, #tpu.memory_space<vmem>>) target(%dma_start3A_43 : memref<128x128xf32, #tpu.memory_space<vmem_shared>>) target_semaphore(%arg13 : memref<!tpu.dma_semaphore, #tpu.memory_space<semaphore_mem>>)
    %mul3A_44 = arith.constant 640 : i32
    %mul3A_45 = arith.muli %arg1, %mul3A_44 : i32
    %add3A_46 = arith.constant 0 : i32
    %add3A_47 = arith.addi %mul3A_45, %add3A_46 : i32
    %dma_wait3A = arith.constant 0 : i32
    %dma_wait3A_48 = tpu.memref_slice %arg10[%add3A_47, %dma_wait3A] : memref<10240x128xf32, #tpu.memory_space<vmem_shared>> -> memref<128x128xf32, #tpu.memory_space<vmem_shared>>
    %dma_wait3A_49 = arith.constant 0 : i32
    %dma_wait3A_50 = tpu.memref_slice %arg10[%add3A_47, %dma_wait3A_49] : memref<10240x128xf32, #tpu.memory_space<vmem_shared>> -> memref<128x128xf32, #tpu.memory_space<vmem_shared>>
    tpu.wait_dma2 semaphore(%arg13 : memref<!tpu.dma_semaphore, #tpu.memory_space<semaphore_mem>>) src(%arg8 : memref<128x128xf32, #tpu.memory_space<vmem>>) dst(%dma_wait3A_50 : memref<128x128xf32, #tpu.memory_space<vmem_shared>>)
    %mul3A_51 = arith.constant 640 : i32
    %mul3A_52 = arith.muli %arg1, %mul3A_51 : i32
    %add3A_53 = arith.constant 128 : i32
    %add3A_54 = arith.addi %mul3A_52, %add3A_53 : i32
    %dma_wait3A_55 = arith.constant 0 : i32
    %dma_wait3A_56 = tpu.memref_slice %arg10[%add3A_54, %dma_wait3A_55] : memref<10240x128xf32, #tpu.memory_space<vmem_shared>> -> memref<128x128xf32, #tpu.memory_space<vmem_shared>>
    %dma_wait3A_57 = arith.constant 0 : i32
    %dma_wait3A_58 = tpu.memref_slice %arg10[%add3A_54, %dma_wait3A_57] : memref<10240x128xf32, #tpu.memory_space<vmem_shared>> -> memref<128x128xf32, #tpu.memory_space<vmem_shared>>
    tpu.wait_dma2 semaphore(%arg13 : memref<!tpu.dma_semaphore, #tpu.memory_space<semaphore_mem>>) src(%arg8 : memref<128x128xf32, #tpu.memory_space<vmem>>) dst(%dma_wait3A_58 : memref<128x128xf32, #tpu.memory_space<vmem_shared>>)
    %mul3A_59 = arith.constant 640 : i32
    %mul3A_60 = arith.muli %arg1, %mul3A_59 : i32
    %add3A_61 = arith.constant 256 : i32
    %add3A_62 = arith.addi %mul3A_60, %add3A_61 : i32
    %dma_wait3A_63 = arith.constant 0 : i32
    %dma_wait3A_64 = tpu.memref_slice %arg10[%add3A_62, %dma_wait3A_63] : memref<10240x128xf32, #tpu.memory_space<vmem_shared>> -> memref<128x128xf32, #tpu.memory_space<vmem_shared>>
    %dma_wait3A_65 = arith.constant 0 : i32
    %dma_wait3A_66 = tpu.memref_slice %arg10[%add3A_62, %dma_wait3A_65] : memref<10240x128xf32, #tpu.memory_space<vmem_shared>> -> memref<128x128xf32, #tpu.memory_space<vmem_shared>>
    tpu.wait_dma2 semaphore(%arg13 : memref<!tpu.dma_semaphore, #tpu.memory_space<semaphore_mem>>) src(%arg8 : memref<128x128xf32, #tpu.memory_space<vmem>>) dst(%dma_wait3A_66 : memref<128x128xf32, #tpu.memory_space<vmem_shared>>)
    %mul3A_67 = arith.constant 640 : i32
    %mul3A_68 = arith.muli %arg1, %mul3A_67 : i32
    %add3A_69 = arith.constant 384 : i32
    %add3A_70 = arith.addi %mul3A_68, %add3A_69 : i32
    %dma_wait3A_71 = arith.constant 0 : i32
    %dma_wait3A_72 = tpu.memref_slice %arg10[%add3A_70, %dma_wait3A_71] : memref<10240x128xf32, #tpu.memory_space<vmem_shared>> -> memref<128x128xf32, #tpu.memory_space<vmem_shared>>
    %dma_wait3A_73 = arith.constant 0 : i32
    %dma_wait3A_74 = tpu.memref_slice %arg10[%add3A_70, %dma_wait3A_73] : memref<10240x128xf32, #tpu.memory_space<vmem_shared>> -> memref<128x128xf32, #tpu.memory_space<vmem_shared>>
    tpu.wait_dma2 semaphore(%arg13 : memref<!tpu.dma_semaphore, #tpu.memory_space<semaphore_mem>>) src(%arg8 : memref<128x128xf32, #tpu.memory_space<vmem>>) dst(%dma_wait3A_74 : memref<128x128xf32, #tpu.memory_space<vmem_shared>>)
    %mul3A_75 = arith.constant 640 : i32
    %mul3A_76 = arith.muli %arg1, %mul3A_75 : i32
    %add3A_77 = arith.constant 512 : i32
    %add3A_78 = arith.addi %mul3A_76, %add3A_77 : i32
    %dma_wait3A_79 = arith.constant 0 : i32
    %dma_wait3A_80 = tpu.memref_slice %arg10[%add3A_78, %dma_wait3A_79] : memref<10240x128xf32, #tpu.memory_space<vmem_shared>> -> memref<128x128xf32, #tpu.memory_space<vmem_shared>>
    %dma_wait3A_81 = arith.constant 0 : i32
    %dma_wait3A_82 = tpu.memref_slice %arg10[%add3A_78, %dma_wait3A_81] : memref<10240x128xf32, #tpu.memory_space<vmem_shared>> -> memref<128x128xf32, #tpu.memory_space<vmem_shared>>
    tpu.wait_dma2 semaphore(%arg13 : memref<!tpu.dma_semaphore, #tpu.memory_space<semaphore_mem>>) src(%arg8 : memref<128x128xf32, #tpu.memory_space<vmem>>) dst(%dma_wait3A_82 : memref<128x128xf32, #tpu.memory_space<vmem_shared>>)
    %mul3A_83 = arith.constant 80 : i32
    %mul3A_84 = arith.muli %add3A, %mul3A_83 : i32
    %barrier3A = arith.constant 0 : index
    tpu.barrier barrier_id(%barrier3A)
    %scan3A_85 = arith.constant 0 : i32
    %scan3A_86 = arith.constant 2 : i32
    %scan3A_87 = arith.addi %scan3A_85, %scan3A_86 : i32
    %scan3A_88 = arith.constant 1 : i32
    scf.for %scan3A_95 = %scan3A_85 to %scan3A_87 step %scan3A_88  : i32 {
      %mul3A_96 = arith.constant 1 : i32
      %mul3A_97 = arith.muli %scan3A_95, %mul3A_96 : i32
      %add3A_98 = arith.constant 0 : i32
      %add3A_99 = arith.addi %add3A_98, %mul3A_97 : i32
      %mul3A_100 = arith.constant 40 : i32
      %mul3A_101 = arith.muli %add3A_99, %mul3A_100 : i32
      %add3A_102 = arith.addi %mul3A_84, %mul3A_101 : i32
      "tpu.region"() ({
        %run_scoped3A = tpu.sem_alloc : memref<!tpu.dma_semaphore, #tpu.memory_space<semaphore_mem>>
        %dma_start3A_115 = arith.constant 0 : i32
        %dma_start3A_116 = tpu.memref_slice %arg3[%add3A_102, %dma_start3A_115] : memref<2560x128xi32, #tpu.memory_space<hbm>> -> memref<40x128xi32, #tpu.memory_space<hbm>>
        %dma_start3A_117 = arith.constant 0 : i32
        %dma_start3A_118 = tpu.memref_slice %arg3[%add3A_102, %dma_start3A_117] : memref<2560x128xi32, #tpu.memory_space<hbm>> -> memref<40x128xi32, #tpu.memory_space<hbm>>
        tpu.enqueue_dma source(%dma_start3A_118 : memref<40x128xi32, #tpu.memory_space<hbm>>) target(%arg6 : memref<40x128xi32, #tpu.memory_space<vmem>>) target_semaphore(%run_scoped3A : memref<!tpu.dma_semaphore, #tpu.memory_space<semaphore_mem>>)
        %dma_wait3A_119 = arith.constant 0 : i32
        %dma_wait3A_120 = tpu.memref_slice %arg3[%add3A_102, %dma_wait3A_119] : memref<2560x128xi32, #tpu.memory_space<hbm>> -> memref<40x128xi32, #tpu.memory_space<hbm>>
        %dma_wait3A_121 = arith.constant 0 : i32
        %dma_wait3A_122 = tpu.memref_slice %arg3[%add3A_102, %dma_wait3A_121] : memref<2560x128xi32, #tpu.memory_space<hbm>> -> memref<40x128xi32, #tpu.memory_space<hbm>>
        tpu.wait_dma2 semaphore(%run_scoped3A : memref<!tpu.dma_semaphore, #tpu.memory_space<semaphore_mem>>) src(%dma_wait3A_122 : memref<40x128xi32, #tpu.memory_space<hbm>>) dst(%arg6 : memref<40x128xi32, #tpu.memory_space<vmem>>)
        tpu.yield
      }) : () -> ()
      "tpu.region"() ({
        %run_scoped3A = tpu.sem_alloc : memref<!tpu.dma_semaphore, #tpu.memory_space<semaphore_mem>>
        %dma_start3A_115 = arith.constant 0 : i32
        %dma_start3A_116 = tpu.memref_slice %arg4[%add3A_102, %dma_start3A_115] : memref<2560x128xi32, #tpu.memory_space<hbm>> -> memref<40x128xi32, #tpu.memory_space<hbm>>
        %dma_start3A_117 = arith.constant 0 : i32
        %dma_start3A_118 = tpu.memref_slice %arg4[%add3A_102, %dma_start3A_117] : memref<2560x128xi32, #tpu.memory_space<hbm>> -> memref<40x128xi32, #tpu.memory_space<hbm>>
        tpu.enqueue_dma source(%dma_start3A_118 : memref<40x128xi32, #tpu.memory_space<hbm>>) target(%arg7 : memref<40x128xi32, #tpu.memory_space<vmem>>) target_semaphore(%run_scoped3A : memref<!tpu.dma_semaphore, #tpu.memory_space<semaphore_mem>>)
        %dma_wait3A_119 = arith.constant 0 : i32
        %dma_wait3A_120 = tpu.memref_slice %arg4[%add3A_102, %dma_wait3A_119] : memref<2560x128xi32, #tpu.memory_space<hbm>> -> memref<40x128xi32, #tpu.memory_space<hbm>>
        %dma_wait3A_121 = arith.constant 0 : i32
        %dma_wait3A_122 = tpu.memref_slice %arg4[%add3A_102, %dma_wait3A_121] : memref<2560x128xi32, #tpu.memory_space<hbm>> -> memref<40x128xi32, #tpu.memory_space<hbm>>
        tpu.wait_dma2 semaphore(%run_scoped3A : memref<!tpu.dma_semaphore, #tpu.memory_space<semaphore_mem>>) src(%dma_wait3A_122 : memref<40x128xi32, #tpu.memory_space<hbm>>) dst(%arg7 : memref<40x128xi32, #tpu.memory_space<vmem>>)
        tpu.yield
      }) : () -> ()
      %dma_start3A_103 = arith.constant 0 : i32
      %dma_start3A_104 = arith.constant 0 : i32
      %dma_start3A_105 = tpu.memref_slice %arg6[%dma_start3A_103, %dma_start3A_104] : memref<40x128xi32, #tpu.memory_space<vmem>> -> memref<1x128xi32, #tpu.memory_space<vmem>>
      %dma_start3A_106 = tpu.memref_squeeze %dma_start3A_105 : memref<1x128xi32, #tpu.memory_space<vmem>> -> memref<128xi32, #tpu.memory_space<vmem>>
      %dma_start3A_107 = arith.constant 0 : i32
      %dma_start3A_108 = arith.constant 0 : i32
      %dma_start3A_109 = tpu.memref_slice %arg2[%dma_start3A_107, %dma_start3A_108] : memref<10000x128xf32, #tpu.memory_space<hbm>> -> memref<10000x128xf32, #tpu.memory_space<hbm>>
      tpu.enqueue_indirect_dma source(%dma_start3A_109 : memref<10000x128xf32, #tpu.memory_space<hbm>>) target(%arg8 : memref<128x128xf32, #tpu.memory_space<vmem>>) offsets(%dma_start3A_106 : memref<128xi32, #tpu.memory_space<vmem>>) semaphore(%arg11 : memref<!tpu.dma_semaphore, #tpu.memory_space<semaphore_mem>>)
      %scan3A_110 = arith.constant 0 : i32
      %scan3A_111 = arith.constant 20 : i32
      %scan3A_112 = arith.addi %scan3A_110, %scan3A_111 : i32
      %scan3A_113 = arith.constant 1 : i32
      scf.for %scan3A_115 = %scan3A_110 to %scan3A_112 step %scan3A_113  : i32 {
        %mul3A_116 = arith.constant 2 : i32
        %mul3A_117 = arith.muli %scan3A_115, %mul3A_116 : i32
        %add3A_118 = arith.constant 0 : i32
        %add3A_119 = arith.addi %add3A_118, %mul3A_117 : i32
        %add3A_120 = arith.constant 1 : i32
        %add3A_121 = arith.addi %add3A_119, %add3A_120 : i32
        %dma_start3A_122 = arith.constant 0 : i32
        %dma_start3A_123 = tpu.memref_slice %arg6[%add3A_121, %dma_start3A_122] : memref<40x128xi32, #tpu.memory_space<vmem>> -> memref<1x128xi32, #tpu.memory_space<vmem>>
        %dma_start3A_124 = tpu.memref_squeeze %dma_start3A_123 : memref<1x128xi32, #tpu.memory_space<vmem>> -> memref<128xi32, #tpu.memory_space<vmem>>
        %dma_start3A_125 = arith.constant 0 : i32
        %dma_start3A_126 = arith.constant 0 : i32
        %dma_start3A_127 = tpu.memref_slice %arg2[%dma_start3A_125, %dma_start3A_126] : memref<10000x128xf32, #tpu.memory_space<hbm>> -> memref<10000x128xf32, #tpu.memory_space<hbm>>
        tpu.enqueue_indirect_dma source(%dma_start3A_127 : memref<10000x128xf32, #tpu.memory_space<hbm>>) target(%arg9 : memref<128x128xf32, #tpu.memory_space<vmem>>) offsets(%dma_start3A_124 : memref<128xi32, #tpu.memory_space<vmem>>) semaphore(%arg12 : memref<!tpu.dma_semaphore, #tpu.memory_space<semaphore_mem>>)
        %dma_wait3A_128 = arith.constant 0 : i32
        %dma_wait3A_129 = tpu.memref_slice %arg6[%add3A_119, %dma_wait3A_128] : memref<40x128xi32, #tpu.memory_space<vmem>> -> memref<1x128xi32, #tpu.memory_space<vmem>>
        %dma_wait3A_130 = tpu.memref_squeeze %dma_wait3A_129 : memref<1x128xi32, #tpu.memory_space<vmem>> -> memref<128xi32, #tpu.memory_space<vmem>>
        %dma_wait3A_131 = arith.constant 0 : i32
        %dma_wait3A_132 = arith.constant 0 : i32
        %dma_wait3A_133 = tpu.memref_slice %arg2[%dma_wait3A_131, %dma_wait3A_132] : memref<10000x128xf32, #tpu.memory_space<hbm>> -> memref<10000x128xf32, #tpu.memory_space<hbm>>
        tpu.wait_indirect_dma semaphore(%arg11 : memref<!tpu.dma_semaphore, #tpu.memory_space<semaphore_mem>>) src(%dma_wait3A_133 : memref<10000x128xf32, #tpu.memory_space<hbm>>) dst(%arg8 : memref<128x128xf32, #tpu.memory_space<vmem>>)
        "tpu.region"() ({
          %run_scoped3A = tpu.sem_alloc : memref<!tpu.dma_semaphore, #tpu.memory_space<semaphore_mem>>
          %dma_start3A_148 = arith.constant 0 : i32
          %dma_start3A_149 = tpu.memref_slice %arg7[%add3A_119, %dma_start3A_148] : memref<40x128xi32, #tpu.memory_space<vmem>> -> memref<1x128xi32, #tpu.memory_space<vmem>>
          %dma_start3A_150 = tpu.memref_squeeze %dma_start3A_149 : memref<1x128xi32, #tpu.memory_space<vmem>> -> memref<128xi32, #tpu.memory_space<vmem>>
          %dma_start3A_151 = arith.constant 0 : i32
          %dma_start3A_152 = arith.constant 0 : i32
          %dma_start3A_153 = tpu.memref_slice %arg10[%dma_start3A_151, %dma_start3A_152] : memref<10240x128xf32, #tpu.memory_space<vmem_shared>> -> memref<10240x128xf32, #tpu.memory_space<vmem_shared>>
          tpu.enqueue_indirect_dma source(%arg8 : memref<128x128xf32, #tpu.memory_space<vmem>>) target(%dma_start3A_153 : memref<10240x128xf32, #tpu.memory_space<vmem_shared>>) offsets(%dma_start3A_150 : memref<128xi32, #tpu.memory_space<vmem>>) semaphore(%run_scoped3A : memref<!tpu.dma_semaphore, #tpu.memory_space<semaphore_mem>>) {add = true}
          %dma_wait3A_154 = arith.constant 0 : i32
          %dma_wait3A_155 = tpu.memref_slice %arg7[%add3A_119, %dma_wait3A_154] : memref<40x128xi32, #tpu.memory_space<vmem>> -> memref<1x128xi32, #tpu.memory_space<vmem>>
          %dma_wait3A_156 = tpu.memref_squeeze %dma_wait3A_155 : memref<1x128xi32, #tpu.memory_space<vmem>> -> memref<128xi32, #tpu.memory_space<vmem>>
          %dma_wait3A_157 = arith.constant 0 : i32
          %dma_wait3A_158 = arith.constant 0 : i32
          %dma_wait3A_159 = tpu.memref_slice %arg10[%dma_wait3A_157, %dma_wait3A_158] : memref<10240x128xf32, #tpu.memory_space<vmem_shared>> -> memref<10240x128xf32, #tpu.memory_space<vmem_shared>>
          tpu.wait_indirect_dma semaphore(%run_scoped3A : memref<!tpu.dma_semaphore, #tpu.memory_space<semaphore_mem>>) src(%arg8 : memref<128x128xf32, #tpu.memory_space<vmem>>) dst(%dma_wait3A_159 : memref<10240x128xf32, #tpu.memory_space<vmem_shared>>)
          tpu.yield
        }) : () -> ()
        %add3A_134 = arith.constant 2 : i32
        %add3A_135 = arith.addi %add3A_119, %add3A_134 : i32
        %lt3A = arith.constant 40 : i32
        %lt3A_136 = arith.cmpi slt, %add3A_135, %lt3A : i32
        %convert_element_type3A = arith.extui %lt3A_136 : i1 to i32
        %cond3A = arith.constant 0 : i32
        %cond3A_137 = arith.cmpi ne, %convert_element_type3A, %cond3A : i32
        scf.if %cond3A_137 {
          %add3A_148 = arith.constant 2 : i32
          %add3A_149 = arith.addi %add3A_119, %add3A_148 : i32
          %dma_start3A_150 = arith.constant 0 : i32
          %dma_start3A_151 = tpu.memref_slice %arg6[%add3A_149, %dma_start3A_150] : memref<40x128xi32, #tpu.memory_space<vmem>> -> memref<1x128xi32, #tpu.memory_space<vmem>>
          %dma_start3A_152 = tpu.memref_squeeze %dma_start3A_151 : memref<1x128xi32, #tpu.memory_space<vmem>> -> memref<128xi32, #tpu.memory_space<vmem>>
          %dma_start3A_153 = arith.constant 0 : i32
          %dma_start3A_154 = arith.constant 0 : i32
          %dma_start3A_155 = tpu.memref_slice %arg2[%dma_start3A_153, %dma_start3A_154] : memref<10000x128xf32, #tpu.memory_space<hbm>> -> memref<10000x128xf32, #tpu.memory_space<hbm>>
          tpu.enqueue_indirect_dma source(%dma_start3A_155 : memref<10000x128xf32, #tpu.memory_space<hbm>>) target(%arg8 : memref<128x128xf32, #tpu.memory_space<vmem>>) offsets(%dma_start3A_152 : memref<128xi32, #tpu.memory_space<vmem>>) semaphore(%arg11 : memref<!tpu.dma_semaphore, #tpu.memory_space<semaphore_mem>>)
        } else {
        }
        %add3A_138 = arith.constant 1 : i32
        %add3A_139 = arith.addi %add3A_119, %add3A_138 : i32
        %dma_wait3A_140 = arith.constant 0 : i32
        %dma_wait3A_141 = tpu.memref_slice %arg6[%add3A_139, %dma_wait3A_140] : memref<40x128xi32, #tpu.memory_space<vmem>> -> memref<1x128xi32, #tpu.memory_space<vmem>>
        %dma_wait3A_142 = tpu.memref_squeeze %dma_wait3A_141 : memref<1x128xi32, #tpu.memory_space<vmem>> -> memref<128xi32, #tpu.memory_space<vmem>>
        %dma_wait3A_143 = arith.constant 0 : i32
        %dma_wait3A_144 = arith.constant 0 : i32
        %dma_wait3A_145 = tpu.memref_slice %arg2[%dma_wait3A_143, %dma_wait3A_144] : memref<10000x128xf32, #tpu.memory_space<hbm>> -> memref<10000x128xf32, #tpu.memory_space<hbm>>
        tpu.wait_indirect_dma semaphore(%arg12 : memref<!tpu.dma_semaphore, #tpu.memory_space<semaphore_mem>>) src(%dma_wait3A_145 : memref<10000x128xf32, #tpu.memory_space<hbm>>) dst(%arg9 : memref<128x128xf32, #tpu.memory_space<vmem>>)
        %add3A_146 = arith.constant 1 : i32
        %add3A_147 = arith.addi %add3A_119, %add3A_146 : i32
        "tpu.region"() ({
          %run_scoped3A = tpu.sem_alloc : memref<!tpu.dma_semaphore, #tpu.memory_space<semaphore_mem>>
          %dma_start3A_148 = arith.constant 0 : i32
          %dma_start3A_149 = tpu.memref_slice %arg7[%add3A_147, %dma_start3A_148] : memref<40x128xi32, #tpu.memory_space<vmem>> -> memref<1x128xi32, #tpu.memory_space<vmem>>
          %dma_start3A_150 = tpu.memref_squeeze %dma_start3A_149 : memref<1x128xi32, #tpu.memory_space<vmem>> -> memref<128xi32, #tpu.memory_space<vmem>>
          %dma_start3A_151 = arith.constant 0 : i32
          %dma_start3A_152 = arith.constant 0 : i32
          %dma_start3A_153 = tpu.memref_slice %arg10[%dma_start3A_151, %dma_start3A_152] : memref<10240x128xf32, #tpu.memory_space<vmem_shared>> -> memref<10240x128xf32, #tpu.memory_space<vmem_shared>>
          tpu.enqueue_indirect_dma source(%arg9 : memref<128x128xf32, #tpu.memory_space<vmem>>) target(%dma_start3A_153 : memref<10240x128xf32, #tpu.memory_space<vmem_shared>>) offsets(%dma_start3A_150 : memref<128xi32, #tpu.memory_space<vmem>>) semaphore(%run_scoped3A : memref<!tpu.dma_semaphore, #tpu.memory_space<semaphore_mem>>) {add = true}
          %dma_wait3A_154 = arith.constant 0 : i32
          %dma_wait3A_155 = tpu.memref_slice %arg7[%add3A_147, %dma_wait3A_154] : memref<40x128xi32, #tpu.memory_space<vmem>> -> memref<1x128xi32, #tpu.memory_space<vmem>>
          %dma_wait3A_156 = tpu.memref_squeeze %dma_wait3A_155 : memref<1x128xi32, #tpu.memory_space<vmem>> -> memref<128xi32, #tpu.memory_space<vmem>>
          %dma_wait3A_157 = arith.constant 0 : i32
          %dma_wait3A_158 = arith.constant 0 : i32
          %dma_wait3A_159 = tpu.memref_slice %arg10[%dma_wait3A_157, %dma_wait3A_158] : memref<10240x128xf32, #tpu.memory_space<vmem_shared>> -> memref<10240x128xf32, #tpu.memory_space<vmem_shared>>
          tpu.wait_indirect_dma semaphore(%run_scoped3A : memref<!tpu.dma_semaphore, #tpu.memory_space<semaphore_mem>>) src(%arg9 : memref<128x128xf32, #tpu.memory_space<vmem>>) dst(%dma_wait3A_159 : memref<10240x128xf32, #tpu.memory_space<vmem_shared>>)
          tpu.yield
        }) : () -> ()
      }
      %scan3A_114 = arith.constant 20 : i32
    }
    %scan3A_89 = arith.constant 2 : i32
    %barrier3A_90 = arith.constant 0 : index
    tpu.barrier barrier_id(%barrier3A_90)
    %mul3A_91 = arith.constant 640 : i32
    %mul3A_92 = arith.muli %arg1, %mul3A_91 : i32
    %mul3A_93 = arith.constant 640 : i32
    %mul3A_94 = arith.muli %arg1, %mul3A_93 : i32
    "tpu.region"() ({
      %run_scoped3A = tpu.sem_alloc : memref<!tpu.dma_semaphore, #tpu.memory_space<semaphore_mem>>
      %dma_start3A_95 = arith.constant 0 : i32
      %dma_start3A_96 = tpu.memref_slice %arg5[%arg0, %mul3A_94, %dma_start3A_95] : memref<2x10240x128xf32, #tpu.memory_space<hbm>> -> memref<1x640x128xf32, #tpu.memory_space<hbm>>
      %dma_start3A_97 = tpu.memref_squeeze %dma_start3A_96 : memref<1x640x128xf32, #tpu.memory_space<hbm>> -> memref<640x128xf32, #tpu.memory_space<hbm>>
      %dma_start3A_98 = arith.constant 0 : i32
      %dma_start3A_99 = tpu.memref_slice %arg10[%mul3A_92, %dma_start3A_98] : memref<10240x128xf32, #tpu.memory_space<vmem_shared>> -> memref<640x128xf32, #tpu.memory_space<vmem_shared>>
      tpu.enqueue_dma source(%dma_start3A_99 : memref<640x128xf32, #tpu.memory_space<vmem_shared>>) target(%dma_start3A_97 : memref<640x128xf32, #tpu.memory_space<hbm>>) target_semaphore(%run_scoped3A : memref<!tpu.dma_semaphore, #tpu.memory_space<semaphore_mem>>)
      %dma_wait3A_100 = arith.constant 0 : i32
      %dma_wait3A_101 = tpu.memref_slice %arg5[%arg0, %mul3A_94, %dma_wait3A_100] : memref<2x10240x128xf32, #tpu.memory_space<hbm>> -> memref<1x640x128xf32, #tpu.memory_space<hbm>>
      %dma_wait3A_102 = tpu.memref_squeeze %dma_wait3A_101 : memref<1x640x128xf32, #tpu.memory_space<hbm>> -> memref<640x128xf32, #tpu.memory_space<hbm>>
      %dma_wait3A_103 = arith.constant 0 : i32
      %dma_wait3A_104 = tpu.memref_slice %arg10[%mul3A_92, %dma_wait3A_103] : memref<10240x128xf32, #tpu.memory_space<vmem_shared>> -> memref<640x128xf32, #tpu.memory_space<vmem_shared>>
      tpu.wait_dma2 semaphore(%run_scoped3A : memref<!tpu.dma_semaphore, #tpu.memory_space<semaphore_mem>>) src(%dma_wait3A_104 : memref<640x128xf32, #tpu.memory_space<vmem_shared>>) dst(%dma_wait3A_102 : memref<640x128xf32, #tpu.memory_space<hbm>>)
      tpu.yield
    }) : () -> ()
    return
  }
}

#map = affine_map<(d0, d1) -> (0, 0)>
#map1 = affine_map<(d0, d1) -> (0, 0, 0)>
module attributes {stable_mosaic.version = 14 : i64} {
  func.func @_sc_agg_body(%arg0: i32, %arg1: i32, %arg2: memref<10000x128xf32, #tpu.memory_space<hbm>>, %arg3: memref<2560x128xi32, #tpu.memory_space<hbm>>, %arg4: memref<2560x128xi32, #tpu.memory_space<hbm>>, %arg5: memref<2x10240x128xf32, #tpu.memory_space<hbm>>, %arg6: memref<40x128xi32, #tpu.memory_space<vmem>>, %arg7: memref<40x128xi32, #tpu.memory_space<vmem>>, %arg8: memref<128x128xf32, #tpu.memory_space<vmem>>, %arg9: memref<128x128xf32, #tpu.memory_space<vmem>>, %arg10: memref<10240x128xf32, #tpu.memory_space<vmem_shared>>, %arg11: memref<!tpu.dma_semaphore, #tpu.memory_space<semaphore_mem>>, %arg12: memref<!tpu.dma_semaphore, #tpu.memory_space<semaphore_mem>>, %arg13: memref<!tpu.dma_semaphore, #tpu.memory_space<semaphore_mem>>, %arg14: memref<!tpu.dma_semaphore, #tpu.memory_space<semaphore_mem>>) attributes {dimension_semantics = [#tpu.dimension_semantics<core_parallel>, #tpu.dimension_semantics<subcore_parallel>], iteration_bounds = array<i64: 2, 16>, scalar_prefetch = 0 : i64, scratch_operands = 9 : i64, tpu.core_type = #tpu.core_type<sc_vector_subcore>, window_params = [{transform_indices = #map}, {transform_indices = #map}, {transform_indices = #map}, {transform_indices = #map1}]} {
    %mul3A = arith.constant 16 : i32
    %mul3A_0 = arith.muli %arg0, %mul3A : i32
    %add3A = arith.addi %mul3A_0, %arg1 : i32
    %scan3A = arith.constant 0 : i32
    %scan3A_1 = arith.constant 128 : i32
    %scan3A_2 = arith.addi %scan3A, %scan3A_1 : i32
    %scan3A_3 = arith.constant 1 : i32
    scf.for %scan3A_95 = %scan3A to %scan3A_2 step %scan3A_3  : i32 {
      %mul3A_96 = arith.constant 1 : i32
      %mul3A_97 = arith.muli %scan3A_95, %mul3A_96 : i32
      %add3A_98 = arith.constant 0 : i32
      %add3A_99 = arith.addi %add3A_98, %mul3A_97 : i32
      %scan3A_100 = arith.constant 0 : i32
      %scan3A_101 = arith.constant 8 : i32
      %scan3A_102 = arith.addi %scan3A_100, %scan3A_101 : i32
      %scan3A_103 = arith.constant 1 : i32
      scf.for %scan3A_105 = %scan3A_100 to %scan3A_102 step %scan3A_103  : i32 {
        %mul3A_106 = arith.constant 1 : i32
        %mul3A_107 = arith.muli %scan3A_105, %mul3A_106 : i32
        %add3A_108 = arith.constant 0 : i32
        %add3A_109 = arith.addi %add3A_108, %mul3A_107 : i32
        %broadcast_in_dim3A = arith.constant 0.000000e+00 : f32
        %broadcast_in_dim3A_110 = vector.broadcast %broadcast_in_dim3A : f32 to vector<16xf32>
        %mul3A_111 = arith.constant 16 : i32
        %mul3A_112 = arith.muli %add3A_109, %mul3A_111 : i32
        %swap3A = arith.index_cast %add3A_99 : i32 to index
        %swap3A_113 = arith.index_cast %mul3A_112 : i32 to index
        %swap3A_114 = tpu.vector_load %arg8[%swap3A, %swap3A_113] {strides = array<i32>} : memref<128x128xf32, #tpu.memory_space<vmem>>, vector<1x16xf32>,
        %swap3A_115 = vector.shape_cast %swap3A_114 : vector<1x16xf32> to vector<16xf32>
        %swap3A_116 = vector.shape_cast %broadcast_in_dim3A_110 : vector<16xf32> to vector<1x16xf32>
        tpu.vector_store %arg8[%swap3A, %swap3A_113], %swap3A_116 {strides = array<i32>} : memref<128x128xf32, #tpu.memory_space<vmem>>, vector<1x16xf32>,
      }
      %scan3A_104 = arith.constant 8 : i32
    }
    %scan3A_4 = arith.constant 128 : i32
    %mul3A_5 = arith.constant 640 : i32
    %mul3A_6 = arith.muli %arg1, %mul3A_5 : i32
    %add3A_7 = arith.constant 0 : i32
    %add3A_8 = arith.addi %mul3A_6, %add3A_7 : i32
    %dma_start3A = arith.constant 0 : i32
    %dma_start3A_9 = tpu.memref_slice %arg10[%add3A_8, %dma_start3A] : memref<10240x128xf32, #tpu.memory_space<vmem_shared>> -> memref<128x128xf32, #tpu.memory_space<vmem_shared>>
    %dma_start3A_10 = arith.constant 0 : i32
    %dma_start3A_11 = tpu.memref_slice %arg10[%add3A_8, %dma_start3A_10] : memref<10240x128xf32, #tpu.memory_space<vmem_shared>> -> memref<128x128xf32, #tpu.memory_space<vmem_shared>>
    tpu.enqueue_dma source(%arg8 : memref<128x128xf32, #tpu.memory_space<vmem>>) target(%dma_start3A_11 : memref<128x128xf32, #tpu.memory_space<vmem_shared>>) target_semaphore(%arg13 : memref<!tpu.dma_semaphore, #tpu.memory_space<semaphore_mem>>)
    %mul3A_12 = arith.constant 640 : i32
    %mul3A_13 = arith.muli %arg1, %mul3A_12 : i32
    %add3A_14 = arith.constant 128 : i32
    %add3A_15 = arith.addi %mul3A_13, %add3A_14 : i32
    %dma_start3A_16 = arith.constant 0 : i32
    %dma_start3A_17 = tpu.memref_slice %arg10[%add3A_15, %dma_start3A_16] : memref<10240x128xf32, #tpu.memory_space<vmem_shared>> -> memref<128x128xf32, #tpu.memory_space<vmem_shared>>
    %dma_start3A_18 = arith.constant 0 : i32
    %dma_start3A_19 = tpu.memref_slice %arg10[%add3A_15, %dma_start3A_18] : memref<10240x128xf32, #tpu.memory_space<vmem_shared>> -> memref<128x128xf32, #tpu.memory_space<vmem_shared>>
    tpu.enqueue_dma source(%arg8 : memref<128x128xf32, #tpu.memory_space<vmem>>) target(%dma_start3A_19 : memref<128x128xf32, #tpu.memory_space<vmem_shared>>) target_semaphore(%arg13 : memref<!tpu.dma_semaphore, #tpu.memory_space<semaphore_mem>>)
    %mul3A_20 = arith.constant 640 : i32
    %mul3A_21 = arith.muli %arg1, %mul3A_20 : i32
    %add3A_22 = arith.constant 256 : i32
    %add3A_23 = arith.addi %mul3A_21, %add3A_22 : i32
    %dma_start3A_24 = arith.constant 0 : i32
    %dma_start3A_25 = tpu.memref_slice %arg10[%add3A_23, %dma_start3A_24] : memref<10240x128xf32, #tpu.memory_space<vmem_shared>> -> memref<128x128xf32, #tpu.memory_space<vmem_shared>>
    %dma_start3A_26 = arith.constant 0 : i32
    %dma_start3A_27 = tpu.memref_slice %arg10[%add3A_23, %dma_start3A_26] : memref<10240x128xf32, #tpu.memory_space<vmem_shared>> -> memref<128x128xf32, #tpu.memory_space<vmem_shared>>
    tpu.enqueue_dma source(%arg8 : memref<128x128xf32, #tpu.memory_space<vmem>>) target(%dma_start3A_27 : memref<128x128xf32, #tpu.memory_space<vmem_shared>>) target_semaphore(%arg13 : memref<!tpu.dma_semaphore, #tpu.memory_space<semaphore_mem>>)
    %mul3A_28 = arith.constant 640 : i32
    %mul3A_29 = arith.muli %arg1, %mul3A_28 : i32
    %add3A_30 = arith.constant 384 : i32
    %add3A_31 = arith.addi %mul3A_29, %add3A_30 : i32
    %dma_start3A_32 = arith.constant 0 : i32
    %dma_start3A_33 = tpu.memref_slice %arg10[%add3A_31, %dma_start3A_32] : memref<10240x128xf32, #tpu.memory_space<vmem_shared>> -> memref<128x128xf32, #tpu.memory_space<vmem_shared>>
    %dma_start3A_34 = arith.constant 0 : i32
    %dma_start3A_35 = tpu.memref_slice %arg10[%add3A_31, %dma_start3A_34] : memref<10240x128xf32, #tpu.memory_space<vmem_shared>> -> memref<128x128xf32, #tpu.memory_space<vmem_shared>>
    tpu.enqueue_dma source(%arg8 : memref<128x128xf32, #tpu.memory_space<vmem>>) target(%dma_start3A_35 : memref<128x128xf32, #tpu.memory_space<vmem_shared>>) target_semaphore(%arg13 : memref<!tpu.dma_semaphore, #tpu.memory_space<semaphore_mem>>)
    %mul3A_36 = arith.constant 640 : i32
    %mul3A_37 = arith.muli %arg1, %mul3A_36 : i32
    %add3A_38 = arith.constant 512 : i32
    %add3A_39 = arith.addi %mul3A_37, %add3A_38 : i32
    %dma_start3A_40 = arith.constant 0 : i32
    %dma_start3A_41 = tpu.memref_slice %arg10[%add3A_39, %dma_start3A_40] : memref<10240x128xf32, #tpu.memory_space<vmem_shared>> -> memref<128x128xf32, #tpu.memory_space<vmem_shared>>
    %dma_start3A_42 = arith.constant 0 : i32
    %dma_start3A_43 = tpu.memref_slice %arg10[%add3A_39, %dma_start3A_42] : memref<10240x128xf32, #tpu.memory_space<vmem_shared>> -> memref<128x128xf32, #tpu.memory_space<vmem_shared>>
    tpu.enqueue_dma source(%arg8 : memref<128x128xf32, #tpu.memory_space<vmem>>) target(%dma_start3A_43 : memref<128x128xf32, #tpu.memory_space<vmem_shared>>) target_semaphore(%arg13 : memref<!tpu.dma_semaphore, #tpu.memory_space<semaphore_mem>>)
    %mul3A_44 = arith.constant 640 : i32
    %mul3A_45 = arith.muli %arg1, %mul3A_44 : i32
    %add3A_46 = arith.constant 0 : i32
    %add3A_47 = arith.addi %mul3A_45, %add3A_46 : i32
    %dma_wait3A = arith.constant 0 : i32
    %dma_wait3A_48 = tpu.memref_slice %arg10[%add3A_47, %dma_wait3A] : memref<10240x128xf32, #tpu.memory_space<vmem_shared>> -> memref<128x128xf32, #tpu.memory_space<vmem_shared>>
    %dma_wait3A_49 = arith.constant 0 : i32
    %dma_wait3A_50 = tpu.memref_slice %arg10[%add3A_47, %dma_wait3A_49] : memref<10240x128xf32, #tpu.memory_space<vmem_shared>> -> memref<128x128xf32, #tpu.memory_space<vmem_shared>>
    tpu.wait_dma2 semaphore(%arg13 : memref<!tpu.dma_semaphore, #tpu.memory_space<semaphore_mem>>) src(%arg8 : memref<128x128xf32, #tpu.memory_space<vmem>>) dst(%dma_wait3A_50 : memref<128x128xf32, #tpu.memory_space<vmem_shared>>)
    %mul3A_51 = arith.constant 640 : i32
    %mul3A_52 = arith.muli %arg1, %mul3A_51 : i32
    %add3A_53 = arith.constant 128 : i32
    %add3A_54 = arith.addi %mul3A_52, %add3A_53 : i32
    %dma_wait3A_55 = arith.constant 0 : i32
    %dma_wait3A_56 = tpu.memref_slice %arg10[%add3A_54, %dma_wait3A_55] : memref<10240x128xf32, #tpu.memory_space<vmem_shared>> -> memref<128x128xf32, #tpu.memory_space<vmem_shared>>
    %dma_wait3A_57 = arith.constant 0 : i32
    %dma_wait3A_58 = tpu.memref_slice %arg10[%add3A_54, %dma_wait3A_57] : memref<10240x128xf32, #tpu.memory_space<vmem_shared>> -> memref<128x128xf32, #tpu.memory_space<vmem_shared>>
    tpu.wait_dma2 semaphore(%arg13 : memref<!tpu.dma_semaphore, #tpu.memory_space<semaphore_mem>>) src(%arg8 : memref<128x128xf32, #tpu.memory_space<vmem>>) dst(%dma_wait3A_58 : memref<128x128xf32, #tpu.memory_space<vmem_shared>>)
    %mul3A_59 = arith.constant 640 : i32
    %mul3A_60 = arith.muli %arg1, %mul3A_59 : i32
    %add3A_61 = arith.constant 256 : i32
    %add3A_62 = arith.addi %mul3A_60, %add3A_61 : i32
    %dma_wait3A_63 = arith.constant 0 : i32
    %dma_wait3A_64 = tpu.memref_slice %arg10[%add3A_62, %dma_wait3A_63] : memref<10240x128xf32, #tpu.memory_space<vmem_shared>> -> memref<128x128xf32, #tpu.memory_space<vmem_shared>>
    %dma_wait3A_65 = arith.constant 0 : i32
    %dma_wait3A_66 = tpu.memref_slice %arg10[%add3A_62, %dma_wait3A_65] : memref<10240x128xf32, #tpu.memory_space<vmem_shared>> -> memref<128x128xf32, #tpu.memory_space<vmem_shared>>
    tpu.wait_dma2 semaphore(%arg13 : memref<!tpu.dma_semaphore, #tpu.memory_space<semaphore_mem>>) src(%arg8 : memref<128x128xf32, #tpu.memory_space<vmem>>) dst(%dma_wait3A_66 : memref<128x128xf32, #tpu.memory_space<vmem_shared>>)
    %mul3A_67 = arith.constant 640 : i32
    %mul3A_68 = arith.muli %arg1, %mul3A_67 : i32
    %add3A_69 = arith.constant 384 : i32
    %add3A_70 = arith.addi %mul3A_68, %add3A_69 : i32
    %dma_wait3A_71 = arith.constant 0 : i32
    %dma_wait3A_72 = tpu.memref_slice %arg10[%add3A_70, %dma_wait3A_71] : memref<10240x128xf32, #tpu.memory_space<vmem_shared>> -> memref<128x128xf32, #tpu.memory_space<vmem_shared>>
    %dma_wait3A_73 = arith.constant 0 : i32
    %dma_wait3A_74 = tpu.memref_slice %arg10[%add3A_70, %dma_wait3A_73] : memref<10240x128xf32, #tpu.memory_space<vmem_shared>> -> memref<128x128xf32, #tpu.memory_space<vmem_shared>>
    tpu.wait_dma2 semaphore(%arg13 : memref<!tpu.dma_semaphore, #tpu.memory_space<semaphore_mem>>) src(%arg8 : memref<128x128xf32, #tpu.memory_space<vmem>>) dst(%dma_wait3A_74 : memref<128x128xf32, #tpu.memory_space<vmem_shared>>)
    %mul3A_75 = arith.constant 640 : i32
    %mul3A_76 = arith.muli %arg1, %mul3A_75 : i32
    %add3A_77 = arith.constant 512 : i32
    %add3A_78 = arith.addi %mul3A_76, %add3A_77 : i32
    %dma_wait3A_79 = arith.constant 0 : i32
    %dma_wait3A_80 = tpu.memref_slice %arg10[%add3A_78, %dma_wait3A_79] : memref<10240x128xf32, #tpu.memory_space<vmem_shared>> -> memref<128x128xf32, #tpu.memory_space<vmem_shared>>
    %dma_wait3A_81 = arith.constant 0 : i32
    %dma_wait3A_82 = tpu.memref_slice %arg10[%add3A_78, %dma_wait3A_81] : memref<10240x128xf32, #tpu.memory_space<vmem_shared>> -> memref<128x128xf32, #tpu.memory_space<vmem_shared>>
    tpu.wait_dma2 semaphore(%arg13 : memref<!tpu.dma_semaphore, #tpu.memory_space<semaphore_mem>>) src(%arg8 : memref<128x128xf32, #tpu.memory_space<vmem>>) dst(%dma_wait3A_82 : memref<128x128xf32, #tpu.memory_space<vmem_shared>>)
    %mul3A_83 = arith.constant 80 : i32
    %mul3A_84 = arith.muli %add3A, %mul3A_83 : i32
    %barrier3A = arith.constant 0 : index
    tpu.barrier barrier_id(%barrier3A)
    %scan3A_85 = arith.constant 0 : i32
    %scan3A_86 = arith.constant 2 : i32
    %scan3A_87 = arith.addi %scan3A_85, %scan3A_86 : i32
    %scan3A_88 = arith.constant 1 : i32
    scf.for %scan3A_95 = %scan3A_85 to %scan3A_87 step %scan3A_88  : i32 {
      %mul3A_96 = arith.constant 1 : i32
      %mul3A_97 = arith.muli %scan3A_95, %mul3A_96 : i32
      %add3A_98 = arith.constant 0 : i32
      %add3A_99 = arith.addi %add3A_98, %mul3A_97 : i32
      %mul3A_100 = arith.constant 40 : i32
      %mul3A_101 = arith.muli %add3A_99, %mul3A_100 : i32
      %add3A_102 = arith.addi %mul3A_84, %mul3A_101 : i32
      "tpu.region"() ({
        %run_scoped3A = tpu.sem_alloc : memref<!tpu.dma_semaphore, #tpu.memory_space<semaphore_mem>>
        %dma_start3A_115 = arith.constant 0 : i32
        %dma_start3A_116 = tpu.memref_slice %arg3[%add3A_102, %dma_start3A_115] : memref<2560x128xi32, #tpu.memory_space<hbm>> -> memref<40x128xi32, #tpu.memory_space<hbm>>
        %dma_start3A_117 = arith.constant 0 : i32
        %dma_start3A_118 = tpu.memref_slice %arg3[%add3A_102, %dma_start3A_117] : memref<2560x128xi32, #tpu.memory_space<hbm>> -> memref<40x128xi32, #tpu.memory_space<hbm>>
        tpu.enqueue_dma source(%dma_start3A_118 : memref<40x128xi32, #tpu.memory_space<hbm>>) target(%arg6 : memref<40x128xi32, #tpu.memory_space<vmem>>) target_semaphore(%run_scoped3A : memref<!tpu.dma_semaphore, #tpu.memory_space<semaphore_mem>>)
        %dma_wait3A_119 = arith.constant 0 : i32
        %dma_wait3A_120 = tpu.memref_slice %arg3[%add3A_102, %dma_wait3A_119] : memref<2560x128xi32, #tpu.memory_space<hbm>> -> memref<40x128xi32, #tpu.memory_space<hbm>>
        %dma_wait3A_121 = arith.constant 0 : i32
        %dma_wait3A_122 = tpu.memref_slice %arg3[%add3A_102, %dma_wait3A_121] : memref<2560x128xi32, #tpu.memory_space<hbm>> -> memref<40x128xi32, #tpu.memory_space<hbm>>
        tpu.wait_dma2 semaphore(%run_scoped3A : memref<!tpu.dma_semaphore, #tpu.memory_space<semaphore_mem>>) src(%dma_wait3A_122 : memref<40x128xi32, #tpu.memory_space<hbm>>) dst(%arg6 : memref<40x128xi32, #tpu.memory_space<vmem>>)
        tpu.yield
      }) : () -> ()
      "tpu.region"() ({
        %run_scoped3A = tpu.sem_alloc : memref<!tpu.dma_semaphore, #tpu.memory_space<semaphore_mem>>
        %dma_start3A_115 = arith.constant 0 : i32
        %dma_start3A_116 = tpu.memref_slice %arg4[%add3A_102, %dma_start3A_115] : memref<2560x128xi32, #tpu.memory_space<hbm>> -> memref<40x128xi32, #tpu.memory_space<hbm>>
        %dma_start3A_117 = arith.constant 0 : i32
        %dma_start3A_118 = tpu.memref_slice %arg4[%add3A_102, %dma_start3A_117] : memref<2560x128xi32, #tpu.memory_space<hbm>> -> memref<40x128xi32, #tpu.memory_space<hbm>>
        tpu.enqueue_dma source(%dma_start3A_118 : memref<40x128xi32, #tpu.memory_space<hbm>>) target(%arg7 : memref<40x128xi32, #tpu.memory_space<vmem>>) target_semaphore(%run_scoped3A : memref<!tpu.dma_semaphore, #tpu.memory_space<semaphore_mem>>)
        %dma_wait3A_119 = arith.constant 0 : i32
        %dma_wait3A_120 = tpu.memref_slice %arg4[%add3A_102, %dma_wait3A_119] : memref<2560x128xi32, #tpu.memory_space<hbm>> -> memref<40x128xi32, #tpu.memory_space<hbm>>
        %dma_wait3A_121 = arith.constant 0 : i32
        %dma_wait3A_122 = tpu.memref_slice %arg4[%add3A_102, %dma_wait3A_121] : memref<2560x128xi32, #tpu.memory_space<hbm>> -> memref<40x128xi32, #tpu.memory_space<hbm>>
        tpu.wait_dma2 semaphore(%run_scoped3A : memref<!tpu.dma_semaphore, #tpu.memory_space<semaphore_mem>>) src(%dma_wait3A_122 : memref<40x128xi32, #tpu.memory_space<hbm>>) dst(%arg7 : memref<40x128xi32, #tpu.memory_space<vmem>>)
        tpu.yield
      }) : () -> ()
      %dma_start3A_103 = arith.constant 0 : i32
      %dma_start3A_104 = arith.constant 0 : i32
      %dma_start3A_105 = tpu.memref_slice %arg6[%dma_start3A_103, %dma_start3A_104] : memref<40x128xi32, #tpu.memory_space<vmem>> -> memref<1x128xi32, #tpu.memory_space<vmem>>
      %dma_start3A_106 = tpu.memref_squeeze %dma_start3A_105 : memref<1x128xi32, #tpu.memory_space<vmem>> -> memref<128xi32, #tpu.memory_space<vmem>>
      %dma_start3A_107 = arith.constant 0 : i32
      %dma_start3A_108 = arith.constant 0 : i32
      %dma_start3A_109 = tpu.memref_slice %arg2[%dma_start3A_107, %dma_start3A_108] : memref<10000x128xf32, #tpu.memory_space<hbm>> -> memref<10000x128xf32, #tpu.memory_space<hbm>>
      tpu.enqueue_indirect_dma source(%dma_start3A_109 : memref<10000x128xf32, #tpu.memory_space<hbm>>) target(%arg8 : memref<128x128xf32, #tpu.memory_space<vmem>>) offsets(%dma_start3A_106 : memref<128xi32, #tpu.memory_space<vmem>>) semaphore(%arg11 : memref<!tpu.dma_semaphore, #tpu.memory_space<semaphore_mem>>)
      %scan3A_110 = arith.constant 0 : i32
      %scan3A_111 = arith.constant 20 : i32
      %scan3A_112 = arith.addi %scan3A_110, %scan3A_111 : i32
      %scan3A_113 = arith.constant 1 : i32
      scf.for %scan3A_115 = %scan3A_110 to %scan3A_112 step %scan3A_113  : i32 {
        %mul3A_116 = arith.constant 2 : i32
        %mul3A_117 = arith.muli %scan3A_115, %mul3A_116 : i32
        %add3A_118 = arith.constant 0 : i32
        %add3A_119 = arith.addi %add3A_118, %mul3A_117 : i32
        %add3A_120 = arith.constant 1 : i32
        %add3A_121 = arith.addi %add3A_119, %add3A_120 : i32
        %dma_start3A_122 = arith.constant 0 : i32
        %dma_start3A_123 = tpu.memref_slice %arg6[%add3A_121, %dma_start3A_122] : memref<40x128xi32, #tpu.memory_space<vmem>> -> memref<1x128xi32, #tpu.memory_space<vmem>>
        %dma_start3A_124 = tpu.memref_squeeze %dma_start3A_123 : memref<1x128xi32, #tpu.memory_space<vmem>> -> memref<128xi32, #tpu.memory_space<vmem>>
        %dma_start3A_125 = arith.constant 0 : i32
        %dma_start3A_126 = arith.constant 0 : i32
        %dma_start3A_127 = tpu.memref_slice %arg2[%dma_start3A_125, %dma_start3A_126] : memref<10000x128xf32, #tpu.memory_space<hbm>> -> memref<10000x128xf32, #tpu.memory_space<hbm>>
        tpu.enqueue_indirect_dma source(%dma_start3A_127 : memref<10000x128xf32, #tpu.memory_space<hbm>>) target(%arg9 : memref<128x128xf32, #tpu.memory_space<vmem>>) offsets(%dma_start3A_124 : memref<128xi32, #tpu.memory_space<vmem>>) semaphore(%arg12 : memref<!tpu.dma_semaphore, #tpu.memory_space<semaphore_mem>>)
        %dma_wait3A_128 = arith.constant 0 : i32
        %dma_wait3A_129 = tpu.memref_slice %arg6[%add3A_119, %dma_wait3A_128] : memref<40x128xi32, #tpu.memory_space<vmem>> -> memref<1x128xi32, #tpu.memory_space<vmem>>
        %dma_wait3A_130 = tpu.memref_squeeze %dma_wait3A_129 : memref<1x128xi32, #tpu.memory_space<vmem>> -> memref<128xi32, #tpu.memory_space<vmem>>
        %dma_wait3A_131 = arith.constant 0 : i32
        %dma_wait3A_132 = arith.constant 0 : i32
        %dma_wait3A_133 = tpu.memref_slice %arg2[%dma_wait3A_131, %dma_wait3A_132] : memref<10000x128xf32, #tpu.memory_space<hbm>> -> memref<10000x128xf32, #tpu.memory_space<hbm>>
        tpu.wait_indirect_dma semaphore(%arg11 : memref<!tpu.dma_semaphore, #tpu.memory_space<semaphore_mem>>) src(%dma_wait3A_133 : memref<10000x128xf32, #tpu.memory_space<hbm>>) dst(%arg8 : memref<128x128xf32, #tpu.memory_space<vmem>>)
        "tpu.region"() ({
          %run_scoped3A = tpu.sem_alloc : memref<!tpu.dma_semaphore, #tpu.memory_space<semaphore_mem>>
          %dma_start3A_148 = arith.constant 0 : i32
          %dma_start3A_149 = tpu.memref_slice %arg7[%add3A_119, %dma_start3A_148] : memref<40x128xi32, #tpu.memory_space<vmem>> -> memref<1x128xi32, #tpu.memory_space<vmem>>
          %dma_start3A_150 = tpu.memref_squeeze %dma_start3A_149 : memref<1x128xi32, #tpu.memory_space<vmem>> -> memref<128xi32, #tpu.memory_space<vmem>>
          %dma_start3A_151 = arith.constant 0 : i32
          %dma_start3A_152 = arith.constant 0 : i32
          %dma_start3A_153 = tpu.memref_slice %arg10[%dma_start3A_151, %dma_start3A_152] : memref<10240x128xf32, #tpu.memory_space<vmem_shared>> -> memref<10240x128xf32, #tpu.memory_space<vmem_shared>>
          tpu.enqueue_indirect_dma source(%arg8 : memref<128x128xf32, #tpu.memory_space<vmem>>) target(%dma_start3A_153 : memref<10240x128xf32, #tpu.memory_space<vmem_shared>>) offsets(%dma_start3A_150 : memref<128xi32, #tpu.memory_space<vmem>>) semaphore(%run_scoped3A : memref<!tpu.dma_semaphore, #tpu.memory_space<semaphore_mem>>) {add = true}
          %dma_wait3A_154 = arith.constant 0 : i32
          %dma_wait3A_155 = tpu.memref_slice %arg7[%add3A_119, %dma_wait3A_154] : memref<40x128xi32, #tpu.memory_space<vmem>> -> memref<1x128xi32, #tpu.memory_space<vmem>>
          %dma_wait3A_156 = tpu.memref_squeeze %dma_wait3A_155 : memref<1x128xi32, #tpu.memory_space<vmem>> -> memref<128xi32, #tpu.memory_space<vmem>>
          %dma_wait3A_157 = arith.constant 0 : i32
          %dma_wait3A_158 = arith.constant 0 : i32
          %dma_wait3A_159 = tpu.memref_slice %arg10[%dma_wait3A_157, %dma_wait3A_158] : memref<10240x128xf32, #tpu.memory_space<vmem_shared>> -> memref<10240x128xf32, #tpu.memory_space<vmem_shared>>
          tpu.wait_indirect_dma semaphore(%run_scoped3A : memref<!tpu.dma_semaphore, #tpu.memory_space<semaphore_mem>>) src(%arg8 : memref<128x128xf32, #tpu.memory_space<vmem>>) dst(%dma_wait3A_159 : memref<10240x128xf32, #tpu.memory_space<vmem_shared>>)
          tpu.yield
        }) : () -> ()
        %add3A_134 = arith.constant 2 : i32
        %add3A_135 = arith.addi %add3A_119, %add3A_134 : i32
        %lt3A = arith.constant 40 : i32
        %lt3A_136 = arith.cmpi slt, %add3A_135, %lt3A : i32
        %convert_element_type3A = arith.extui %lt3A_136 : i1 to i32
        %cond3A = arith.constant 0 : i32
        %cond3A_137 = arith.cmpi ne, %convert_element_type3A, %cond3A : i32
        scf.if %cond3A_137 {
          %add3A_148 = arith.constant 2 : i32
          %add3A_149 = arith.addi %add3A_119, %add3A_148 : i32
          %dma_start3A_150 = arith.constant 0 : i32
          %dma_start3A_151 = tpu.memref_slice %arg6[%add3A_149, %dma_start3A_150] : memref<40x128xi32, #tpu.memory_space<vmem>> -> memref<1x128xi32, #tpu.memory_space<vmem>>
          %dma_start3A_152 = tpu.memref_squeeze %dma_start3A_151 : memref<1x128xi32, #tpu.memory_space<vmem>> -> memref<128xi32, #tpu.memory_space<vmem>>
          %dma_start3A_153 = arith.constant 0 : i32
          %dma_start3A_154 = arith.constant 0 : i32
          %dma_start3A_155 = tpu.memref_slice %arg2[%dma_start3A_153, %dma_start3A_154] : memref<10000x128xf32, #tpu.memory_space<hbm>> -> memref<10000x128xf32, #tpu.memory_space<hbm>>
          tpu.enqueue_indirect_dma source(%dma_start3A_155 : memref<10000x128xf32, #tpu.memory_space<hbm>>) target(%arg8 : memref<128x128xf32, #tpu.memory_space<vmem>>) offsets(%dma_start3A_152 : memref<128xi32, #tpu.memory_space<vmem>>) semaphore(%arg11 : memref<!tpu.dma_semaphore, #tpu.memory_space<semaphore_mem>>)
        } else {
        }
        %add3A_138 = arith.constant 1 : i32
        %add3A_139 = arith.addi %add3A_119, %add3A_138 : i32
        %dma_wait3A_140 = arith.constant 0 : i32
        %dma_wait3A_141 = tpu.memref_slice %arg6[%add3A_139, %dma_wait3A_140] : memref<40x128xi32, #tpu.memory_space<vmem>> -> memref<1x128xi32, #tpu.memory_space<vmem>>
        %dma_wait3A_142 = tpu.memref_squeeze %dma_wait3A_141 : memref<1x128xi32, #tpu.memory_space<vmem>> -> memref<128xi32, #tpu.memory_space<vmem>>
        %dma_wait3A_143 = arith.constant 0 : i32
        %dma_wait3A_144 = arith.constant 0 : i32
        %dma_wait3A_145 = tpu.memref_slice %arg2[%dma_wait3A_143, %dma_wait3A_144] : memref<10000x128xf32, #tpu.memory_space<hbm>> -> memref<10000x128xf32, #tpu.memory_space<hbm>>
        tpu.wait_indirect_dma semaphore(%arg12 : memref<!tpu.dma_semaphore, #tpu.memory_space<semaphore_mem>>) src(%dma_wait3A_145 : memref<10000x128xf32, #tpu.memory_space<hbm>>) dst(%arg9 : memref<128x128xf32, #tpu.memory_space<vmem>>)
        %add3A_146 = arith.constant 1 : i32
        %add3A_147 = arith.addi %add3A_119, %add3A_146 : i32
        "tpu.region"() ({
          %run_scoped3A = tpu.sem_alloc : memref<!tpu.dma_semaphore, #tpu.memory_space<semaphore_mem>>
          %dma_start3A_148 = arith.constant 0 : i32
          %dma_start3A_149 = tpu.memref_slice %arg7[%add3A_147, %dma_start3A_148] : memref<40x128xi32, #tpu.memory_space<vmem>> -> memref<1x128xi32, #tpu.memory_space<vmem>>
          %dma_start3A_150 = tpu.memref_squeeze %dma_start3A_149 : memref<1x128xi32, #tpu.memory_space<vmem>> -> memref<128xi32, #tpu.memory_space<vmem>>
          %dma_start3A_151 = arith.constant 0 : i32
          %dma_start3A_152 = arith.constant 0 : i32
          %dma_start3A_153 = tpu.memref_slice %arg10[%dma_start3A_151, %dma_start3A_152] : memref<10240x128xf32, #tpu.memory_space<vmem_shared>> -> memref<10240x128xf32, #tpu.memory_space<vmem_shared>>
          tpu.enqueue_indirect_dma source(%arg9 : memref<128x128xf32, #tpu.memory_space<vmem>>) target(%dma_start3A_153 : memref<10240x128xf32, #tpu.memory_space<vmem_shared>>) offsets(%dma_start3A_150 : memref<128xi32, #tpu.memory_space<vmem>>) semaphore(%run_scoped3A : memref<!tpu.dma_semaphore, #tpu.memory_space<semaphore_mem>>) {add = true}
          %dma_wait3A_154 = arith.constant 0 : i32
          %dma_wait3A_155 = tpu.memref_slice %arg7[%add3A_147, %dma_wait3A_154] : memref<40x128xi32, #tpu.memory_space<vmem>> -> memref<1x128xi32, #tpu.memory_space<vmem>>
          %dma_wait3A_156 = tpu.memref_squeeze %dma_wait3A_155 : memref<1x128xi32, #tpu.memory_space<vmem>> -> memref<128xi32, #tpu.memory_space<vmem>>
          %dma_wait3A_157 = arith.constant 0 : i32
          %dma_wait3A_158 = arith.constant 0 : i32
          %dma_wait3A_159 = tpu.memref_slice %arg10[%dma_wait3A_157, %dma_wait3A_158] : memref<10240x128xf32, #tpu.memory_space<vmem_shared>> -> memref<10240x128xf32, #tpu.memory_space<vmem_shared>>
          tpu.wait_indirect_dma semaphore(%run_scoped3A : memref<!tpu.dma_semaphore, #tpu.memory_space<semaphore_mem>>) src(%arg9 : memref<128x128xf32, #tpu.memory_space<vmem>>) dst(%dma_wait3A_159 : memref<10240x128xf32, #tpu.memory_space<vmem_shared>>)
          tpu.yield
        }) : () -> ()
      }
      %scan3A_114 = arith.constant 20 : i32
    }
    %scan3A_89 = arith.constant 2 : i32
    %barrier3A_90 = arith.constant 0 : index
    tpu.barrier barrier_id(%barrier3A_90)
    %mul3A_91 = arith.constant 640 : i32
    %mul3A_92 = arith.muli %arg1, %mul3A_91 : i32
    %mul3A_93 = arith.constant 640 : i32
    %mul3A_94 = arith.muli %arg1, %mul3A_93 : i32
    "tpu.region"() ({
      %run_scoped3A = tpu.sem_alloc : memref<!tpu.dma_semaphore, #tpu.memory_space<semaphore_mem>>
      %dma_start3A_95 = arith.constant 0 : i32
      %dma_start3A_96 = tpu.memref_slice %arg5[%arg0, %mul3A_94, %dma_start3A_95] : memref<2x10240x128xf32, #tpu.memory_space<hbm>> -> memref<1x640x128xf32, #tpu.memory_space<hbm>>
      %dma_start3A_97 = tpu.memref_squeeze %dma_start3A_96 : memref<1x640x128xf32, #tpu.memory_space<hbm>> -> memref<640x128xf32, #tpu.memory_space<hbm>>
      %dma_start3A_98 = arith.constant 0 : i32
      %dma_start3A_99 = tpu.memref_slice %arg10[%mul3A_92, %dma_start3A_98] : memref<10240x128xf32, #tpu.memory_space<vmem_shared>> -> memref<640x128xf32, #tpu.memory_space<vmem_shared>>
      tpu.enqueue_dma source(%dma_start3A_99 : memref<640x128xf32, #tpu.memory_space<vmem_shared>>) target(%dma_start3A_97 : memref<640x128xf32, #tpu.memory_space<hbm>>) target_semaphore(%run_scoped3A : memref<!tpu.dma_semaphore, #tpu.memory_space<semaphore_mem>>)
      %dma_wait3A_100 = arith.constant 0 : i32
      %dma_wait3A_101 = tpu.memref_slice %arg5[%arg0, %mul3A_94, %dma_wait3A_100] : memref<2x10240x128xf32, #tpu.memory_space<hbm>> -> memref<1x640x128xf32, #tpu.memory_space<hbm>>
      %dma_wait3A_102 = tpu.memref_squeeze %dma_wait3A_101 : memref<1x640x128xf32, #tpu.memory_space<hbm>> -> memref<640x128xf32, #tpu.memory_space<hbm>>
      %dma_wait3A_103 = arith.constant 0 : i32
      %dma_wait3A_104 = tpu.memref_slice %arg10[%mul3A_92, %dma_wait3A_103] : memref<10240x128xf32, #tpu.memory_space<vmem_shared>> -> memref<640x128xf32, #tpu.memory_space<vmem_shared>>
      tpu.wait_dma2 semaphore(%run_scoped3A : memref<!tpu.dma_semaphore, #tpu.memory_space<semaphore_mem>>) src(%dma_wait3A_104 : memref<640x128xf32, #tpu.memory_space<vmem_shared>>) dst(%dma_wait3A_102 : memref<640x128xf32, #tpu.memory_space<hbm>>)
      tpu.yield
    }) : () -> ()
    return
  }
}

module attributes {stable_mosaic.version = 14 : i64} {
  func.func @_in_proj_body(%arg0: memref<10000x128xf32, #tpu.memory_space<vmem>>, %arg1: memref<128x128xf32, #tpu.memory_space<vmem>>, %arg2: memref<1x128xf32, #tpu.memory_space<vmem>>, %arg3: memref<10000x128xf32, #tpu.memory_space<vmem>>) attributes {dimension_semantics = [], scalar_prefetch = 0 : i64, scratch_operands = 0 : i64, tpu.core_type = #tpu.core_type<tc>} {
    %get3A = arith.constant 0 : index
    %get3A_0 = arith.constant 0 : index
    %get3A_1 = vector.load %arg0[%get3A, %get3A_0] : memref<10000x128xf32, #tpu.memory_space<vmem>>, vector<10000x128xf32>
    %get3A_2 = arith.constant 0 : index
    %get3A_3 = arith.constant 0 : index
    %get3A_4 = vector.load %arg1[%get3A_2, %get3A_3] : memref<128x128xf32, #tpu.memory_space<vmem>>, vector<128x128xf32>
    %dot_general3A = arith.constant dense<0.000000e+00> : vector<10000x128xf32>
    %dot_general3A_5 = tpu.matmul %get3A_1, %get3A_4, %dot_general3A {dimension_numbers = #tpu.dot_dimension_numbers<[1], [1], [0], [0], [0, 0, 1, 0], [], []>, transpose_lhs_hint = false} : vector<10000x128xf32>, vector<128x128xf32>, vector<10000x128xf32> -> vector<10000x128xf32>
    %get3A_6 = arith.constant 0 : index
    %get3A_7 = arith.constant 0 : index
    %get3A_8 = vector.load %arg2[%get3A_6, %get3A_7] : memref<1x128xf32, #tpu.memory_space<vmem>>, vector<1x128xf32>
    %add3A = vector.broadcast %get3A_8 : vector<1x128xf32> to vector<10000x128xf32>
    %add3A_9 = arith.addf %dot_general3A_5, %add3A : vector<10000x128xf32>
    %swap3A = arith.constant 0 : index
    %swap3A_10 = arith.constant 0 : index
    %swap3A_11 = vector.load %arg3[%swap3A, %swap3A_10] : memref<10000x128xf32, #tpu.memory_space<vmem>>, vector<10000x128xf32>
    tpu.vector_store %arg3[%swap3A, %swap3A_10], %add3A_9 {strides = array<i32>} : memref<10000x128xf32, #tpu.memory_space<vmem>>, vector<10000x128xf32>,
    return
  }
}

module attributes {stable_mosaic.version = 14 : i64} {
  func.func @_combine_body(%arg0: memref<2x10240x128xf32, #tpu.memory_space<vmem>>, %arg1: memref<2x10240x128xf32, #tpu.memory_space<vmem>>, %arg2: memref<10000x128xf32, #tpu.memory_space<vmem>>) attributes {dimension_semantics = [], scalar_prefetch = 0 : i64, scratch_operands = 0 : i64, tpu.core_type = #tpu.core_type<tc>} {
    %get3A = arith.constant 0 : index
    %get3A_0 = arith.constant 0 : index
    %get3A_1 = arith.constant 0 : index
    %get3A_2 = vector.load %arg1[%get3A, %get3A_0, %get3A_1] : memref<2x10240x128xf32, #tpu.memory_space<vmem>>, vector<1x10000x1xf32>
    %get3A_3 = vector.shape_cast %get3A_2 : vector<1x10000x1xf32> to vector<10000x1xf32>
    %get3A_4 = arith.constant 1 : index
    %get3A_5 = arith.constant 0 : index
    %get3A_6 = arith.constant 0 : index
    %get3A_7 = vector.load %arg1[%get3A_4, %get3A_5, %get3A_6] : memref<2x10240x128xf32, #tpu.memory_space<vmem>>, vector<1x10000x1xf32>
    %get3A_8 = vector.shape_cast %get3A_7 : vector<1x10000x1xf32> to vector<10000x1xf32>
    %add3A = arith.addf %get3A_3, %get3A_8 : vector<10000x1xf32>
    %get3A_9 = arith.constant 0 : index
    %get3A_10 = arith.constant 0 : index
    %get3A_11 = arith.constant 0 : index
    %get3A_12 = vector.load %arg0[%get3A_9, %get3A_10, %get3A_11] : memref<2x10240x128xf32, #tpu.memory_space<vmem>>, vector<1x10000x128xf32>
    %get3A_13 = vector.shape_cast %get3A_12 : vector<1x10000x128xf32> to vector<10000x128xf32>
    %get3A_14 = arith.constant 1 : index
    %get3A_15 = arith.constant 0 : index
    %get3A_16 = arith.constant 0 : index
    %get3A_17 = vector.load %arg0[%get3A_14, %get3A_15, %get3A_16] : memref<2x10240x128xf32, #tpu.memory_space<vmem>>, vector<1x10000x128xf32>
    %get3A_18 = vector.shape_cast %get3A_17 : vector<1x10000x128xf32> to vector<10000x128xf32>
    %add3A_19 = arith.addf %get3A_13, %get3A_18 : vector<10000x128xf32>
    %max3A = arith.constant 1.000000e+00 : f32
    %max3A_20 = vector.broadcast %max3A : f32 to vector<10000x1xf32>
    %max3A_21 = arith.maximumf %add3A, %max3A_20 : vector<10000x1xf32>
    %div3A = vector.broadcast %max3A_21 : vector<10000x1xf32> to vector<10000x128xf32>
    %div3A_22 = arith.divf %add3A_19, %div3A : vector<10000x128xf32>
    %swap3A = arith.constant 0 : index
    %swap3A_23 = arith.constant 0 : index
    %swap3A_24 = vector.load %arg2[%swap3A, %swap3A_23] : memref<10000x128xf32, #tpu.memory_space<vmem>>, vector<10000x128xf32>
    tpu.vector_store %arg2[%swap3A, %swap3A_23], %div3A_22 {strides = array<i32>} : memref<10000x128xf32, #tpu.memory_space<vmem>>, vector<10000x128xf32>,
    return
  }
}

module attributes {stable_mosaic.version = 14 : i64} {
  func.func @body(%arg0: memref<10000x128xf32, #tpu.memory_space<vmem>>, %arg1: memref<10000x128xf32, #tpu.memory_space<vmem>>, %arg2: memref<128x128xf32, #tpu.memory_space<vmem>>, %arg3: memref<1x128xf32, #tpu.memory_space<vmem>>, %arg4: memref<128x128xf32, #tpu.memory_space<vmem>>, %arg5: memref<1x128xf32, #tpu.memory_space<vmem>>, %arg6: memref<1x128xf32, #tpu.memory_space<vmem>>, %arg7: memref<1x128xf32, #tpu.memory_space<vmem>>, %arg8: memref<10000x128xf32, #tpu.memory_space<vmem>>) attributes {dimension_semantics = [], scalar_prefetch = 0 : i64, scratch_operands = 0 : i64, tpu.core_type = #tpu.core_type<tc>} {
    %get3A = arith.constant 0 : index
    %get3A_0 = arith.constant 0 : index
    %get3A_1 = vector.load %arg0[%get3A, %get3A_0] : memref<10000x128xf32, #tpu.memory_space<vmem>>, vector<10000x128xf32>
    %get3A_2 = arith.constant 0 : index
    %get3A_3 = arith.constant 0 : index
    %get3A_4 = vector.load %arg2[%get3A_2, %get3A_3] : memref<128x128xf32, #tpu.memory_space<vmem>>, vector<128x128xf32>
    %dot_general3A = arith.constant dense<0.000000e+00> : vector<10000x128xf32>
    %dot_general3A_5 = tpu.matmul %get3A_1, %get3A_4, %dot_general3A {dimension_numbers = #tpu.dot_dimension_numbers<[1], [1], [0], [0], [0, 0, 1, 0], [], []>, transpose_lhs_hint = false} : vector<10000x128xf32>, vector<128x128xf32>, vector<10000x128xf32> -> vector<10000x128xf32>
    %get3A_6 = arith.constant 0 : index
    %get3A_7 = arith.constant 0 : index
    %get3A_8 = vector.load %arg3[%get3A_6, %get3A_7] : memref<1x128xf32, #tpu.memory_space<vmem>>, vector<1x128xf32>
    %add3A = vector.broadcast %get3A_8 : vector<1x128xf32> to vector<10000x128xf32>
    %add3A_9 = arith.addf %dot_general3A_5, %add3A : vector<10000x128xf32>
    %get3A_10 = arith.constant 0 : index
    %get3A_11 = arith.constant 0 : index
    %get3A_12 = vector.load %arg1[%get3A_10, %get3A_11] : memref<10000x128xf32, #tpu.memory_space<vmem>>, vector<10000x128xf32>
    %get3A_13 = arith.constant 0 : index
    %get3A_14 = arith.constant 0 : index
    %get3A_15 = vector.load %arg4[%get3A_13, %get3A_14] : memref<128x128xf32, #tpu.memory_space<vmem>>, vector<128x128xf32>
    %dot_general3A_16 = arith.constant dense<0.000000e+00> : vector<10000x128xf32>
    %dot_general3A_17 = tpu.matmul %get3A_12, %get3A_15, %dot_general3A_16 {dimension_numbers = #tpu.dot_dimension_numbers<[1], [1], [0], [0], [0, 0, 1, 0], [], []>, transpose_lhs_hint = false} : vector<10000x128xf32>, vector<128x128xf32>, vector<10000x128xf32> -> vector<10000x128xf32>
    %add3A_18 = arith.addf %add3A_9, %dot_general3A_17 : vector<10000x128xf32>
    %reduce_sum3A = arith.constant dense<0.000000e+00> : vector<128xf32>
    %reduce_sum3A_19 = vector.multi_reduction <add>, %add3A_18, %reduce_sum3A [0] : vector<10000x128xf32> to vector<128xf32>
    %broadcast_in_dim3A = vector.shape_cast %reduce_sum3A_19 : vector<128xf32> to vector<1x128xf32>
    %div3A = arith.constant 1.000000e+04 : f32
    %div3A_20 = vector.broadcast %div3A : f32 to vector<1x128xf32>
    %div3A_21 = arith.divf %broadcast_in_dim3A, %div3A_20 : vector<1x128xf32>
    %get3A_22 = arith.constant 0 : index
    %get3A_23 = arith.constant 0 : index
    %get3A_24 = vector.load %arg5[%get3A_22, %get3A_23] : memref<1x128xf32, #tpu.memory_space<vmem>>, vector<1x128xf32>
    %mul3A = arith.mulf %get3A_24, %div3A_21 : vector<1x128xf32>
    %sub3A = vector.broadcast %mul3A : vector<1x128xf32> to vector<10000x128xf32>
    %sub3A_25 = arith.subf %add3A_18, %sub3A : vector<10000x128xf32>
    %mul3A_26 = arith.mulf %sub3A_25, %sub3A_25 : vector<10000x128xf32>
    %reduce_sum3A_27 = arith.constant dense<0.000000e+00> : vector<128xf32>
    %reduce_sum3A_28 = vector.multi_reduction <add>, %mul3A_26, %reduce_sum3A_27 [0] : vector<10000x128xf32> to vector<128xf32>
    %broadcast_in_dim3A_29 = vector.shape_cast %reduce_sum3A_28 : vector<128xf32> to vector<1x128xf32>
    %div3A_30 = arith.constant 1.000000e+04 : f32
    %div3A_31 = vector.broadcast %div3A_30 : f32 to vector<1x128xf32>
    %div3A_32 = arith.divf %broadcast_in_dim3A_29, %div3A_31 : vector<1x128xf32>
    %get3A_33 = arith.constant 0 : index
    %get3A_34 = arith.constant 0 : index
    %get3A_35 = vector.load %arg6[%get3A_33, %get3A_34] : memref<1x128xf32, #tpu.memory_space<vmem>>, vector<1x128xf32>
    %mul3A_36 = vector.broadcast %get3A_35 : vector<1x128xf32> to vector<10000x128xf32>
    %mul3A_37 = arith.mulf %mul3A_36, %sub3A_25 : vector<10000x128xf32>
    %add3A_38 = arith.constant 9.99999974E-6 : f32
    %add3A_39 = vector.broadcast %add3A_38 : f32 to vector<1x128xf32>
    %add3A_40 = arith.addf %div3A_32, %add3A_39 : vector<1x128xf32>
    %rsqrt3A = math.rsqrt %add3A_40 : vector<1x128xf32>
    %mul3A_41 = vector.broadcast %rsqrt3A : vector<1x128xf32> to vector<10000x128xf32>
    %mul3A_42 = arith.mulf %mul3A_37, %mul3A_41 : vector<10000x128xf32>
    %get3A_43 = arith.constant 0 : index
    %get3A_44 = arith.constant 0 : index
    %get3A_45 = vector.load %arg7[%get3A_43, %get3A_44] : memref<1x128xf32, #tpu.memory_space<vmem>>, vector<1x128xf32>
    %add3A_46 = vector.broadcast %get3A_45 : vector<1x128xf32> to vector<10000x128xf32>
    %add3A_47 = arith.addf %mul3A_42, %add3A_46 : vector<10000x128xf32>
    %gt3A = arith.constant 0.000000e+00 : f32
    %gt3A_48 = vector.broadcast %gt3A : f32 to vector<10000x128xf32>
    %gt3A_49 = arith.cmpf ogt, %add3A_47, %gt3A_48 : vector<10000x128xf32>
    %mul3A_50 = arith.constant 1.000000e-01 : f32
    %mul3A_51 = vector.broadcast %mul3A_50 : f32 to vector<10000x128xf32>
    %mul3A_52 = arith.mulf %mul3A_51, %add3A_47 : vector<10000x128xf32>
    %select_n3A = arith.select %gt3A_49, %add3A_47, %mul3A_52 : vector<10000x128xi1>, vector<10000x128xf32>
    %swap3A = arith.constant 0 : index
    %swap3A_53 = arith.constant 0 : index
    %swap3A_54 = vector.load %arg8[%swap3A, %swap3A_53] : memref<10000x128xf32, #tpu.memory_space<vmem>>, vector<10000x128xf32>
    tpu.vector_store %arg8[%swap3A, %swap3A_53], %select_n3A {strides = array<i32>} : memref<10000x128xf32, #tpu.memory_space<vmem>>, vector<10000x128xf32>,
    return
  }
}

module attributes {stable_mosaic.version = 14 : i64} {
  func.func @body(%arg0: memref<10000x128xf32, #tpu.memory_space<vmem>>, %arg1: memref<10000x128xf32, #tpu.memory_space<vmem>>, %arg2: memref<128x128xf32, #tpu.memory_space<vmem>>, %arg3: memref<1x128xf32, #tpu.memory_space<vmem>>, %arg4: memref<128x128xf32, #tpu.memory_space<vmem>>, %arg5: memref<1x128xf32, #tpu.memory_space<vmem>>, %arg6: memref<1x128xf32, #tpu.memory_space<vmem>>, %arg7: memref<1x128xf32, #tpu.memory_space<vmem>>, %arg8: memref<128x128xf32, #tpu.memory_space<vmem>>, %arg9: memref<1x128xf32, #tpu.memory_space<vmem>>, %arg10: memref<10000x128xf32, #tpu.memory_space<vmem>>) attributes {dimension_semantics = [], scalar_prefetch = 0 : i64, scratch_operands = 0 : i64, tpu.core_type = #tpu.core_type<tc>} {
    %get3A = arith.constant 0 : index
    %get3A_0 = arith.constant 0 : index
    %get3A_1 = vector.load %arg0[%get3A, %get3A_0] : memref<10000x128xf32, #tpu.memory_space<vmem>>, vector<10000x128xf32>
    %get3A_2 = arith.constant 0 : index
    %get3A_3 = arith.constant 0 : index
    %get3A_4 = vector.load %arg2[%get3A_2, %get3A_3] : memref<128x128xf32, #tpu.memory_space<vmem>>, vector<128x128xf32>
    %dot_general3A = arith.constant dense<0.000000e+00> : vector<10000x128xf32>
    %dot_general3A_5 = tpu.matmul %get3A_1, %get3A_4, %dot_general3A {dimension_numbers = #tpu.dot_dimension_numbers<[1], [1], [0], [0], [0, 0, 1, 0], [], []>, transpose_lhs_hint = false} : vector<10000x128xf32>, vector<128x128xf32>, vector<10000x128xf32> -> vector<10000x128xf32>
    %get3A_6 = arith.constant 0 : index
    %get3A_7 = arith.constant 0 : index
    %get3A_8 = vector.load %arg3[%get3A_6, %get3A_7] : memref<1x128xf32, #tpu.memory_space<vmem>>, vector<1x128xf32>
    %add3A = vector.broadcast %get3A_8 : vector<1x128xf32> to vector<10000x128xf32>
    %add3A_9 = arith.addf %dot_general3A_5, %add3A : vector<10000x128xf32>
    %get3A_10 = arith.constant 0 : index
    %get3A_11 = arith.constant 0 : index
    %get3A_12 = vector.load %arg1[%get3A_10, %get3A_11] : memref<10000x128xf32, #tpu.memory_space<vmem>>, vector<10000x128xf32>
    %get3A_13 = arith.constant 0 : index
    %get3A_14 = arith.constant 0 : index
    %get3A_15 = vector.load %arg4[%get3A_13, %get3A_14] : memref<128x128xf32, #tpu.memory_space<vmem>>, vector<128x128xf32>
    %dot_general3A_16 = arith.constant dense<0.000000e+00> : vector<10000x128xf32>
    %dot_general3A_17 = tpu.matmul %get3A_12, %get3A_15, %dot_general3A_16 {dimension_numbers = #tpu.dot_dimension_numbers<[1], [1], [0], [0], [0, 0, 1, 0], [], []>, transpose_lhs_hint = false} : vector<10000x128xf32>, vector<128x128xf32>, vector<10000x128xf32> -> vector<10000x128xf32>
    %add3A_18 = arith.addf %add3A_9, %dot_general3A_17 : vector<10000x128xf32>
    %reduce_sum3A = arith.constant dense<0.000000e+00> : vector<128xf32>
    %reduce_sum3A_19 = vector.multi_reduction <add>, %add3A_18, %reduce_sum3A [0] : vector<10000x128xf32> to vector<128xf32>
    %broadcast_in_dim3A = vector.shape_cast %reduce_sum3A_19 : vector<128xf32> to vector<1x128xf32>
    %div3A = arith.constant 1.000000e+04 : f32
    %div3A_20 = vector.broadcast %div3A : f32 to vector<1x128xf32>
    %div3A_21 = arith.divf %broadcast_in_dim3A, %div3A_20 : vector<1x128xf32>
    %get3A_22 = arith.constant 0 : index
    %get3A_23 = arith.constant 0 : index
    %get3A_24 = vector.load %arg5[%get3A_22, %get3A_23] : memref<1x128xf32, #tpu.memory_space<vmem>>, vector<1x128xf32>
    %mul3A = arith.mulf %get3A_24, %div3A_21 : vector<1x128xf32>
    %sub3A = vector.broadcast %mul3A : vector<1x128xf32> to vector<10000x128xf32>
    %sub3A_25 = arith.subf %add3A_18, %sub3A : vector<10000x128xf32>
    %mul3A_26 = arith.mulf %sub3A_25, %sub3A_25 : vector<10000x128xf32>
    %reduce_sum3A_27 = arith.constant dense<0.000000e+00> : vector<128xf32>
    %reduce_sum3A_28 = vector.multi_reduction <add>, %mul3A_26, %reduce_sum3A_27 [0] : vector<10000x128xf32> to vector<128xf32>
    %broadcast_in_dim3A_29 = vector.shape_cast %reduce_sum3A_28 : vector<128xf32> to vector<1x128xf32>
    %div3A_30 = arith.constant 1.000000e+04 : f32
    %div3A_31 = vector.broadcast %div3A_30 : f32 to vector<1x128xf32>
    %div3A_32 = arith.divf %broadcast_in_dim3A_29, %div3A_31 : vector<1x128xf32>
    %get3A_33 = arith.constant 0 : index
    %get3A_34 = arith.constant 0 : index
    %get3A_35 = vector.load %arg6[%get3A_33, %get3A_34] : memref<1x128xf32, #tpu.memory_space<vmem>>, vector<1x128xf32>
    %mul3A_36 = vector.broadcast %get3A_35 : vector<1x128xf32> to vector<10000x128xf32>
    %mul3A_37 = arith.mulf %mul3A_36, %sub3A_25 : vector<10000x128xf32>
    %add3A_38 = arith.constant 9.99999974E-6 : f32
    %add3A_39 = vector.broadcast %add3A_38 : f32 to vector<1x128xf32>
    %add3A_40 = arith.addf %div3A_32, %add3A_39 : vector<1x128xf32>
    %rsqrt3A = math.rsqrt %add3A_40 : vector<1x128xf32>
    %mul3A_41 = vector.broadcast %rsqrt3A : vector<1x128xf32> to vector<10000x128xf32>
    %mul3A_42 = arith.mulf %mul3A_37, %mul3A_41 : vector<10000x128xf32>
    %get3A_43 = arith.constant 0 : index
    %get3A_44 = arith.constant 0 : index
    %get3A_45 = vector.load %arg7[%get3A_43, %get3A_44] : memref<1x128xf32, #tpu.memory_space<vmem>>, vector<1x128xf32>
    %add3A_46 = vector.broadcast %get3A_45 : vector<1x128xf32> to vector<10000x128xf32>
    %add3A_47 = arith.addf %mul3A_42, %add3A_46 : vector<10000x128xf32>
    %gt3A = arith.constant 0.000000e+00 : f32
    %gt3A_48 = vector.broadcast %gt3A : f32 to vector<10000x128xf32>
    %gt3A_49 = arith.cmpf ogt, %add3A_47, %gt3A_48 : vector<10000x128xf32>
    %mul3A_50 = arith.constant 1.000000e-01 : f32
    %mul3A_51 = vector.broadcast %mul3A_50 : f32 to vector<10000x128xf32>
    %mul3A_52 = arith.mulf %mul3A_51, %add3A_47 : vector<10000x128xf32>
    %select_n3A = arith.select %gt3A_49, %add3A_47, %mul3A_52 : vector<10000x128xi1>, vector<10000x128xf32>
    %get3A_53 = arith.constant 0 : index
    %get3A_54 = arith.constant 0 : index
    %get3A_55 = vector.load %arg8[%get3A_53, %get3A_54] : memref<128x128xf32, #tpu.memory_space<vmem>>, vector<128x128xf32>
    %dot_general3A_56 = arith.constant dense<0.000000e+00> : vector<10000x128xf32>
    %dot_general3A_57 = tpu.matmul %select_n3A, %get3A_55, %dot_general3A_56 {dimension_numbers = #tpu.dot_dimension_numbers<[1], [1], [0], [0], [0, 0, 1, 0], [], []>, transpose_lhs_hint = false} : vector<10000x128xf32>, vector<128x128xf32>, vector<10000x128xf32> -> vector<10000x128xf32>
    %get3A_58 = arith.constant 0 : index
    %get3A_59 = arith.constant 0 : index
    %get3A_60 = vector.load %arg9[%get3A_58, %get3A_59] : memref<1x128xf32, #tpu.memory_space<vmem>>, vector<1x128xf32>
    %add3A_61 = vector.broadcast %get3A_60 : vector<1x128xf32> to vector<10000x128xf32>
    %add3A_62 = arith.addf %dot_general3A_57, %add3A_61 : vector<10000x128xf32>
    %swap3A = arith.constant 0 : index
    %swap3A_63 = arith.constant 0 : index
    %swap3A_64 = vector.load %arg10[%swap3A, %swap3A_63] : memref<10000x128xf32, #tpu.memory_space<vmem>>, vector<10000x128xf32>
    tpu.vector_store %arg10[%swap3A, %swap3A_63], %add3A_62 {strides = array<i32>} : memref<10000x128xf32, #tpu.memory_space<vmem>>, vector<10000x128xf32>,
    return
  }
}

</mosaic_0001>

<sc_bundles>
// kernel: kernel.13.cloned.1.call-start
scs
__scs_entry_jumppad:
0x0: {  	(pc) =	sbr.rel $0x88, $3  }
0x1: {  	(tag) =	ssettag $0x0;
	lr =	simm.s32 $0x1  }
0x2: {  	[smem:$0x3F89] =	sst lr;
	_ =	strace $0xD0000000  }
0x3: {  	_ = 	snop  }
0x4: {  	_ = 	snop  }
0x5: {  	_ = 	snop  }
0x6: {  	_ = 	snop  }
0x7: {  	_ = 	snop  }
__scs_overlays_trampoline_lowered:
0x8: {  	[smem:$0x3F98] =	sst s0  }
0x9: {  	[smem:$0x3F99] =	sst s1  }
0xa: {  	[smem:$0x3F9A] =	sst s2  }
0xb: {  	[smem:$0x3F9B] =	sst s3  }
0xc: {  	[smem:$0x3F9C] =	sst s4  }
0xd: {  	[smem:$0x3F9D] =	sst s5  }
0xe: {  	[smem:$0x3F9E] =	sst s6  }
0xf: {  	[smem:$0x3F9F] =	sst s7  }
0x10: {  	[smem:$0x3FA0] =	sst s8  }
0x11: {  	[smem:$0x3FA1] =	sst s9;
	s0 =	simm.s32 @!p0 $0x0  }
0x12: {  	s1 =	sld [smem:$0x3F87];
	s0 =	simm.s32 @p0 $0x1  }
0x13: {  	[smem:$0x3FA2] =	sst s0;
	s0 =	simm.s32 @!p1 $0x0  }
0x14: {  	s2 =	sld [smem:$0x3F86];
	s0 =	simm.s32 @p1 $0x1  }
0x15: {  	[smem:$0x3FA3] =	sst s0;
	s0 =	simm.s32 @!p2 $0x0  }
0x16: {  	s3 =	sld [smem:$0x3FDB];
	s0 =	simm.s32 @p2 $0x1  }
0x17: {  	s4 =	simm.s32 $0x1BF5;
	[smem:$0x3FA5] =	sst s0  }
0x18: {  	s0 =	sld [smem:$0x3F88];
	_ =	swait.ge [sflag:s4], $0x0  }
0x19: {  	s7 =	sld [smem:$0x3F89]  }
0x1a: {  	s8 =	sadd.s32 $0xFFFFE003, lr  }
0x1b: {  	s9 =	sadd.s32 $0xFFFFFEF7, lr;
	s5 =	simm.s32 $0xFFFFFFFF;
	p2 =	slt.u32 s8, $0xFFFFF086  }
0x1c: {  	p1 =	slt.u32 s9, $0xF7A;
	s5 =	simm.s32 @!p2 $0x0  }
0x1d: {  	s5 =	simm.s32 @p1 $0x1;
	p0 =	seq.s32 s7, s2  }
0x1e: {  	s7 =	smul.u32 @!p0 $0xF7A, s2;
	p2 =	seq.s32 @!p0 s5, $0x0  }
0x1f: {  	s9 =	smul.u32 $0xF7A, s1;
	s8 =	simm.s32 @!p0 $0x1BF5;
	p2 =	por !p2, p0  }
0x20: {  	[sflag:s8] =	ssyncset.s32 @!p0 $0xFFFFF086;
	s6 =	sadd.s32 @!p0 s3, s7;
	s7 =	simm.s32 @!p0 $0x108  }
0x21: {  	s3 =	sadd.s32 s3, s9;
	s6 =	sadd.s32 @!p0 $0x88, s6;
	s7 =	simm.s32 @p2 $0x1082  }
0x22: {  	[simem:s7], [sflag:s8] =	dma.local @!p0 [hbm:s6], $0xF7A  }
0x23: {  	s9 =	sor.u32 $0xD0000000, s2;
	s6 =	simm.s32 $0x108;
	_ =	swait.ge @!p0 [sflag:s8], $0x0  }
0x24: {  	s3 =	sadd.s32 $0x88, s3;
	s6 =	simm.s32 @!p1 $0x1082;
	[sflag:s4] =	ssyncset.s32 $0xFFFFF086  }
0x25: {  	[simem:s6], [sflag:s4] =	dma.local [hbm:s3], $0xF7A  }
0x26: {  	[smem:$0x3F89] =	sst s1;
	(tag) =	ssettag s2;
	_ =	strace s9  }
0x27: {  	s1 =	sld [smem:$0x3F99]  }
0x28: {  	s2 =	sld [smem:$0x3F9A]  }
0x29: {  	s4 =	sld [smem:$0x3F9C]  }
0x2a: {  	p0 =	seq.s32 s5, $0x0;
	s5 =	sld [smem:$0x3F9D]  }
0x2b: {  	s6 =	sld [smem:$0x3F9E]  }
0x2c: {  	s7 =	sld [smem:$0x3F9F]  }
0x2d: {  	s3 =	simm.s32 $0x108;
	s8 =	sld [smem:$0x3FA0]  }
0x2e: {  	s3 =	simm.s32 @!p0 $0x1082;
	s9 =	sld [smem:$0x3FA1]  }
0x2f: {  	lr =	sadd.s32 s0, s3;
	s0 =	sld [smem:$0x3F98]  }
0x30: {  	s3 =	sld [smem:$0x3F9B]  }
0x31: {  	[smem:$0x3FA4] =	sst s10  }
0x32: {  	s10 =	sld [smem:$0x3FA2];
	_ =	sdelay $0x3  }
0x33: {  	p0 =	seq.s32 s10, $0x1;
	s10 =	sld [smem:$0x3FA4];
	_ =	sdelay $0x3  }
0x34: {  	[smem:$0x3FA4] =	sst s10  }
0x35: {  	s10 =	sld [smem:$0x3FA3];
	_ =	sdelay $0x3  }
0x36: {  	p1 =	seq.s32 s10, $0x1;
	s10 =	sld [smem:$0x3FA4];
	_ =	sdelay $0x3  }
0x37: {  	[smem:$0x3FA4] =	sst s10  }
0x38: {  	s10 =	sld [smem:$0x3FA5]  }
0x39: {  	_ = 	snop;
	(pc) =	sbr.ind lr, $3  }
0x3a: {  	_ = 	snop  }
0x3b: {  	_ = 	snop  }
0x3c: {  	p2 =	seq.s32 s10, $0x1;
	s10 =	sld [smem:$0x3FA4]  }
0x3d: {  	_ =	shalt  }
0x3e: {  	_ =	shalt  }
0x3f: {  	_ =	shalt  }
0x40: {  	_ =	shalt  }
0x41: {  	_ =	shalt  }
0x42: {  	_ =	shalt  }
0x43: {  	_ =	shalt  }
0x44: {  	_ =	shalt  }
0x45: {  	_ =	shalt  }
0x46: {  	_ =	shalt  }
0x47: {  	_ =	shalt  }
0x48: {  	_ =	shalt  }
0x49: {  	_ =	shalt  }
0x4a: {  	_ =	shalt  }
0x4b: {  	_ =	shalt  }
0x4c: {  	_ =	shalt  }
0x4d: {  	_ =	shalt  }
0x4e: {  	_ =	shalt  }
0x4f: {  	_ =	shalt  }
0x50: {  	_ =	shalt  }
0x51: {  	_ =	shalt  }
0x52: {  	_ =	shalt  }
0x53: {  	_ =	shalt  }
0x54: {  	_ =	shalt  }
0x55: {  	_ =	shalt  }
0x56: {  	_ =	shalt  }
0x57: {  	_ =	shalt  }
0x58: {  	_ =	shalt  }
0x59: {  	_ =	shalt  }
0x5a: {  	_ =	shalt  }
0x5b: {  	_ =	shalt  }
0x5c: {  	_ =	shalt  }
0x5d: {  	_ =	shalt  }
0x5e: {  	_ =	shalt  }
0x5f: {  	_ =	shalt  }
0x60: {  	_ =	shalt  }
0x61: {  	_ =	shalt  }
0x62: {  	_ =	shalt  }
0x63: {  	_ =	shalt  }
0x64: {  	_ =	shalt  }
0x65: {  	_ =	shalt  }
0x66: {  	_ =	shalt  }
0x67: {  	_ =	shalt  }
0x68: {  	_ =	shalt  }
0x69: {  	_ =	shalt  }
0x6a: {  	_ =	shalt  }
0x6b: {  	_ =	shalt  }
0x6c: {  	_ =	shalt  }
0x6d: {  	_ =	shalt  }
0x6e: {  	_ =	shalt  }
0x6f: {  	_ =	shalt  }
0x70: {  	_ =	shalt  }
0x71: {  	_ =	shalt  }
0x72: {  	_ =	shalt  }
0x73: {  	_ =	shalt  }
0x74: {  	_ =	shalt  }
0x75: {  	_ =	shalt  }
0x76: {  	_ =	shalt  }
0x77: {  	_ =	shalt  }
0x78: {  	_ =	shalt  }
0x79: {  	_ =	shalt  }
0x7a: {  	_ =	shalt  }
0x7b: {  	_ =	shalt  }
0x7c: {  	_ =	shalt  }
0x7d: {  	_ =	shalt  }
0x7e: {  	_ =	shalt  }
0x7f: {  	_ =	shalt  }
0x80: {  	_ =	shalt  }
0x81: {  	_ =	shalt  }
0x82: {  	_ =	shalt  }
0x83: {  	_ =	shalt  }
0x84: {  	_ =	shalt  }
0x85: {  	_ =	shalt  }
0x86: {  	_ =	shalt  }
0x87: {  	_ =	shalt  }
.Lfunc_end0:
.L_simem_size_0:
called_computation_lowered:
.L_overlay_start_0:
0x88: {  	s2 =	sld [smem:$0x3FD9]  }
0x89: {  	s3 =	sld [smem:$0x3FFE];
	_ =	sdelay $0x1  }
0x8a: {  	s1 =	srdreg.scid  }
0x8b: {  	s0 =	sand.u32 $0x1, s1  }
0x8c: {  	s16 =	sshll.u32 s0, $0xA;
	s2 =	sadd.s32 s3, s2  }
0x8d: {  	s2 =	sadd.s32 s2, s16  }
0x8e: {  	[smem:$0x3FB0] =	sst s2  }
0x8f: {  	_ = 	snop  }
0x90: {  	(tm) =	ssettm $0x1  }
0x91: {  	s17 =	sld [smem:$0x3FFB];
	_ =	sdelay $0x3  }
0x92: {  	_ =	strace s17  }
0x93: {  	s2 =	sld [smem:$0x3FFC];
	_ =	sdelay $0x3  }
0x94: {  	_ =	strace s2  }
0x95: {  	s2 =	sld [smem:$0x3FFD];
	_ =	sdelay $0x3  }
0x96: {  	_ =	strace s2  }
0x97: {  	_ =	strace $0x8FFFFFFF  }
0x98: {  	s18 =	sld [smem:$0x3FDB];
	_ =	sdelay $0x1  }
0x99: {  	s19 =	simm.s32 $_scs_section_size  }
0x9a: {  	s4 =	simm.s32 $_size__tile_overlayer_lowered;
	s5 =	simm.s32 $_tile_overlayer_lowered  }
0x9b: {  	s22 =	simm.s32 $0x1BFF;
	s21 =	sshll.u32 s5, $0x1;
	s2 =	sadd.s32 s19, s18  }
0x9c: {  	s6 =	simm.s32 $0x0;
	s20 =	sshll.u32 s4, $0x1;
	s4 =	sadd.s32 s21, s2  }
0x9d: {  	[timem:s6], [sflag:s22] =	dma.local [hbm:s4], s20  }
0x9e: {  	_ =	swait.ge [sflag:s22], s20  }
0x9f: {  	s3 =	ssub.s32 $0x0, s20;
	[sflag:s22] =	ssyncset.done $0x0  }
0xa0: {  	[sflag:s22] =	ssyncadd.s32 s3;
	_ =	sdelay $0x1  }
0xa1: {  	s23 =	simm.s32 $0x1B8B  }
0xa2: {  	_ =	swait.ge [sflag:s23], $0x1  }
0xa3: {  	[sflag:s23] =	ssyncset.done $0x0  }
0xa4: {  	s25 =	simm.s32 $0x1B8E;
	s24 =	sld [smem:$0x3FFE];
	[sflag:s23] =	ssyncadd.s32 $0xFFFFFFFF  }
0xa5: {  	s26 =	simm.s32 $execute0_lowered;
	[smem:$0x3FD2] =	sst s25  }
0xa6: {  	s4 =	sshll.u32 s26, $0x1;
	_ =	strace $0x80000046;
	[dreg:$0x1] =	wrdreg $0xFFFFFFFF  }
0xa7: {  	s28 =	simm.s32 $_size_execute0_lowered;
	s2 =	sadd.s32 s2, s4;
	[dreg:$0x0] =	wrdreg $0x0  }
0xa8: {  	s4 =	sshll.u32 s28, $0x1;
	[dreg:$0x2] =	wrdreg s2  }
0xa9: {  	[dreg:$0x3] =	wrdreg s4  }
0xaa: {  	[dreg:$0x4] =	wrdreg $0xC0  }
0xab: {  	_ =	task [dreg:s6], $0x5FFFF  }
0xac: {  	[dreg:$0x1] =	wrdreg $0xFFFFFFFF  }
0xad: {  	[dreg:$0x0] =	wrdreg $0x60  }
0xae: {  	[dreg:$0x2] =	wrdreg s24  }
0xaf: {  	[dreg:$0x3] =	wrdreg $0x68000  }
0xb0: {  	[dreg:$0x4] =	wrdreg $0x9  }
0xb1: {  	_ =	task.clear_ibuf [dreg:s6], $0x5FFFF;
	_ =	strace $0x90000046  }
0xb2: {  	s29 =	simm.s32 $0x9;
	_ =	strace $0x80000048  }
0xb3: {  	_ =	swait.ge [sflag:s29], $0x1  }
0xb4: {  	[sflag:s29] =	ssyncadd.s32 $0xFFFFFFFF  }
0xb5: {  	_ =	strace $0x90000048  }
0xb6: {  	_ =	sfence  }
0xb7: {  	s30 =	sld [smem:$0x0];
	_ =	sdelay $0x2  }
0xb8: {  	s31 =	sshll.u32 s1, $0xD;
	s1 =	sshrl.u32 s1, $0x2  }
0xb9: {  	s3 =	sand.u32 $0x4000, s31;
	s1 =	sadd.s32 s1, s30  }
0xba: {  	s0 =	sor.u32 s3, s0;
	s1 =	sshll.u32 s1, $0x11  }
0xbb: {  	s0 =	sor.u32 s1, s0  }
0xbc: {  	s0 =	sadd.s32 $0x8F2B, s0  }
0xbd: {  	[sflag:s0] =	ssyncadd.remote.s32 $0x1  }
0xbe: {  	_ =	sfence.sel $0xFFFF  }
0xbf: {  	[dreg:$0x0] =	wrdreg $0xFFFFFFFF;
	(pc) =	sbr.abs _section_cstart, $3  }
0xc0: {  	[dreg:$0x1] =	wrdreg $0xFFFFFFFF  }
0xc1: {  	_ =	task.clear_ibuf [dreg:s6], $0x2FFFF;
	_ =	strace $0x9FFFFFFF  }
0xc2: {  	(tm) =	ssettm $0x7FFFFFFF  }
0xc3: {  	_ =	shalt  }
tec
execute0_lowered:
.L_overlay_start_1:
0x0: {  	(tag) =	ssettag $0x1  }
0x1: {  	s5 =	rddreg [dreg:$0x0]  }
0x2: {  	s0 =	srdreg.scid;
	s2 =	rddreg [dreg:$0x1]  }
0x3: {  	s3 =	simm.s32 $0x0;
	s4 =	sand.u32 $0x1, s0;
	s0 =	stileid.u32  }
0x4: {  	s14 =	simm.s32 $0x1;
	s15 =	simm.s32 $0x0;
	s7 =	smul.u32 $0x14000, s0  }
0x5: {  	[smem:$0x7FF] =	sst s3;
	s1 =	sshll.u32 s4, $0x4;
	s8 =	smul.u32 $0x140000, s4  }
0x6: {  	s26 =	ssub.s32 $0x2, s4;
	s28 =	smul.u32 $0x50000, s0;
	s4 =	sadd.s32 $0x19C00, s5  }
0x7: {  	s31 =	sshll.u32 s0, $0x6;
	s1 =	sor.u32 s0, s1;
	s29 =	sshrl.u32 s26, $0x1  }
0x8: {  	s6 =	smul.u32 $0x500, s1;
	s1 =	rddreg [dreg:$0x2];
	_ =	strace $0x80000047  }
0x9: {  	s9 =	sshrl.u32 s7, $0x3;
	s7 =	sadd.s32 s7, s8;
	s12 =	ssub.s32 s26, s29  }
0xa: {  	s30 =	sshrl.u32 s28, $0x2;
	s25 =	sadd.s32 s9, s5;
	s7 =	sshrl.u32 s7, $0x3  }
0xb: {  	s13 =	sadd.s32 s30, s2;
	s9 =	smax.u32 s12, $0x1;
	s12 =	simm.s32 $0x2800  }
0xc: {  	s10 =	sadd.s32 s6, s5;
	s11 =	sadd.s32 s7, s5;
	s5 =	sadd.s32 $0x1A400, s25  }
0xd: {  	s6 =	sor.u32 $0x1C02, s31;
	s7 =	sadd.s32 $0x5C00, s10;
	s8 =	sadd.s32 $0x42400, s11  }
0xe: {  	s10 =	sshrl.u32 s13, $0x3;
	s11 =	simm.s32 $0x2;
	s13 =	simm.s32 $0x80  }
.LBB2_1:
0xf: {  	[spmem:s10], [sflag:s6] =	dma.local [hbm:s5], $0x2800  }
0x10: {  	_ =	swait.ge [sflag:s11], $0x2800  }
0x11: {  	[sflag:s11] =	ssyncset.done $0x0  }
0x12: {  	[sflag:s11] =	ssyncadd.s32 $0xFFFFD800  }
0x13: {  	[tilespmem:s12], [sflag:$0x2] =	stream.linear.gather [hbm4b:s4+s3], $0x4000, $0x38;
	[tilespmem:$0x1A800] =	vst v63  }
0x14: {  	_ =	swait.ge [sflag:s11], $0x4000  }
0x15: {  	[sflag:s11] =	ssyncset.done $0x0  }
0x16: {  	[sflag:s11] =	ssyncadd.s32 $0xFFFFC000  }
0x17: {  	[tilespmem:s3], [sflag:$0x2] =	stream.linear.gather [hbm4b:s7+s3], $0x2800, $0x38;
	[tilespmem:$0x1A800] =	vst v63  }
0x18: {  	_ =	swait.ge [sflag:s11], $0x2800  }
0x19: {  	[sflag:s11] =	ssyncset.done $0x0  }
0x1a: {  	[sflag:s11] =	ssyncadd.s32 $0xFFFFD800  }
0x1b: {  	s16 =	simm.s32 $0x0;
	[bflag:$0x0] =	sbarrier.arrive $0xFFFF  }
0x1c: {  	[spmem:s2] =	stream.indirect.scatter.add.f32 [tilespmem:s12], [sflag:$0x1], $0x80, s16, s13, $0xb8;
	[tilespmem:$0x1A800] =	vst v63  }
0x1d: {  	s24 =	simm.s32 $0x80  }
0x1e: {  	[spmem:s2] =	stream.indirect.scatter.add.f32 [tilespmem:s12], [sflag:$0x1], $0x80, s24, s13, $0xb8;
	[tilespmem:$0x1A800] =	vst v63  }
0x1f: {  	s25 =	simm.s32 $0x100  }
0x20: {  	[spmem:s2] =	stream.indirect.scatter.add.f32 [tilespmem:s12], [sflag:$0x1], $0x80, s25, s13, $0xb8;
	[tilespmem:$0x1A800] =	vst v63  }
0x21: {  	s26 =	simm.s32 $0x180  }
0x22: {  	[spmem:s2] =	stream.indirect.scatter.add.f32 [tilespmem:s12], [sflag:$0x1], $0x80, s26, s13, $0xb8;
	[tilespmem:$0x1A800] =	vst v63  }
0x23: {  	s28 =	simm.s32 $0x200  }
0x24: {  	[spmem:s2] =	stream.indirect.scatter.add.f32 [tilespmem:s12], [sflag:$0x1], $0x80, s28, s13, $0xb8;
	[tilespmem:$0x1A800] =	vst v63  }
0x25: {  	s29 =	simm.s32 $0x280  }
0x26: {  	[spmem:s2] =	stream.indirect.scatter.add.f32 [tilespmem:s12], [sflag:$0x1], $0x80, s29, s13, $0xb8;
	[tilespmem:$0x1A800] =	vst v63  }
0x27: {  	s30 =	simm.s32 $0x300  }
0x28: {  	[spmem:s2] =	stream.indirect.scatter.add.f32 [tilespmem:s12], [sflag:$0x1], $0x80, s30, s13, $0xb8;
	[tilespmem:$0x1A800] =	vst v63  }
0x29: {  	s31 =	simm.s32 $0x380  }
0x2a: {  	[spmem:s2] =	stream.indirect.scatter.add.f32 [tilespmem:s12], [sflag:$0x1], $0x80, s31, s13, $0xb8;
	[tilespmem:$0x1A800] =	vst v63  }
0x2b: {  	_ =	swait.ge [sflag:s14], $0x4000  }
0x2c: {  	[sflag:s14] =	ssyncset.done $0x0  }
0x2d: {  	[sflag:s14] =	ssyncadd.s32 $0xFFFFC000  }
0x2e: {  	_ =	swait.ge [sflag:s14], $0x4000  }
0x2f: {  	[sflag:s14] =	ssyncset.done $0x0  }
0x30: {  	[sflag:s14] =	ssyncadd.s32 $0xFFFFC000  }
0x31: {  	_ =	swait.ge [sflag:s14], $0x4000  }
0x32: {  	[sflag:s14] =	ssyncset.done $0x0  }
0x33: {  	[sflag:s14] =	ssyncadd.s32 $0xFFFFC000  }
0x34: {  	_ =	swait.ge [sflag:s14], $0x4000  }
0x35: {  	[sflag:s14] =	ssyncset.done $0x0  }
0x36: {  	[sflag:s14] =	ssyncadd.s32 $0xFFFFC000  }
0x37: {  	_ =	swait.ge [sflag:s14], $0x4000  }
0x38: {  	[sflag:s14] =	ssyncset.done $0x0  }
0x39: {  	[sflag:s14] =	ssyncadd.s32 $0xFFFFC000  }
0x3a: {  	_ =	swait.ge [sflag:s14], $0x4000  }
0x3b: {  	[sflag:s14] =	ssyncset.done $0x0  }
0x3c: {  	[sflag:s14] =	ssyncadd.s32 $0xFFFFC000  }
0x3d: {  	_ =	swait.ge [sflag:s14], $0x4000  }
0x3e: {  	[sflag:s14] =	ssyncset.done $0x0  }
0x3f: {  	[sflag:s14] =	ssyncadd.s32 $0xFFFFC000  }
0x40: {  	_ =	swait.ge [sflag:s14], $0x4000  }
0x41: {  	s18 =	simm.s32 $0x2000;
	s16 =	simm.s32 $0x1000;
	[sflag:s14] =	ssyncset.done $0x0  }
.LBB2_2:
0x42: {  	s19 =	sshra.s32 s16, $0x2  }
0x43: {  	[sflag:s14] =	ssyncadd.s32 $0xFFFFC000;
	s16 =	smov.u32 s18;
	s17 =	sadd.s32 $0x1000, s18  }
0x44: {  	[spmem:s2] =	stream.indirect.scatter.add.f32 [tilespmem:s12], [sflag:$0x1], $0x80, s19, s13, $0xb8;
	[tilespmem:$0x1A800] =	vst v63  }
0x45: {  	p0 =	sne.s32 s18, $0x9000;
	s18 =	sadd.s32 $0x80, s19  }
0x46: {  	[spmem:s2] =	stream.indirect.scatter.add.f32 [tilespmem:s12], [sflag:$0x1], $0x80, s18, s13, $0xb8;
	[tilespmem:$0x1A800] =	vst v63  }
0x47: {  	s18 =	sadd.s32 $0x100, s19  }
0x48: {  	[spmem:s2] =	stream.indirect.scatter.add.f32 [tilespmem:s12], [sflag:$0x1], $0x80, s18, s13, $0xb8;
	[tilespmem:$0x1A800] =	vst v63  }
0x49: {  	s18 =	sadd.s32 $0x180, s19  }
0x4a: {  	[spmem:s2] =	stream.indirect.scatter.add.f32 [tilespmem:s12], [sflag:$0x1], $0x80, s18, s13, $0xb8;
	[tilespmem:$0x1A800] =	vst v63  }
0x4b: {  	s18 =	sadd.s32 $0x200, s19  }
0x4c: {  	[spmem:s2] =	stream.indirect.scatter.add.f32 [tilespmem:s12], [sflag:$0x1], $0x80, s18, s13, $0xb8;
	[tilespmem:$0x1A800] =	vst v63  }
0x4d: {  	s18 =	sadd.s32 $0x280, s19  }
0x4e: {  	[spmem:s2] =	stream.indirect.scatter.add.f32 [tilespmem:s12], [sflag:$0x1], $0x80, s18, s13, $0xb8;
	[tilespmem:$0x1A800] =	vst v63  }
0x4f: {  	s18 =	sadd.s32 $0x300, s19  }
0x50: {  	[spmem:s2] =	stream.indirect.scatter.add.f32 [tilespmem:s12], [sflag:$0x1], $0x80, s18, s13, $0xb8;
	[tilespmem:$0x1A800] =	vst v63  }
0x51: {  	s18 =	sadd.s32 $0x380, s19  }
0x52: {  	[spmem:s2] =	stream.indirect.scatter.add.f32 [tilespmem:s12], [sflag:$0x1], $0x80, s18, s13, $0xb8;
	[tilespmem:$0x1A800] =	vst v63  }
0x53: {  	_ =	swait.ge [sflag:s14], $0x4000  }
0x54: {  	[sflag:s14] =	ssyncset.done $0x0  }
0x55: {  	[sflag:s14] =	ssyncadd.s32 $0xFFFFC000  }
0x56: {  	_ =	swait.ge [sflag:s14], $0x4000  }
0x57: {  	[sflag:s14] =	ssyncset.done $0x0  }
0x58: {  	[sflag:s14] =	ssyncadd.s32 $0xFFFFC000  }
0x59: {  	_ =	swait.ge [sflag:s14], $0x4000  }
0x5a: {  	[sflag:s14] =	ssyncset.done $0x0  }
0x5b: {  	[sflag:s14] =	ssyncadd.s32 $0xFFFFC000  }
0x5c: {  	_ =	swait.ge [sflag:s14], $0x4000  }
0x5d: {  	[sflag:s14] =	ssyncset.done $0x0  }
0x5e: {  	[sflag:s14] =	ssyncadd.s32 $0xFFFFC000  }
0x5f: {  	_ =	swait.ge [sflag:s14], $0x4000  }
0x60: {  	[sflag:s14] =	ssyncset.done $0x0  }
0x61: {  	[sflag:s14] =	ssyncadd.s32 $0xFFFFC000  }
0x62: {  	_ =	swait.ge [sflag:s14], $0x4000  }
0x63: {  	[sflag:s14] =	ssyncset.done $0x0  }
0x64: {  	[sflag:s14] =	ssyncadd.s32 $0xFFFFC000  }
.Ltmp0:
0x65: {  	_ =	swait.ge [sflag:s14], $0x4000;
	(pc) =	sbr.rel @p0 .LBB2_2-.Ltmp0, $4  }
0x66: {  	[sflag:s14] =	ssyncset.done $0x0  }
0x67: {  	[sflag:s14] =	ssyncadd.s32 $0xFFFFC000  }
0x68: {  	_ =	swait.ge [sflag:s14], $0x4000  }
0x69: {  	s18 =	smov.u32 s17;
	[sflag:s14] =	ssyncset.done $0x0  }
0x6a: {  	s16 =	sshra.s32 s16, $0x2;
	[sflag:s14] =	ssyncadd.s32 $0xFFFFC000  }
0x6b: {  	[spmem:s2] =	stream.indirect.scatter.add.f32 [tilespmem:s12], [sflag:$0x1], $0x80, s16, s13, $0xb8;
	[tilespmem:$0x1A800] =	vst v63  }
0x6c: {  	s17 =	sadd.s32 $0x80, s16  }
0x6d: {  	[spmem:s2] =	stream.indirect.scatter.add.f32 [tilespmem:s12], [sflag:$0x1], $0x80, s17, s13, $0xb8;
	[tilespmem:$0x1A800] =	vst v63  }
0x6e: {  	s26 =	sadd.s32 $0x100, s16  }
0x6f: {  	[spmem:s2] =	stream.indirect.scatter.add.f32 [tilespmem:s12], [sflag:$0x1], $0x80, s26, s13, $0xb8;
	[tilespmem:$0x1A800] =	vst v63  }
0x70: {  	s28 =	sadd.s32 $0x180, s16  }
0x71: {  	[spmem:s2] =	stream.indirect.scatter.add.f32 [tilespmem:s12], [sflag:$0x1], $0x80, s28, s13, $0xb8;
	[tilespmem:$0x1A800] =	vst v63  }
0x72: {  	s29 =	sadd.s32 $0x200, s16  }
0x73: {  	[spmem:s2] =	stream.indirect.scatter.add.f32 [tilespmem:s12], [sflag:$0x1], $0x80, s29, s13, $0xb8;
	[tilespmem:$0x1A800] =	vst v63  }
0x74: {  	s30 =	sadd.s32 $0x280, s16  }
0x75: {  	[spmem:s2] =	stream.indirect.scatter.add.f32 [tilespmem:s12], [sflag:$0x1], $0x80, s30, s13, $0xb8;
	[tilespmem:$0x1A800] =	vst v63  }
0x76: {  	s31 =	sadd.s32 $0x300, s16  }
0x77: {  	[spmem:s2] =	stream.indirect.scatter.add.f32 [tilespmem:s12], [sflag:$0x1], $0x80, s31, s13, $0xb8;
	[tilespmem:$0x1A800] =	vst v63  }
0x78: {  	s16 =	sadd.s32 $0x380, s16  }
0x79: {  	[spmem:s2] =	stream.indirect.scatter.add.f32 [tilespmem:s12], [sflag:$0x1], $0x80, s16, s13, $0xb8;
	[tilespmem:$0x1A800] =	vst v63  }
0x7a: {  	_ =	swait.ge [sflag:s14], $0x4000  }
0x7b: {  	[sflag:s14] =	ssyncset.done $0x0  }
0x7c: {  	[sflag:s14] =	ssyncadd.s32 $0xFFFFC000  }
0x7d: {  	_ =	swait.ge [sflag:s14], $0x4000  }
0x7e: {  	[sflag:s14] =	ssyncset.done $0x0  }
0x7f: {  	[sflag:s14] =	ssyncadd.s32 $0xFFFFC000  }
0x80: {  	_ =	swait.ge [sflag:s14], $0x4000  }
0x81: {  	[sflag:s14] =	ssyncset.done $0x0  }
0x82: {  	[sflag:s14] =	ssyncadd.s32 $0xFFFFC000  }
0x83: {  	_ =	swait.ge [sflag:s14], $0x4000  }
0x84: {  	[sflag:s14] =	ssyncset.done $0x0  }
0x85: {  	[sflag:s14] =	ssyncadd.s32 $0xFFFFC000  }
0x86: {  	_ =	swait.ge [sflag:s14], $0x4000  }
0x87: {  	[sflag:s14] =	ssyncset.done $0x0  }
0x88: {  	[sflag:s14] =	ssyncadd.s32 $0xFFFFC000  }
0x89: {  	_ =	swait.ge [sflag:s14], $0x4000  }
0x8a: {  	[sflag:s14] =	ssyncset.done $0x0  }
0x8b: {  	[sflag:s14] =	ssyncadd.s32 $0xFFFFC000  }
0x8c: {  	_ =	swait.ge [sflag:s14], $0x4000  }
0x8d: {  	[sflag:s14] =	ssyncset.done $0x0  }
0x8e: {  	[sflag:s14] =	ssyncadd.s32 $0xFFFFC000  }
0x8f: {  	_ =	swait.ge [sflag:s14], $0x4000  }
0x90: {  	s15 =	sadd.s32 $0x1, s15;
	[sflag:s14] =	ssyncset.done $0x0  }
0x91: {  	p0 =	sne.s32 s15, s9;
	[sflag:s14] =	ssyncadd.s32 $0xFFFFC000  }
.Ltmp1:
0x92: {  	[bflag:$0x0] =	sbarrier.arrive $0xFFFF;
	(pc) =	sbr.rel @p0 .LBB2_1-.Ltmp1, $4  }
0x93: {  	[hbm:s8], [sflag:s6] =	dma.local [spmem:s10], $0x2800  }
0x94: {  	_ =	swait.ge [sflag:s11], $0x2800  }
0x95: {  	[sflag:s11] =	ssyncset.done $0x0  }
0x96: {  	[sflag:s11] =	ssyncadd.s32 $0xFFFFD800  }
0x97: {  	_ =	sfence.sel $0x180000  }
0x98: {  	[bflag:$0x0] =	sbarrier.arrive $0xFFFF  }
0x99: {  	p0 =	sne.s32 s0, $0x0;
	_ =	strace $0x90000047  }
0x9a: {  	s0 =	sadd.s32 @!p0 $0x100000, s1;
	[bflag:$0x2] =	sbarrier.arrive $0xFFFF  }
0x9b: {  	[sflag:s0] =	ssyncadd.tile.s32 @!p0 $0x1;
	_ =	shalt  }
.Lfunc_end2:
_tile_overlayer_lowered:
.L_overlay_start_2:
0x9c: {  	(tag) =	ssettag $0x2  }
0x9d: {  	s0 =	rddreg [dreg:$0x0];
	s2 =	stileid.u32  }
0x9e: {  	s1 =	rddreg [dreg:$0x1];
	p0 =	sne.s32 s2, $0x0  }
0x9f: {  	s3 =	rddreg [dreg:$0x2];
	[bflag:$0x3] =	sbarrier.arrive $0xFFFF;
	s2 =	simm.s32 @!p0 $0x1C02  }
0xa0: {  	[timem:s3], [sflag:s2] =	dma.local @!p0 [hbm:s0], s1  }
0xa1: {  	s0 =	simm.s32 @!p0 $0x2  }
0xa2: {  	_ =	swait.ge @!p0 [sflag:s0], s1  }
0xa3: {  	s1 =	ssub.s32 @!p0 $0x0, s1;
	[sflag:s0] =	ssyncset.done @!p0 $0x0  }
0xa4: {  	[sflag:s0] =	ssyncadd.s32 @!p0 s1  }
0xa5: {  	[bflag:$0x3] =	sbarrier.arrive $0xFFFF  }
0xa6: {  	_ =	shalt  }

// kernel: kernel.16.cloned.1.call-start
scs
__scs_entry_jumppad:
0x0: {  	(pc) =	sbr.rel $0x88, $3  }
0x1: {  	(tag) =	ssettag $0x0;
	lr =	simm.s32 $0x1  }
0x2: {  	[smem:$0x3F89] =	sst lr;
	_ =	strace $0xD0000000  }
0x3: {  	_ = 	snop  }
0x4: {  	_ = 	snop  }
0x5: {  	_ = 	snop  }
0x6: {  	_ = 	snop  }
0x7: {  	_ = 	snop  }
__scs_overlays_trampoline_lowered:
0x8: {  	[smem:$0x3F98] =	sst s0  }
0x9: {  	[smem:$0x3F99] =	sst s1  }
0xa: {  	[smem:$0x3F9A] =	sst s2  }
0xb: {  	[smem:$0x3F9B] =	sst s3  }
0xc: {  	[smem:$0x3F9C] =	sst s4  }
0xd: {  	[smem:$0x3F9D] =	sst s5  }
0xe: {  	[smem:$0x3F9E] =	sst s6  }
0xf: {  	[smem:$0x3F9F] =	sst s7  }
0x10: {  	[smem:$0x3FA0] =	sst s8  }
0x11: {  	[smem:$0x3FA1] =	sst s9;
	s0 =	simm.s32 @!p0 $0x0  }
0x12: {  	s1 =	sld [smem:$0x3F87];
	s0 =	simm.s32 @p0 $0x1  }
0x13: {  	[smem:$0x3FA2] =	sst s0;
	s0 =	simm.s32 @!p1 $0x0  }
0x14: {  	s2 =	sld [smem:$0x3F86];
	s0 =	simm.s32 @p1 $0x1  }
0x15: {  	[smem:$0x3FA3] =	sst s0;
	s0 =	simm.s32 @!p2 $0x0  }
0x16: {  	s3 =	sld [smem:$0x3FDB];
	s0 =	simm.s32 @p2 $0x1  }
0x17: {  	s4 =	simm.s32 $0x1BF5;
	[smem:$0x3FA5] =	sst s0  }
0x18: {  	s0 =	sld [smem:$0x3F88];
	_ =	swait.ge [sflag:s4], $0x0  }
0x19: {  	s7 =	sld [smem:$0x3F89]  }
0x1a: {  	s8 =	sadd.s32 $0xFFFFE003, lr  }
0x1b: {  	s9 =	sadd.s32 $0xFFFFFEF7, lr;
	s5 =	simm.s32 $0xFFFFFFFF;
	p2 =	slt.u32 s8, $0xFFFFF086  }
0x1c: {  	p1 =	slt.u32 s9, $0xF7A;
	s5 =	simm.s32 @!p2 $0x0  }
0x1d: {  	s5 =	simm.s32 @p1 $0x1;
	p0 =	seq.s32 s7, s2  }
0x1e: {  	s7 =	smul.u32 @!p0 $0xF7A, s2;
	p2 =	seq.s32 @!p0 s5, $0x0  }
0x1f: {  	s9 =	smul.u32 $0xF7A, s1;
	s8 =	simm.s32 @!p0 $0x1BF5;
	p2 =	por !p2, p0  }
0x20: {  	[sflag:s8] =	ssyncset.s32 @!p0 $0xFFFFF086;
	s6 =	sadd.s32 @!p0 s3, s7;
	s7 =	simm.s32 @!p0 $0x108  }
0x21: {  	s3 =	sadd.s32 s3, s9;
	s6 =	sadd.s32 @!p0 $0x88, s6;
	s7 =	simm.s32 @p2 $0x1082  }
0x22: {  	[simem:s7], [sflag:s8] =	dma.local @!p0 [hbm:s6], $0xF7A  }
0x23: {  	s9 =	sor.u32 $0xD0000000, s2;
	s6 =	simm.s32 $0x108;
	_ =	swait.ge @!p0 [sflag:s8], $0x0  }
0x24: {  	s3 =	sadd.s32 $0x88, s3;
	s6 =	simm.s32 @!p1 $0x1082;
	[sflag:s4] =	ssyncset.s32 $0xFFFFF086  }
0x25: {  	[simem:s6], [sflag:s4] =	dma.local [hbm:s3], $0xF7A  }
0x26: {  	[smem:$0x3F89] =	sst s1;
	(tag) =	ssettag s2;
	_ =	strace s9  }
0x27: {  	s1 =	sld [smem:$0x3F99]  }
0x28: {  	s2 =	sld [smem:$0x3F9A]  }
0x29: {  	s4 =	sld [smem:$0x3F9C]  }
0x2a: {  	p0 =	seq.s32 s5, $0x0;
	s5 =	sld [smem:$0x3F9D]  }
0x2b: {  	s6 =	sld [smem:$0x3F9E]  }
0x2c: {  	s7 =	sld [smem:$0x3F9F]  }
0x2d: {  	s3 =	simm.s32 $0x108;
	s8 =	sld [smem:$0x3FA0]  }
0x2e: {  	s3 =	simm.s32 @!p0 $0x1082;
	s9 =	sld [smem:$0x3FA1]  }
0x2f: {  	lr =	sadd.s32 s0, s3;
	s0 =	sld [smem:$0x3F98]  }
0x30: {  	s3 =	sld [smem:$0x3F9B]  }
0x31: {  	[smem:$0x3FA4] =	sst s10  }
0x32: {  	s10 =	sld [smem:$0x3FA2];
	_ =	sdelay $0x3  }
0x33: {  	p0 =	seq.s32 s10, $0x1;
	s10 =	sld [smem:$0x3FA4];
	_ =	sdelay $0x3  }
0x34: {  	[smem:$0x3FA4] =	sst s10  }
0x35: {  	s10 =	sld [smem:$0x3FA3];
	_ =	sdelay $0x3  }
0x36: {  	p1 =	seq.s32 s10, $0x1;
	s10 =	sld [smem:$0x3FA4];
	_ =	sdelay $0x3  }
0x37: {  	[smem:$0x3FA4] =	sst s10  }
0x38: {  	s10 =	sld [smem:$0x3FA5]  }
0x39: {  	_ = 	snop;
	(pc) =	sbr.ind lr, $3  }
0x3a: {  	_ = 	snop  }
0x3b: {  	_ = 	snop  }
0x3c: {  	p2 =	seq.s32 s10, $0x1;
	s10 =	sld [smem:$0x3FA4]  }
0x3d: {  	_ =	shalt  }
0x3e: {  	_ =	shalt  }
0x3f: {  	_ =	shalt  }
0x40: {  	_ =	shalt  }
0x41: {  	_ =	shalt  }
0x42: {  	_ =	shalt  }
0x43: {  	_ =	shalt  }
0x44: {  	_ =	shalt  }
0x45: {  	_ =	shalt  }
0x46: {  	_ =	shalt  }
0x47: {  	_ =	shalt  }
0x48: {  	_ =	shalt  }
0x49: {  	_ =	shalt  }
0x4a: {  	_ =	shalt  }
0x4b: {  	_ =	shalt  }
0x4c: {  	_ =	shalt  }
0x4d: {  	_ =	shalt  }
0x4e: {  	_ =	shalt  }
0x4f: {  	_ =	shalt  }
0x50: {  	_ =	shalt  }
0x51: {  	_ =	shalt  }
0x52: {  	_ =	shalt  }
0x53: {  	_ =	shalt  }
0x54: {  	_ =	shalt  }
0x55: {  	_ =	shalt  }
0x56: {  	_ =	shalt  }
0x57: {  	_ =	shalt  }
0x58: {  	_ =	shalt  }
0x59: {  	_ =	shalt  }
0x5a: {  	_ =	shalt  }
0x5b: {  	_ =	shalt  }
0x5c: {  	_ =	shalt  }
0x5d: {  	_ =	shalt  }
0x5e: {  	_ =	shalt  }
0x5f: {  	_ =	shalt  }
0x60: {  	_ =	shalt  }
0x61: {  	_ =	shalt  }
0x62: {  	_ =	shalt  }
0x63: {  	_ =	shalt  }
0x64: {  	_ =	shalt  }
0x65: {  	_ =	shalt  }
0x66: {  	_ =	shalt  }
0x67: {  	_ =	shalt  }
0x68: {  	_ =	shalt  }
0x69: {  	_ =	shalt  }
0x6a: {  	_ =	shalt  }
0x6b: {  	_ =	shalt  }
0x6c: {  	_ =	shalt  }
0x6d: {  	_ =	shalt  }
0x6e: {  	_ =	shalt  }
0x6f: {  	_ =	shalt  }
0x70: {  	_ =	shalt  }
0x71: {  	_ =	shalt  }
0x72: {  	_ =	shalt  }
0x73: {  	_ =	shalt  }
0x74: {  	_ =	shalt  }
0x75: {  	_ =	shalt  }
0x76: {  	_ =	shalt  }
0x77: {  	_ =	shalt  }
0x78: {  	_ =	shalt  }
0x79: {  	_ =	shalt  }
0x7a: {  	_ =	shalt  }
0x7b: {  	_ =	shalt  }
0x7c: {  	_ =	shalt  }
0x7d: {  	_ =	shalt  }
0x7e: {  	_ =	shalt  }
0x7f: {  	_ =	shalt  }
0x80: {  	_ =	shalt  }
0x81: {  	_ =	shalt  }
0x82: {  	_ =	shalt  }
0x83: {  	_ =	shalt  }
0x84: {  	_ =	shalt  }
0x85: {  	_ =	shalt  }
0x86: {  	_ =	shalt  }
0x87: {  	_ =	shalt  }
.Lfunc_end0:
.L_simem_size_0:
called_computation.1_lowered:
.L_overlay_start_0:
0x88: {  	s2 =	sld [smem:$0x3FD9]  }
0x89: {  	s3 =	sld [smem:$0x3FFE];
	_ =	sdelay $0x1  }
0x8a: {  	s1 =	srdreg.scid  }
0x8b: {  	s0 =	sand.u32 $0x1, s1  }
0x8c: {  	s17 =	sshll.u32 s0, $0xA;
	s2 =	sadd.s32 s3, s2  }
0x8d: {  	s2 =	sadd.s32 s2, s17  }
0x8e: {  	[smem:$0x3FB0] =	sst s2  }
0x8f: {  	_ = 	snop  }
0x90: {  	s18 =	sld [smem:$0x3FD0];
	(tm) =	ssettm $0x1  }
0x91: {  	s19 =	sld [smem:$0x3FFB];
	_ =	sdelay $0x3  }
0x92: {  	_ =	strace s19  }
0x93: {  	s2 =	sld [smem:$0x3FFC];
	_ =	sdelay $0x3  }
0x94: {  	_ =	strace s2  }
0x95: {  	s2 =	sld [smem:$0x3FFD];
	_ =	sdelay $0x3  }
0x96: {  	_ =	strace s2  }
0x97: {  	_ =	strace $0x8FFFFFFF  }
0x98: {  	s20 =	sld [smem:$0x3FDB];
	_ =	sdelay $0x1  }
0x99: {  	s4 =	simm.s32 $_scs_section_size  }
0x9a: {  	s5 =	simm.s32 $_size__tile_overlayer_lowered;
	s6 =	simm.s32 $_tile_overlayer_lowered  }
0x9b: {  	s7 =	simm.s32 $0x1BFF;
	s21 =	sshll.u32 s6, $0x1;
	s4 =	sadd.s32 s4, s20  }
0x9c: {  	s22 =	simm.s32 $0x0;
	s5 =	sshll.u32 s5, $0x1;
	s6 =	sadd.s32 s21, s4  }
0x9d: {  	[timem:s22], [sflag:s7] =	dma.local [hbm:s6], s5  }
0x9e: {  	_ =	swait.ge [sflag:s7], s5  }
0x9f: {  	s5 =	ssub.s32 $0x0, s5;
	[sflag:s7] =	ssyncset.done $0x0  }
0xa0: {  	[sflag:s7] =	ssyncadd.s32 s5;
	_ =	sdelay $0x1  }
0xa1: {  	s23 =	simm.s32 $0x1B8B  }
0xa2: {  	_ =	swait.ge [sflag:s23], $0x1  }
0xa3: {  	[sflag:s23] =	ssyncset.done $0x0  }
0xa4: {  	[sflag:s23] =	ssyncadd.s32 $0xFFFFFFFF  }
0xa5: {  	s5 =	sld [smem:$0x0]  }
0xa6: {  	s6 =	sand.u32 $0xFFFFFFFE, s1  }
0xa7: {  	p0 =	sne.s32 s1, s6  }
0xa8: {  	s6 =	sshll.u32 @p0 s6, $0xE  }
0xa9: {  	s6 =	sadd.s32 @p0 $0x11B8D, s6;
	s7 =	sshll.u32 @p0 s5, $0x11  }
0xaa: {  	s6 =	sor.u32 @p0 s7, s6  }
0xab: {  	[sflag:s6] =	ssyncadd.remote.s32 @p0 $0x1;
	_ =	sdelay $0x1  }
0xac: {  	s6 =	simm.s32 @p0 $0x1B8D  }
0xad: {  	_ =	swait.eq @p0 [sflag:s6], $0x1  }
0xae: {  	[sflag:s6] =	ssyncadd.s32 @p0 $0xFFFFFFFF  }
0xaf: {  	s7 =	sshll.u32 @!p0 s1, $0xE  }
0xb0: {  	s7 =	sor.u32 @!p0 $0x4000, s7;
	s6 =	simm.s32 @!p0 $0x1B8D  }
0xb1: {  	s5 =	sshll.u32 @!p0 s5, $0x11;
	s7 =	sadd.s32 @!p0 $0x11B8D, s7;
	_ =	swait.eq @!p0 [sflag:s6], $0x1  }
0xb2: {  	s5 =	sor.u32 @!p0 s5, s7;
	[sflag:s6] =	ssyncadd.s32 @!p0 $0xFFFFFFFF  }
0xb3: {  	s25 =	simm.s32 $0x1B8E;
	s24 =	sld [smem:$0x3FFE];
	[sflag:s5] =	ssyncadd.remote.s32 @!p0 $0x1  }
0xb4: {  	s26 =	simm.s32 $execute0_lowered;
	[smem:$0x3FD2] =	sst s25  }
0xb5: {  	s6 =	sshll.u32 s26, $0x1;
	_ =	strace $0x80000049;
	[dreg:$0x1] =	wrdreg $0xFFFFFFFF  }
0xb6: {  	s28 =	simm.s32 $_size_execute0_lowered;
	s4 =	sadd.s32 s4, s6;
	[dreg:$0x0] =	wrdreg $0x0  }
0xb7: {  	s6 =	sshll.u32 s28, $0x1;
	[dreg:$0x2] =	wrdreg s4  }
0xb8: {  	[dreg:$0x3] =	wrdreg s6  }
0xb9: {  	[dreg:$0x4] =	wrdreg $0xC0  }
0xba: {  	_ =	task [dreg:s22], $0x5FFFF  }
0xbb: {  	[dreg:$0x1] =	wrdreg $0xFFFFFFFF  }
0xbc: {  	[dreg:$0x0] =	wrdreg $0x60  }
0xbd: {  	[dreg:$0x2] =	wrdreg s18  }
0xbe: {  	[dreg:$0x3] =	wrdreg s24  }
0xbf: {  	[dreg:$0x4] =	wrdreg $0xA8000  }
0xc0: {  	[dreg:$0x5] =	wrdreg $0xA  }
0xc1: {  	_ =	task.clear_ibuf [dreg:s22], $0x6FFFF;
	_ =	strace $0x90000049  }
0xc2: {  	s29 =	simm.s32 $0xA;
	_ =	strace $0x8000004B  }
0xc3: {  	_ =	swait.ge [sflag:s29], $0x1  }
0xc4: {  	[sflag:s29] =	ssyncadd.s32 $0xFFFFFFFF  }
0xc5: {  	_ =	strace $0x9000004B  }
0xc6: {  	_ =	sfence  }
0xc7: {  	s30 =	sld [smem:$0x0];
	_ =	sdelay $0x2  }
0xc8: {  	s31 =	sshll.u32 s1, $0xD;
	s1 =	sshrl.u32 s1, $0x2  }
0xc9: {  	s4 =	sand.u32 $0x4000, s31;
	s1 =	sadd.s32 s1, s30  }
0xca: {  	s0 =	sor.u32 s4, s0;
	s1 =	sshll.u32 s1, $0x11  }
0xcb: {  	s0 =	sor.u32 s1, s0  }
0xcc: {  	s0 =	sadd.s32 $0x8F2B, s0  }
0xcd: {  	[sflag:s0] =	ssyncadd.remote.s32 $0x1  }
0xce: {  	_ =	sfence.sel $0xFFFF  }
0xcf: {  	[dreg:$0x0] =	wrdreg $0xFFFFFFFF;
	(pc) =	sbr.abs _section_cstart, $3  }
0xd0: {  	[dreg:$0x1] =	wrdreg $0xFFFFFFFF  }
0xd1: {  	_ =	task.clear_ibuf [dreg:s22], $0x2FFFF;
	_ =	strace $0x9FFFFFFF  }
0xd2: {  	(tm) =	ssettm $0x7FFFFFFF  }
0xd3: {  	_ =	shalt  }
tec
execute0_lowered:
.L_overlay_start_1:
0x0: {  	(tag) =	ssettag $0x1  }
0x1: {  	s1 =	rddreg [dreg:$0x0]  }
0x2: {  	s5 =	rddreg [dreg:$0x1]  }
0x3: {  	s0 =	srdreg.scid;
	s3 =	rddreg [dreg:$0x2];
	s4 =	simm.s32 $0x0  }
0x4: {  	s17 =	simm.s32 $0x3;
	s18 =	simm.s32 $0x4;
	s19 =	simm.s32 $0x1400  }
0x5: {  	s20 =	simm.s32 $0x80;
	s21 =	simm.s32 $0x6800;
	s22 =	simm.s32 $0x1  }
0x6: {  	s23 =	simm.s32 $0x2;
	s24 =	simm.s32 $0x1380;
	s6 =	sand.u32 $0x1, s0  }
0x7: {  	s25 =	simm.s32 $0x2700;
	s0 =	stileid.u32;
	s7 =	smul.u32 $0x140000, s6  }
0x8: {  	[smem:$0x7FF] =	sst s4;
	s14 =	sadd.s32 $0xFC00, s5;
	s8 =	smul.u32 $0x14000, s0  }
0x9: {  	s15 =	sadd.s32 $0x5C00, s5;
	s26 =	smul.u32 $0x50000, s0;
	s28 =	ssub.s32 $0x2, s6  }
0xa: {  	_ =	strace $0x8000004A;
	s29 =	sshll.u32 s6, $0x4;
	s31 =	sshrl.u32 s28, $0x1  }
0xb: {  	s9 =	sor.u32 s0, s29;
	s7 =	sadd.s32 s8, s7;
	s30 =	sshrl.u32 s26, $0x2  }
0xc: {  	s11 =	ssub.s32 s28, s31;
	s13 =	smul.u32 $0x500, s9;
	s7 =	sshrl.u32 s7, $0x3  }
0xd: {  	s26 =	simm.s32 $0x2780;
	s11 =	smax.u32 s11, $0x1;
	s10 =	sadd.s32 s7, s5  }
0xe: {  	s5 =	sadd.s32 s30, s3;
	s16 =	sadd.s32 $0x280, s13;
	s12 =	sadd.s32 s14, s13  }
0xf: {  	s13 =	sadd.s32 s15, s13;
	s6 =	sadd.s32 $0x4000, s5;
	s7 =	sadd.s32 $0x8000, s5  }
0x10: {  	s8 =	sadd.s32 $0xC000, s5;
	s9 =	sadd.s32 $0x10000, s5;
	s10 =	sadd.s32 $0x92400, s10  }
0x11: {  	v0 =	vimm.f32 $0.0e+00;
	s14 =	sadd.s32 s14, s16;
	s15 =	sadd.s32 s15, s16;
	s16 =	simm.s32 $0x2800  }
.LBB2_1:
0x12: {  	s28 =	simm.s32 $0x0;
	s29 =	simm.s32 $0x200  }
.LBB2_2:
0x13: {  	p0 =	sne.s32 s29, $0xFE00;
	[tilespmem:s28+$0x2870] =	vst v0  }
0x14: {  	[tilespmem:s28+$0x2800] =	vst v0  }
0x15: {  	[tilespmem:s28+$0x2810] =	vst v0  }
.Ltmp0:
0x16: {  	[tilespmem:s28+$0x2820] =	vst v0;
	(pc) =	sbr.rel @p0 .LBB2_2-.Ltmp0, $4  }
0x17: {  	[tilespmem:s28+$0x2830] =	vst v0  }
0x18: {  	[tilespmem:s28+$0x2840] =	vst v0  }
0x19: {  	[tilespmem:s28+$0x2850] =	vst v0  }
0x1a: {  	[tilespmem:s28+$0x2860] =	vst v0;
	s28 =	sshra.s32 s29, $0x2;
	s29 =	sadd.s32 $0x200, s29  }
0x1b: {  	[tilespmem:s28+$0x2870] =	vst v0  }
0x1c: {  	[tilespmem:s28+$0x2800] =	vst v0  }
0x1d: {  	[tilespmem:s28+$0x2810] =	vst v0  }
0x1e: {  	[tilespmem:s28+$0x2820] =	vst v0  }
0x1f: {  	[tilespmem:s28+$0x2830] =	vst v0  }
0x20: {  	[tilespmem:s28+$0x2840] =	vst v0  }
0x21: {  	[tilespmem:s28+$0x2850] =	vst v0  }
0x22: {  	[tilespmem:s28+$0x2860] =	vst v0  }
0x23: {  	[spmem:s5] =	stream.linear.scatter [tilespmem:s16], [sflag:$0x3], $0x4000, $0x38;
	[tilespmem:$0x1E800] =	vst v63  }
0x24: {  	_ = 	snop  }
0x25: {  	[spmem:s6] =	stream.linear.scatter [tilespmem:s16], [sflag:$0x3], $0x4000, $0x38;
	[tilespmem:$0x1E800] =	vst v63  }
0x26: {  	_ = 	snop  }
0x27: {  	[spmem:s7] =	stream.linear.scatter [tilespmem:s16], [sflag:$0x3], $0x4000, $0x38;
	[tilespmem:$0x1E800] =	vst v63  }
0x28: {  	_ = 	snop  }
0x29: {  	[spmem:s8] =	stream.linear.scatter [tilespmem:s16], [sflag:$0x3], $0x4000, $0x38;
	[tilespmem:$0x1E800] =	vst v63  }
0x2a: {  	_ = 	snop  }
0x2b: {  	[spmem:s9] =	stream.linear.scatter [tilespmem:s16], [sflag:$0x3], $0x4000, $0x38;
	[tilespmem:$0x1E800] =	vst v63  }
0x2c: {  	_ =	swait.ge [sflag:s17], $0x4000  }
0x2d: {  	[sflag:s17] =	ssyncset.done $0x0  }
0x2e: {  	[sflag:s17] =	ssyncadd.s32 $0xFFFFC000  }
0x2f: {  	_ =	swait.ge [sflag:s17], $0x4000  }
0x30: {  	[sflag:s17] =	ssyncset.done $0x0  }
0x31: {  	[sflag:s17] =	ssyncadd.s32 $0xFFFFC000  }
0x32: {  	_ =	swait.ge [sflag:s17], $0x4000  }
0x33: {  	[sflag:s17] =	ssyncset.done $0x0  }
0x34: {  	[sflag:s17] =	ssyncadd.s32 $0xFFFFC000  }
0x35: {  	_ =	swait.ge [sflag:s17], $0x4000  }
0x36: {  	[sflag:s17] =	ssyncset.done $0x0  }
0x37: {  	[sflag:s17] =	ssyncadd.s32 $0xFFFFC000  }
0x38: {  	_ =	swait.ge [sflag:s17], $0x4000  }
0x39: {  	[sflag:s17] =	ssyncset.done $0x0  }
0x3a: {  	[sflag:s17] =	ssyncadd.s32 $0xFFFFC000  }
0x3b: {  	s28 =	simm.s32 $0x0;
	[bflag:$0x0] =	sbarrier.arrive $0xFFFF  }
0x3c: {  	[tilespmem:s28], [sflag:$0x4] =	stream.linear.gather [hbm4b:s12+s28], $0x1400, $0x38;
	[tilespmem:$0x1E800] =	vst v63  }
0x3d: {  	_ =	swait.ge [sflag:s18], $0x1400  }
0x3e: {  	[sflag:s18] =	ssyncset.done $0x0  }
0x3f: {  	[sflag:s18] =	ssyncadd.s32 $0xFFFFEC00  }
0x40: {  	[tilespmem:s19], [sflag:$0x4] =	stream.linear.gather [hbm4b:s13+s28], $0x1400, $0x38;
	[tilespmem:$0x1E800] =	vst v63  }
0x41: {  	_ =	swait.ge [sflag:s18], $0x1400  }
0x42: {  	[sflag:s18] =	ssyncset.done $0x0  }
0x43: {  	[sflag:s18] =	ssyncadd.s32 $0xFFFFEC00  }
0x44: {  	[tilespmem:s16], [sflag:$0x1] =	stream.indirect.gather [hbm4b:s1+s20], $0x80, s28, s20, $0xb8;
	[tilespmem:$0x1E800] =	vst v63  }
0x45: {  	s28 =	simm.s32 $0x80  }
0x46: {  	[tilespmem:s21], [sflag:$0x2] =	stream.indirect.gather [hbm4b:s1+s20], $0x80, s28, s20, $0xb8;
	[tilespmem:$0x1E800] =	vst v63  }
0x47: {  	_ =	swait.ge [sflag:s22], $0x4000  }
0x48: {  	[sflag:s22] =	ssyncset.done $0x0  }
0x49: {  	s28 =	simm.s32 $0x1400;
	[sflag:s22] =	ssyncadd.s32 $0xFFFFC000  }
0x4a: {  	[spmem:s3] =	stream.indirect.scatter.add.f32 [tilespmem:s16], [sflag:$0x4], $0x80, s28, s20, $0xb8;
	[tilespmem:$0x1E800] =	vst v63  }
0x4b: {  	_ =	swait.ge [sflag:s18], $0x4000  }
0x4c: {  	[sflag:s18] =	ssyncset.done $0x0  }
0x4d: {  	s28 =	simm.s32 $0x100;
	[sflag:s18] =	ssyncadd.s32 $0xFFFFC000  }
0x4e: {  	[tilespmem:s16], [sflag:$0x1] =	stream.indirect.gather [hbm4b:s1+s20], $0x80, s28, s20, $0xb8;
	[tilespmem:$0x1E800] =	vst v63  }
0x4f: {  	_ =	swait.ge [sflag:s23], $0x4000  }
0x50: {  	[sflag:s23] =	ssyncset.done $0x0  }
0x51: {  	s28 =	simm.s32 $0x1480;
	[sflag:s23] =	ssyncadd.s32 $0xFFFFC000  }
0x52: {  	[spmem:s3] =	stream.indirect.scatter.add.f32 [tilespmem:s21], [sflag:$0x4], $0x80, s28, s20, $0xb8;
	[tilespmem:$0x1E800] =	vst v63  }
0x53: {  	_ =	swait.ge [sflag:s18], $0x4000  }
0x54: {  	s29 =	simm.s32 $0x800;
	s28 =	simm.s32 $0x100;
	[sflag:s18] =	ssyncset.done $0x0  }
.LBB2_4:
0x55: {  	s30 =	sadd.s32 $0x80, s28  }
0x56: {  	[sflag:s18] =	ssyncadd.s32 $0xFFFFC000;
	s31 =	smov.u32 s29;
	s2 =	sadd.s32 $0x400, s29  }
0x57: {  	[tilespmem:s21], [sflag:$0x2] =	stream.indirect.gather [hbm4b:s1+s20], $0x80, s30, s20, $0xb8;
	[tilespmem:$0x1E800] =	vst v63  }
0x58: {  	p0 =	sne.s32 s29, $0x4800;
	_ =	swait.ge [sflag:s22], $0x4000  }
0x59: {  	[sflag:s22] =	ssyncset.done $0x0  }
0x5a: {  	s29 =	sadd.s32 $0x1400, s28;
	[sflag:s22] =	ssyncadd.s32 $0xFFFFC000  }
0x5b: {  	[spmem:s3] =	stream.indirect.scatter.add.f32 [tilespmem:s16], [sflag:$0x4], $0x80, s29, s20, $0xb8;
	[tilespmem:$0x1E800] =	vst v63  }
0x5c: {  	_ =	swait.ge [sflag:s18], $0x4000  }
0x5d: {  	[sflag:s18] =	ssyncset.done $0x0  }
0x5e: {  	s29 =	sadd.s32 $0x100, s28;
	[sflag:s18] =	ssyncadd.s32 $0xFFFFC000  }
0x5f: {  	[tilespmem:s16], [sflag:$0x1] =	stream.indirect.gather [hbm4b:s1+s20], $0x80, s29, s20, $0xb8;
	[tilespmem:$0x1E800] =	vst v63  }
0x60: {  	_ =	swait.ge [sflag:s23], $0x4000  }
.Ltmp1:
0x61: {  	[sflag:s23] =	ssyncset.done $0x0;
	(pc) =	sbr.rel @p0 .LBB2_4-.Ltmp1, $4  }
0x62: {  	s28 =	sadd.s32 $0x1480, s28;
	[sflag:s23] =	ssyncadd.s32 $0xFFFFC000  }
0x63: {  	[spmem:s3] =	stream.indirect.scatter.add.f32 [tilespmem:s21], [sflag:$0x4], $0x80, s28, s20, $0xb8;
	[tilespmem:$0x1E800] =	vst v63  }
0x64: {  	_ =	swait.ge [sflag:s18], $0x4000  }
0x65: {  	s29 =	smov.u32 s2;
	s28 =	sshra.s32 s31, $0x2;
	[sflag:s18] =	ssyncset.done $0x0  }
0x66: {  	s2 =	sadd.s32 $0x80, s28;
	[sflag:s18] =	ssyncadd.s32 $0xFFFFC000  }
0x67: {  	[tilespmem:s21], [sflag:$0x2] =	stream.indirect.gather [hbm4b:s1+s20], $0x80, s2, s20, $0xb8;
	[tilespmem:$0x1E800] =	vst v63  }
0x68: {  	_ =	swait.ge [sflag:s22], $0x4000  }
0x69: {  	[sflag:s22] =	ssyncset.done $0x0  }
0x6a: {  	s30 =	sadd.s32 $0x1400, s28;
	[sflag:s22] =	ssyncadd.s32 $0xFFFFC000  }
0x6b: {  	[spmem:s3] =	stream.indirect.scatter.add.f32 [tilespmem:s16], [sflag:$0x4], $0x80, s30, s20, $0xb8;
	[tilespmem:$0x1E800] =	vst v63  }
0x6c: {  	_ =	swait.ge [sflag:s18], $0x4000  }
0x6d: {  	[sflag:s18] =	ssyncset.done $0x0  }
0x6e: {  	s31 =	sadd.s32 $0x100, s28;
	[sflag:s18] =	ssyncadd.s32 $0xFFFFC000  }
0x6f: {  	[tilespmem:s16], [sflag:$0x1] =	stream.indirect.gather [hbm4b:s1+s20], $0x80, s31, s20, $0xb8;
	[tilespmem:$0x1E800] =	vst v63  }
0x70: {  	_ =	swait.ge [sflag:s23], $0x4000  }
0x71: {  	[sflag:s23] =	ssyncset.done $0x0  }
0x72: {  	s30 =	sadd.s32 $0x1480, s28;
	[sflag:s23] =	ssyncadd.s32 $0xFFFFC000  }
0x73: {  	[spmem:s3] =	stream.indirect.scatter.add.f32 [tilespmem:s21], [sflag:$0x4], $0x80, s30, s20, $0xb8;
	[tilespmem:$0x1E800] =	vst v63  }
0x74: {  	_ =	swait.ge [sflag:s18], $0x4000  }
0x75: {  	[sflag:s18] =	ssyncset.done $0x0  }
0x76: {  	[sflag:s18] =	ssyncadd.s32 $0xFFFFC000  }
0x77: {  	[tilespmem:s21], [sflag:$0x2] =	stream.indirect.gather [hbm4b:s1+s20], $0x80, s24, s20, $0xb8;
	[tilespmem:$0x1E800] =	vst v63  }
0x78: {  	_ =	swait.ge [sflag:s22], $0x4000  }
0x79: {  	[sflag:s22] =	ssyncset.done $0x0  }
0x7a: {  	[sflag:s22] =	ssyncadd.s32 $0xFFFFC000  }
0x7b: {  	[spmem:s3] =	stream.indirect.scatter.add.f32 [tilespmem:s16], [sflag:$0x4], $0x80, s25, s20, $0xb8;
	[tilespmem:$0x1E800] =	vst v63  }
0x7c: {  	_ =	swait.ge [sflag:s18], $0x4000  }
0x7d: {  	[sflag:s18] =	ssyncset.done $0x0  }
0x7e: {  	[sflag:s18] =	ssyncadd.s32 $0xFFFFC000  }
0x7f: {  	_ =	swait.ge [sflag:s23], $0x4000  }
0x80: {  	[sflag:s23] =	ssyncset.done $0x0  }
0x81: {  	[sflag:s23] =	ssyncadd.s32 $0xFFFFC000  }
0x82: {  	[spmem:s3] =	stream.indirect.scatter.add.f32 [tilespmem:s21], [sflag:$0x4], $0x80, s26, s20, $0xb8;
	[tilespmem:$0x1E800] =	vst v63  }
0x83: {  	_ =	swait.ge [sflag:s18], $0x4000  }
0x84: {  	[sflag:s18] =	ssyncset.done $0x0  }
0x85: {  	s31 =	simm.s32 $0x0;
	[sflag:s18] =	ssyncadd.s32 $0xFFFFC000  }
0x86: {  	[tilespmem:s31], [sflag:$0x4] =	stream.linear.gather [hbm4b:s14+s31], $0x1400, $0x38;
	[tilespmem:$0x1E800] =	vst v63  }
0x87: {  	_ =	swait.ge [sflag:s18], $0x1400  }
0x88: {  	[sflag:s18] =	ssyncset.done $0x0  }
0x89: {  	[sflag:s18] =	ssyncadd.s32 $0xFFFFEC00  }
0x8a: {  	[tilespmem:s19], [sflag:$0x4] =	stream.linear.gather [hbm4b:s15+s31], $0x1400, $0x38;
	[tilespmem:$0x1E800] =	vst v63  }
0x8b: {  	_ =	swait.ge [sflag:s18], $0x1400  }
0x8c: {  	[sflag:s18] =	ssyncset.done $0x0  }
0x8d: {  	[sflag:s18] =	ssyncadd.s32 $0xFFFFEC00  }
0x8e: {  	[tilespmem:s16], [sflag:$0x1] =	stream.indirect.gather [hbm4b:s1+s20], $0x80, s31, s20, $0xb8;
	[tilespmem:$0x1E800] =	vst v63  }
0x8f: {  	s30 =	simm.s32 $0x80  }
0x90: {  	[tilespmem:s21], [sflag:$0x2] =	stream.indirect.gather [hbm4b:s1+s20], $0x80, s30, s20, $0xb8;
	[tilespmem:$0x1E800] =	vst v63  }
0x91: {  	_ =	swait.ge [sflag:s22], $0x4000  }
0x92: {  	[sflag:s22] =	ssyncset.done $0x0  }
0x93: {  	s31 =	simm.s32 $0x1400;
	[sflag:s22] =	ssyncadd.s32 $0xFFFFC000  }
0x94: {  	[spmem:s3] =	stream.indirect.scatter.add.f32 [tilespmem:s16], [sflag:$0x4], $0x80, s31, s20, $0xb8;
	[tilespmem:$0x1E800] =	vst v63  }
0x95: {  	_ =	swait.ge [sflag:s18], $0x4000  }
0x96: {  	[sflag:s18] =	ssyncset.done $0x0  }
0x97: {  	s30 =	simm.s32 $0x100;
	[sflag:s18] =	ssyncadd.s32 $0xFFFFC000  }
0x98: {  	[tilespmem:s16], [sflag:$0x1] =	stream.indirect.gather [hbm4b:s1+s20], $0x80, s30, s20, $0xb8;
	[tilespmem:$0x1E800] =	vst v63  }
0x99: {  	_ =	swait.ge [sflag:s23], $0x4000  }
0x9a: {  	[sflag:s23] =	ssyncset.done $0x0  }
0x9b: {  	s31 =	simm.s32 $0x1480;
	[sflag:s23] =	ssyncadd.s32 $0xFFFFC000  }
0x9c: {  	[spmem:s3] =	stream.indirect.scatter.add.f32 [tilespmem:s21], [sflag:$0x4], $0x80, s31, s20, $0xb8;
	[tilespmem:$0x1E800] =	vst v63  }
0x9d: {  	_ =	swait.ge [sflag:s18], $0x4000  }
0x9e: {  	s29 =	simm.s32 $0x800;
	s28 =	simm.s32 $0x100;
	[sflag:s18] =	ssyncset.done $0x0  }
.LBB2_6:
0x9f: {  	s2 =	sadd.s32 $0x80, s28  }
0xa0: {  	[sflag:s18] =	ssyncadd.s32 $0xFFFFC000;
	s30 =	smov.u32 s29;
	s31 =	sadd.s32 $0x400, s29  }
0xa1: {  	[tilespmem:s21], [sflag:$0x2] =	stream.indirect.gather [hbm4b:s1+s20], $0x80, s2, s20, $0xb8;
	[tilespmem:$0x1E800] =	vst v63  }
0xa2: {  	p0 =	sne.s32 s29, $0x4800;
	_ =	swait.ge [sflag:s22], $0x4000  }
0xa3: {  	[sflag:s22] =	ssyncset.done $0x0  }
0xa4: {  	s2 =	sadd.s32 $0x1400, s28;
	[sflag:s22] =	ssyncadd.s32 $0xFFFFC000  }
0xa5: {  	[spmem:s3] =	stream.indirect.scatter.add.f32 [tilespmem:s16], [sflag:$0x4], $0x80, s2, s20, $0xb8;
	[tilespmem:$0x1E800] =	vst v63  }
0xa6: {  	_ =	swait.ge [sflag:s18], $0x4000  }
0xa7: {  	[sflag:s18] =	ssyncset.done $0x0  }
0xa8: {  	s2 =	sadd.s32 $0x100, s28;
	[sflag:s18] =	ssyncadd.s32 $0xFFFFC000  }
0xa9: {  	[tilespmem:s16], [sflag:$0x1] =	stream.indirect.gather [hbm4b:s1+s20], $0x80, s2, s20, $0xb8;
	[tilespmem:$0x1E800] =	vst v63  }
0xaa: {  	_ =	swait.ge [sflag:s23], $0x4000  }
.Ltmp2:
0xab: {  	[sflag:s23] =	ssyncset.done $0x0;
	(pc) =	sbr.rel @p0 .LBB2_6-.Ltmp2, $4  }
0xac: {  	s2 =	sadd.s32 $0x1480, s28;
	[sflag:s23] =	ssyncadd.s32 $0xFFFFC000  }
0xad: {  	[spmem:s3] =	stream.indirect.scatter.add.f32 [tilespmem:s21], [sflag:$0x4], $0x80, s2, s20, $0xb8;
	[tilespmem:$0x1E800] =	vst v63  }
0xae: {  	_ =	swait.ge [sflag:s18], $0x4000  }
0xaf: {  	s29 =	smov.u32 s31;
	s28 =	sshra.s32 s30, $0x2;
	[sflag:s18] =	ssyncset.done $0x0  }
0xb0: {  	s2 =	sadd.s32 $0x80, s28;
	[sflag:s18] =	ssyncadd.s32 $0xFFFFC000  }
0xb1: {  	[tilespmem:s21], [sflag:$0x2] =	stream.indirect.gather [hbm4b:s1+s20], $0x80, s2, s20, $0xb8;
	[tilespmem:$0x1E800] =	vst v63  }
0xb2: {  	_ =	swait.ge [sflag:s22], $0x4000  }
0xb3: {  	[sflag:s22] =	ssyncset.done $0x0  }
0xb4: {  	s30 =	sadd.s32 $0x1400, s28;
	[sflag:s22] =	ssyncadd.s32 $0xFFFFC000  }
0xb5: {  	[spmem:s3] =	stream.indirect.scatter.add.f32 [tilespmem:s16], [sflag:$0x4], $0x80, s30, s20, $0xb8;
	[tilespmem:$0x1E800] =	vst v63  }
0xb6: {  	_ =	swait.ge [sflag:s18], $0x4000  }
0xb7: {  	[sflag:s18] =	ssyncset.done $0x0  }
0xb8: {  	s31 =	sadd.s32 $0x100, s28;
	[sflag:s18] =	ssyncadd.s32 $0xFFFFC000  }
0xb9: {  	[tilespmem:s16], [sflag:$0x1] =	stream.indirect.gather [hbm4b:s1+s20], $0x80, s31, s20, $0xb8;
	[tilespmem:$0x1E800] =	vst v63  }
0xba: {  	_ =	swait.ge [sflag:s23], $0x4000  }
0xbb: {  	[sflag:s23] =	ssyncset.done $0x0  }
0xbc: {  	s29 =	sadd.s32 $0x1480, s28;
	[sflag:s23] =	ssyncadd.s32 $0xFFFFC000  }
0xbd: {  	[spmem:s3] =	stream.indirect.scatter.add.f32 [tilespmem:s21], [sflag:$0x4], $0x80, s29, s20, $0xb8;
	[tilespmem:$0x1E800] =	vst v63  }
0xbe: {  	_ =	swait.ge [sflag:s18], $0x4000  }
0xbf: {  	[sflag:s18] =	ssyncset.done $0x0  }
0xc0: {  	[sflag:s18] =	ssyncadd.s32 $0xFFFFC000  }
0xc1: {  	[tilespmem:s21], [sflag:$0x2] =	stream.indirect.gather [hbm4b:s1+s20], $0x80, s24, s20, $0xb8;
	[tilespmem:$0x1E800] =	vst v63  }
0xc2: {  	_ =	swait.ge [sflag:s22], $0x4000  }
0xc3: {  	[sflag:s22] =	ssyncset.done $0x0  }
0xc4: {  	[sflag:s22] =	ssyncadd.s32 $0xFFFFC000  }
0xc5: {  	[spmem:s3] =	stream.indirect.scatter.add.f32 [tilespmem:s16], [sflag:$0x4], $0x80, s25, s20, $0xb8;
	[tilespmem:$0x1E800] =	vst v63  }
0xc6: {  	_ =	swait.ge [sflag:s18], $0x4000  }
0xc7: {  	[sflag:s18] =	ssyncset.done $0x0  }
0xc8: {  	[sflag:s18] =	ssyncadd.s32 $0xFFFFC000  }
0xc9: {  	_ =	swait.ge [sflag:s23], $0x4000  }
0xca: {  	[sflag:s23] =	ssyncset.done $0x0  }
0xcb: {  	[sflag:s23] =	ssyncadd.s32 $0xFFFFC000  }
0xcc: {  	[spmem:s3] =	stream.indirect.scatter.add.f32 [tilespmem:s21], [sflag:$0x4], $0x80, s26, s20, $0xb8;
	[tilespmem:$0x1E800] =	vst v63  }
0xcd: {  	_ =	swait.ge [sflag:s18], $0x4000  }
0xce: {  	s4 =	sadd.s32 $0x1, s4;
	s30 =	sshll.u32 s0, $0x6;
	[sflag:s18] =	ssyncset.done $0x0  }
0xcf: {  	p0 =	sne.s32 s4, s11;
	s2 =	sor.u32 $0x1C04, s30;
	[sflag:s18] =	ssyncadd.s32 $0xFFFFC000  }
.Ltmp3:
0xd0: {  	s31 =	sshrl.u32 s5, $0x3;
	[bflag:$0x0] =	sbarrier.arrive $0xFFFF;
	(pc) =	sbr.rel @p0 .LBB2_1-.Ltmp3, $4  }
0xd1: {  	[hbm:s10], [sflag:s2] =	dma.local [spmem:s31], $0x2800  }
0xd2: {  	_ =	swait.ge [sflag:s18], $0x2800  }
0xd3: {  	[sflag:s18] =	ssyncset.done $0x0  }
0xd4: {  	[sflag:s18] =	ssyncadd.s32 $0xFFFFD800  }
0xd5: {  	_ =	sfence.sel $0x180000  }
0xd6: {  	[bflag:$0x0] =	sbarrier.arrive $0xFFFF  }
0xd7: {  	_ =	strace $0x9000004A  }
0xd8: {  	[bflag:$0x2] =	sbarrier.arrive $0xFFFF  }
0xd9: {  	p0 =	sne.s32 s0, $0x0;
	s0 =	rddreg [dreg:$0x3]  }
0xda: {  	s0 =	sadd.s32 @!p0 $0x100000, s0  }
0xdb: {  	[sflag:s0] =	ssyncadd.tile.s32 @!p0 $0x1;
	_ =	shalt  }
.Lfunc_end2:
_tile_overlayer_lowered:
.L_overlay_start_2:
0xdc: {  	(tag) =	ssettag $0x2  }
0xdd: {  	s0 =	rddreg [dreg:$0x0];
	s2 =	stileid.u32  }
0xde: {  	s1 =	rddreg [dreg:$0x1];
	p0 =	sne.s32 s2, $0x0  }
0xdf: {  	s3 =	rddreg [dreg:$0x2];
	[bflag:$0x3] =	sbarrier.arrive $0xFFFF;
	s2 =	simm.s32 @!p0 $0x1C04  }
0xe0: {  	[timem:s3], [sflag:s2] =	dma.local @!p0 [hbm:s0], s1  }
0xe1: {  	s0 =	simm.s32 @!p0 $0x4  }
0xe2: {  	_ =	swait.ge @!p0 [sflag:s0], s1  }
0xe3: {  	s1 =	ssub.s32 @!p0 $0x0, s1;
	[sflag:s0] =	ssyncset.done @!p0 $0x0  }
0xe4: {  	[sflag:s0] =	ssyncadd.s32 @!p0 s1  }
0xe5: {  	[bflag:$0x3] =	sbarrier.arrive $0xFFFF  }
0xe6: {  	_ =	shalt  }

// kernel: kernel.19.cloned.1.call-start
scs
__scs_entry_jumppad:
0x0: {  	(pc) =	sbr.rel $0x88, $3  }
0x1: {  	(tag) =	ssettag $0x0;
	lr =	simm.s32 $0x1  }
0x2: {  	[smem:$0x3F89] =	sst lr;
	_ =	strace $0xD0000000  }
0x3: {  	_ = 	snop  }
0x4: {  	_ = 	snop  }
0x5: {  	_ = 	snop  }
0x6: {  	_ = 	snop  }
0x7: {  	_ = 	snop  }
__scs_overlays_trampoline_lowered:
0x8: {  	[smem:$0x3F98] =	sst s0  }
0x9: {  	[smem:$0x3F99] =	sst s1  }
0xa: {  	[smem:$0x3F9A] =	sst s2  }
0xb: {  	[smem:$0x3F9B] =	sst s3  }
0xc: {  	[smem:$0x3F9C] =	sst s4  }
0xd: {  	[smem:$0x3F9D] =	sst s5  }
0xe: {  	[smem:$0x3F9E] =	sst s6  }
0xf: {  	[smem:$0x3F9F] =	sst s7  }
0x10: {  	[smem:$0x3FA0] =	sst s8  }
0x11: {  	[smem:$0x3FA1] =	sst s9;
	s0 =	simm.s32 @!p0 $0x0  }
0x12: {  	s1 =	sld [smem:$0x3F87];
	s0 =	simm.s32 @p0 $0x1  }
0x13: {  	[smem:$0x3FA2] =	sst s0;
	s0 =	simm.s32 @!p1 $0x0  }
0x14: {  	s2 =	sld [smem:$0x3F86];
	s0 =	simm.s32 @p1 $0x1  }
0x15: {  	[smem:$0x3FA3] =	sst s0;
	s0 =	simm.s32 @!p2 $0x0  }
0x16: {  	s3 =	sld [smem:$0x3FDB];
	s0 =	simm.s32 @p2 $0x1  }
0x17: {  	s4 =	simm.s32 $0x1BF5;
	[smem:$0x3FA5] =	sst s0  }
0x18: {  	s0 =	sld [smem:$0x3F88];
	_ =	swait.ge [sflag:s4], $0x0  }
0x19: {  	s7 =	sld [smem:$0x3F89]  }
0x1a: {  	s8 =	sadd.s32 $0xFFFFE003, lr  }
0x1b: {  	s9 =	sadd.s32 $0xFFFFFEF7, lr;
	s5 =	simm.s32 $0xFFFFFFFF;
	p2 =	slt.u32 s8, $0xFFFFF086  }
0x1c: {  	p1 =	slt.u32 s9, $0xF7A;
	s5 =	simm.s32 @!p2 $0x0  }
0x1d: {  	s5 =	simm.s32 @p1 $0x1;
	p0 =	seq.s32 s7, s2  }
0x1e: {  	s7 =	smul.u32 @!p0 $0xF7A, s2;
	p2 =	seq.s32 @!p0 s5, $0x0  }
0x1f: {  	s9 =	smul.u32 $0xF7A, s1;
	s8 =	simm.s32 @!p0 $0x1BF5;
	p2 =	por !p2, p0  }
0x20: {  	[sflag:s8] =	ssyncset.s32 @!p0 $0xFFFFF086;
	s6 =	sadd.s32 @!p0 s3, s7;
	s7 =	simm.s32 @!p0 $0x108  }
0x21: {  	s3 =	sadd.s32 s3, s9;
	s6 =	sadd.s32 @!p0 $0x88, s6;
	s7 =	simm.s32 @p2 $0x1082  }
0x22: {  	[simem:s7], [sflag:s8] =	dma.local @!p0 [hbm:s6], $0xF7A  }
0x23: {  	s9 =	sor.u32 $0xD0000000, s2;
	s6 =	simm.s32 $0x108;
	_ =	swait.ge @!p0 [sflag:s8], $0x0  }
0x24: {  	s3 =	sadd.s32 $0x88, s3;
	s6 =	simm.s32 @!p1 $0x1082;
	[sflag:s4] =	ssyncset.s32 $0xFFFFF086  }
0x25: {  	[simem:s6], [sflag:s4] =	dma.local [hbm:s3], $0xF7A  }
0x26: {  	[smem:$0x3F89] =	sst s1;
	(tag) =	ssettag s2;
	_ =	strace s9  }
0x27: {  	s1 =	sld [smem:$0x3F99]  }
0x28: {  	s2 =	sld [smem:$0x3F9A]  }
0x29: {  	s4 =	sld [smem:$0x3F9C]  }
0x2a: {  	p0 =	seq.s32 s5, $0x0;
	s5 =	sld [smem:$0x3F9D]  }
0x2b: {  	s6 =	sld [smem:$0x3F9E]  }
0x2c: {  	s7 =	sld [smem:$0x3F9F]  }
0x2d: {  	s3 =	simm.s32 $0x108;
	s8 =	sld [smem:$0x3FA0]  }
0x2e: {  	s3 =	simm.s32 @!p0 $0x1082;
	s9 =	sld [smem:$0x3FA1]  }
0x2f: {  	lr =	sadd.s32 s0, s3;
	s0 =	sld [smem:$0x3F98]  }
0x30: {  	s3 =	sld [smem:$0x3F9B]  }
0x31: {  	[smem:$0x3FA4] =	sst s10  }
0x32: {  	s10 =	sld [smem:$0x3FA2];
	_ =	sdelay $0x3  }
0x33: {  	p0 =	seq.s32 s10, $0x1;
	s10 =	sld [smem:$0x3FA4];
	_ =	sdelay $0x3  }
0x34: {  	[smem:$0x3FA4] =	sst s10  }
0x35: {  	s10 =	sld [smem:$0x3FA3];
	_ =	sdelay $0x3  }
0x36: {  	p1 =	seq.s32 s10, $0x1;
	s10 =	sld [smem:$0x3FA4];
	_ =	sdelay $0x3  }
0x37: {  	[smem:$0x3FA4] =	sst s10  }
0x38: {  	s10 =	sld [smem:$0x3FA5]  }
0x39: {  	_ = 	snop;
	(pc) =	sbr.ind lr, $3  }
0x3a: {  	_ = 	snop  }
0x3b: {  	_ = 	snop  }
0x3c: {  	p2 =	seq.s32 s10, $0x1;
	s10 =	sld [smem:$0x3FA4]  }
0x3d: {  	_ =	shalt  }
0x3e: {  	_ =	shalt  }
0x3f: {  	_ =	shalt  }
0x40: {  	_ =	shalt  }
0x41: {  	_ =	shalt  }
0x42: {  	_ =	shalt  }
0x43: {  	_ =	shalt  }
0x44: {  	_ =	shalt  }
0x45: {  	_ =	shalt  }
0x46: {  	_ =	shalt  }
0x47: {  	_ =	shalt  }
0x48: {  	_ =	shalt  }
0x49: {  	_ =	shalt  }
0x4a: {  	_ =	shalt  }
0x4b: {  	_ =	shalt  }
0x4c: {  	_ =	shalt  }
0x4d: {  	_ =	shalt  }
0x4e: {  	_ =	shalt  }
0x4f: {  	_ =	shalt  }
0x50: {  	_ =	shalt  }
0x51: {  	_ =	shalt  }
0x52: {  	_ =	shalt  }
0x53: {  	_ =	shalt  }
0x54: {  	_ =	shalt  }
0x55: {  	_ =	shalt  }
0x56: {  	_ =	shalt  }
0x57: {  	_ =	shalt  }
0x58: {  	_ =	shalt  }
0x59: {  	_ =	shalt  }
0x5a: {  	_ =	shalt  }
0x5b: {  	_ =	shalt  }
0x5c: {  	_ =	shalt  }
0x5d: {  	_ =	shalt  }
0x5e: {  	_ =	shalt  }
0x5f: {  	_ =	shalt  }
0x60: {  	_ =	shalt  }
0x61: {  	_ =	shalt  }
0x62: {  	_ =	shalt  }
0x63: {  	_ =	shalt  }
0x64: {  	_ =	shalt  }
0x65: {  	_ =	shalt  }
0x66: {  	_ =	shalt  }
0x67: {  	_ =	shalt  }
0x68: {  	_ =	shalt  }
0x69: {  	_ =	shalt  }
0x6a: {  	_ =	shalt  }
0x6b: {  	_ =	shalt  }
0x6c: {  	_ =	shalt  }
0x6d: {  	_ =	shalt  }
0x6e: {  	_ =	shalt  }
0x6f: {  	_ =	shalt  }
0x70: {  	_ =	shalt  }
0x71: {  	_ =	shalt  }
0x72: {  	_ =	shalt  }
0x73: {  	_ =	shalt  }
0x74: {  	_ =	shalt  }
0x75: {  	_ =	shalt  }
0x76: {  	_ =	shalt  }
0x77: {  	_ =	shalt  }
0x78: {  	_ =	shalt  }
0x79: {  	_ =	shalt  }
0x7a: {  	_ =	shalt  }
0x7b: {  	_ =	shalt  }
0x7c: {  	_ =	shalt  }
0x7d: {  	_ =	shalt  }
0x7e: {  	_ =	shalt  }
0x7f: {  	_ =	shalt  }
0x80: {  	_ =	shalt  }
0x81: {  	_ =	shalt  }
0x82: {  	_ =	shalt  }
0x83: {  	_ =	shalt  }
0x84: {  	_ =	shalt  }
0x85: {  	_ =	shalt  }
0x86: {  	_ =	shalt  }
0x87: {  	_ =	shalt  }
.Lfunc_end0:
.L_simem_size_0:
called_computation.2_lowered:
.L_overlay_start_0:
0x88: {  	s2 =	sld [smem:$0x3FD9]  }
0x89: {  	s3 =	sld [smem:$0x3FFE];
	_ =	sdelay $0x1  }
0x8a: {  	s1 =	srdreg.scid  }
0x8b: {  	s0 =	sand.u32 $0x1, s1  }
0x8c: {  	s17 =	sshll.u32 s0, $0xA;
	s2 =	sadd.s32 s3, s2  }
0x8d: {  	s2 =	sadd.s32 s2, s17  }
0x8e: {  	[smem:$0x3FB0] =	sst s2  }
0x8f: {  	_ = 	snop  }
0x90: {  	s2 =	sld [smem:$0x3FD0];
	(tm) =	ssettm $0x1  }
0x91: {  	s18 =	sld [smem:$0x3FFB];
	_ =	sdelay $0x3  }
0x92: {  	_ =	strace s18  }
0x93: {  	s3 =	sld [smem:$0x3FFC];
	_ =	sdelay $0x3  }
0x94: {  	_ =	strace s3  }
0x95: {  	s3 =	sld [smem:$0x3FFD];
	_ =	sdelay $0x3  }
0x96: {  	_ =	strace s3  }
0x97: {  	_ =	strace $0x8FFFFFFF  }
0x98: {  	s19 =	sld [smem:$0x3FDB];
	_ =	sdelay $0x1  }
0x99: {  	s4 =	simm.s32 $_scs_section_size  }
0x9a: {  	s5 =	simm.s32 $_size__tile_overlayer_lowered;
	s6 =	simm.s32 $_tile_overlayer_lowered  }
0x9b: {  	s22 =	simm.s32 $0x1BFF;
	s21 =	sshll.u32 s6, $0x1;
	s3 =	sadd.s32 s4, s19  }
0x9c: {  	s7 =	simm.s32 $0x0;
	s20 =	sshll.u32 s5, $0x1;
	s5 =	sadd.s32 s21, s3  }
0x9d: {  	[timem:s7], [sflag:s22] =	dma.local [hbm:s5], s20  }
0x9e: {  	_ =	swait.ge [sflag:s22], s20  }
0x9f: {  	s4 =	ssub.s32 $0x0, s20;
	[sflag:s22] =	ssyncset.done $0x0  }
0xa0: {  	[sflag:s22] =	ssyncadd.s32 s4;
	_ =	sdelay $0x1  }
0xa1: {  	s23 =	simm.s32 $0x1B8B  }
0xa2: {  	_ =	swait.ge [sflag:s23], $0x1  }
0xa3: {  	[sflag:s23] =	ssyncset.done $0x0  }
0xa4: {  	s25 =	simm.s32 $0x1B8E;
	s24 =	sld [smem:$0x3FFE];
	[sflag:s23] =	ssyncadd.s32 $0xFFFFFFFF  }
0xa5: {  	s26 =	simm.s32 $execute0_lowered;
	[smem:$0x3FD2] =	sst s25  }
0xa6: {  	s5 =	sshll.u32 s26, $0x1;
	_ =	strace $0x8000004C;
	[dreg:$0x1] =	wrdreg $0xFFFFFFFF  }
0xa7: {  	s28 =	simm.s32 $_size_execute0_lowered;
	s3 =	sadd.s32 s3, s5;
	[dreg:$0x0] =	wrdreg $0x0  }
0xa8: {  	s5 =	sshll.u32 s28, $0x1;
	[dreg:$0x2] =	wrdreg s3  }
0xa9: {  	[dreg:$0x3] =	wrdreg s5  }
0xaa: {  	[dreg:$0x4] =	wrdreg $0xC0  }
0xab: {  	_ =	task [dreg:s7], $0x5FFFF  }
0xac: {  	[dreg:$0x1] =	wrdreg $0xFFFFFFFF  }
0xad: {  	[dreg:$0x0] =	wrdreg $0x60  }
0xae: {  	[dreg:$0x2] =	wrdreg s2  }
0xaf: {  	[dreg:$0x3] =	wrdreg s24  }
0xb0: {  	[dreg:$0x4] =	wrdreg $0xA8000  }
0xb1: {  	[dreg:$0x5] =	wrdreg $0x9  }
0xb2: {  	_ =	task.clear_ibuf [dreg:s7], $0x6FFFF;
	_ =	strace $0x9000004C  }
0xb3: {  	s29 =	simm.s32 $0x9;
	_ =	strace $0x8000004E  }
0xb4: {  	_ =	swait.ge [sflag:s29], $0x1  }
0xb5: {  	[sflag:s29] =	ssyncadd.s32 $0xFFFFFFFF  }
0xb6: {  	_ =	strace $0x9000004E  }
0xb7: {  	_ =	sfence  }
0xb8: {  	s30 =	sld [smem:$0x0];
	_ =	sdelay $0x2  }
0xb9: {  	s31 =	sshll.u32 s1, $0xD;
	s1 =	sshrl.u32 s1, $0x2  }
0xba: {  	s3 =	sand.u32 $0x4000, s31;
	s1 =	sadd.s32 s1, s30  }
0xbb: {  	s0 =	sor.u32 s3, s0;
	s1 =	sshll.u32 s1, $0x11  }
0xbc: {  	s0 =	sor.u32 s1, s0  }
0xbd: {  	s0 =	sadd.s32 $0x8F2B, s0  }
0xbe: {  	[sflag:s0] =	ssyncadd.remote.s32 $0x1  }
0xbf: {  	_ =	sfence.sel $0xFFFF  }
0xc0: {  	[dreg:$0x0] =	wrdreg $0xFFFFFFFF;
	(pc) =	sbr.abs _section_cstart, $3  }
0xc1: {  	[dreg:$0x1] =	wrdreg $0xFFFFFFFF  }
0xc2: {  	_ =	task.clear_ibuf [dreg:s7], $0x2FFFF;
	_ =	strace $0x9FFFFFFF  }
0xc3: {  	(tm) =	ssettm $0x7FFFFFFF  }
tec
execute0_lowered:
.L_overlay_start_1:
0x0: {  	(tag) =	ssettag $0x1  }
0x1: {  	s1 =	rddreg [dreg:$0x0]  }
0x2: {  	s5 =	rddreg [dreg:$0x1]  }
0x3: {  	s0 =	srdreg.scid;
	s3 =	rddreg [dreg:$0x2];
	s4 =	simm.s32 $0x0  }
0x4: {  	s17 =	simm.s32 $0x3;
	s18 =	simm.s32 $0x4;
	s19 =	simm.s32 $0x1400  }
0x5: {  	s20 =	simm.s32 $0x80;
	s21 =	simm.s32 $0x6800;
	s22 =	simm.s32 $0x1  }
0x6: {  	s23 =	simm.s32 $0x2;
	s24 =	simm.s32 $0x1380;
	s6 =	sand.u32 $0x1, s0  }
0x7: {  	s25 =	simm.s32 $0x2700;
	s0 =	stileid.u32;
	s7 =	smul.u32 $0x140000, s6  }
0x8: {  	[smem:$0x7FF] =	sst s4;
	s14 =	sadd.s32 $0xFC00, s5;
	s8 =	smul.u32 $0x14000, s0  }
0x9: {  	s15 =	sadd.s32 $0x5C00, s5;
	s26 =	smul.u32 $0x50000, s0;
	s28 =	ssub.s32 $0x2, s6  }
0xa: {  	_ =	strace $0x8000004D;
	s29 =	sshll.u32 s6, $0x4;
	s31 =	sshrl.u32 s28, $0x1  }
0xb: {  	s9 =	sor.u32 s0, s29;
	s7 =	sadd.s32 s8, s7;
	s30 =	sshrl.u32 s26, $0x2  }
0xc: {  	s11 =	ssub.s32 s28, s31;
	s13 =	smul.u32 $0x500, s9;
	s7 =	sshrl.u32 s7, $0x3  }
0xd: {  	s26 =	simm.s32 $0x2780;
	s11 =	smax.u32 s11, $0x1;
	s10 =	sadd.s32 s7, s5  }
0xe: {  	s5 =	sadd.s32 s30, s3;
	s16 =	sadd.s32 $0x280, s13;
	s12 =	sadd.s32 s14, s13  }
0xf: {  	s13 =	sadd.s32 s15, s13;
	s6 =	sadd.s32 $0x4000, s5;
	s7 =	sadd.s32 $0x8000, s5  }
0x10: {  	s8 =	sadd.s32 $0xC000, s5;
	s9 =	sadd.s32 $0x10000, s5;
	s10 =	sadd.s32 $0x92400, s10  }
0x11: {  	v0 =	vimm.f32 $0.0e+00;
	s14 =	sadd.s32 s14, s16;
	s15 =	sadd.s32 s15, s16;
	s16 =	simm.s32 $0x2800  }
.LBB2_1:
0x12: {  	s28 =	simm.s32 $0x0;
	s29 =	simm.s32 $0x200  }
.LBB2_2:
0x13: {  	p0 =	sne.s32 s29, $0xFE00;
	[tilespmem:s28+$0x2870] =	vst v0  }
0x14: {  	[tilespmem:s28+$0x2800] =	vst v0  }
0x15: {  	[tilespmem:s28+$0x2810] =	vst v0  }
.Ltmp0:
0x16: {  	[tilespmem:s28+$0x2820] =	vst v0;
	(pc) =	sbr.rel @p0 .LBB2_2-.Ltmp0, $4  }
0x17: {  	[tilespmem:s28+$0x2830] =	vst v0  }
0x18: {  	[tilespmem:s28+$0x2840] =	vst v0  }
0x19: {  	[tilespmem:s28+$0x2850] =	vst v0  }
0x1a: {  	[tilespmem:s28+$0x2860] =	vst v0;
	s28 =	sshra.s32 s29, $0x2;
	s29 =	sadd.s32 $0x200, s29  }
0x1b: {  	[tilespmem:s28+$0x2870] =	vst v0  }
0x1c: {  	[tilespmem:s28+$0x2800] =	vst v0  }
0x1d: {  	[tilespmem:s28+$0x2810] =	vst v0  }
0x1e: {  	[tilespmem:s28+$0x2820] =	vst v0  }
0x1f: {  	[tilespmem:s28+$0x2830] =	vst v0  }
0x20: {  	[tilespmem:s28+$0x2840] =	vst v0  }
0x21: {  	[tilespmem:s28+$0x2850] =	vst v0  }
0x22: {  	[tilespmem:s28+$0x2860] =	vst v0  }
0x23: {  	[spmem:s5] =	stream.linear.scatter [tilespmem:s16], [sflag:$0x3], $0x4000, $0x38;
	[tilespmem:$0x1E800] =	vst v63  }
0x24: {  	_ = 	snop  }
0x25: {  	[spmem:s6] =	stream.linear.scatter [tilespmem:s16], [sflag:$0x3], $0x4000, $0x38;
	[tilespmem:$0x1E800] =	vst v63  }
0x26: {  	_ = 	snop  }
0x27: {  	[spmem:s7] =	stream.linear.scatter [tilespmem:s16], [sflag:$0x3], $0x4000, $0x38;
	[tilespmem:$0x1E800] =	vst v63  }
0x28: {  	_ = 	snop  }
0x29: {  	[spmem:s8] =	stream.linear.scatter [tilespmem:s16], [sflag:$0x3], $0x4000, $0x38;
	[tilespmem:$0x1E800] =	vst v63  }
0x2a: {  	_ = 	snop  }
0x2b: {  	[spmem:s9] =	stream.linear.scatter [tilespmem:s16], [sflag:$0x3], $0x4000, $0x38;
	[tilespmem:$0x1E800] =	vst v63  }
0x2c: {  	_ =	swait.ge [sflag:s17], $0x4000  }
0x2d: {  	[sflag:s17] =	ssyncset.done $0x0  }
0x2e: {  	[sflag:s17] =	ssyncadd.s32 $0xFFFFC000  }
0x2f: {  	_ =	swait.ge [sflag:s17], $0x4000  }
0x30: {  	[sflag:s17] =	ssyncset.done $0x0  }
0x31: {  	[sflag:s17] =	ssyncadd.s32 $0xFFFFC000  }
0x32: {  	_ =	swait.ge [sflag:s17], $0x4000  }
0x33: {  	[sflag:s17] =	ssyncset.done $0x0  }
0x34: {  	[sflag:s17] =	ssyncadd.s32 $0xFFFFC000  }
0x35: {  	_ =	swait.ge [sflag:s17], $0x4000  }
0x36: {  	[sflag:s17] =	ssyncset.done $0x0  }
0x37: {  	[sflag:s17] =	ssyncadd.s32 $0xFFFFC000  }
0x38: {  	_ =	swait.ge [sflag:s17], $0x4000  }
0x39: {  	[sflag:s17] =	ssyncset.done $0x0  }
0x3a: {  	[sflag:s17] =	ssyncadd.s32 $0xFFFFC000  }
0x3b: {  	s28 =	simm.s32 $0x0;
	[bflag:$0x0] =	sbarrier.arrive $0xFFFF  }
0x3c: {  	[tilespmem:s28], [sflag:$0x4] =	stream.linear.gather [hbm4b:s12+s28], $0x1400, $0x38;
	[tilespmem:$0x1E800] =	vst v63  }
0x3d: {  	_ =	swait.ge [sflag:s18], $0x1400  }
0x3e: {  	[sflag:s18] =	ssyncset.done $0x0  }
0x3f: {  	[sflag:s18] =	ssyncadd.s32 $0xFFFFEC00  }
0x40: {  	[tilespmem:s19], [sflag:$0x4] =	stream.linear.gather [hbm4b:s13+s28], $0x1400, $0x38;
	[tilespmem:$0x1E800] =	vst v63  }
0x41: {  	_ =	swait.ge [sflag:s18], $0x1400  }
0x42: {  	[sflag:s18] =	ssyncset.done $0x0  }
0x43: {  	[sflag:s18] =	ssyncadd.s32 $0xFFFFEC00  }
0x44: {  	[tilespmem:s16], [sflag:$0x1] =	stream.indirect.gather [hbm4b:s1+s20], $0x80, s28, s20, $0xb8;
	[tilespmem:$0x1E800] =	vst v63  }
0x45: {  	s28 =	simm.s32 $0x80  }
0x46: {  	[tilespmem:s21], [sflag:$0x2] =	stream.indirect.gather [hbm4b:s1+s20], $0x80, s28, s20, $0xb8;
	[tilespmem:$0x1E800] =	vst v63  }
0x47: {  	_ =	swait.ge [sflag:s22], $0x4000  }
0x48: {  	[sflag:s22] =	ssyncset.done $0x0  }
0x49: {  	s28 =	simm.s32 $0x1400;
	[sflag:s22] =	ssyncadd.s32 $0xFFFFC000  }
0x4a: {  	[spmem:s3] =	stream.indirect.scatter.add.f32 [tilespmem:s16], [sflag:$0x4], $0x80, s28, s20, $0xb8;
	[tilespmem:$0x1E800] =	vst v63  }
0x4b: {  	_ =	swait.ge [sflag:s18], $0x4000  }
0x4c: {  	[sflag:s18] =	ssyncset.done $0x0  }
0x4d: {  	s28 =	simm.s32 $0x100;
	[sflag:s18] =	ssyncadd.s32 $0xFFFFC000  }
0x4e: {  	[tilespmem:s16], [sflag:$0x1] =	stream.indirect.gather [hbm4b:s1+s20], $0x80, s28, s20, $0xb8;
	[tilespmem:$0x1E800] =	vst v63  }
0x4f: {  	_ =	swait.ge [sflag:s23], $0x4000  }
0x50: {  	[sflag:s23] =	ssyncset.done $0x0  }
0x51: {  	s28 =	simm.s32 $0x1480;
	[sflag:s23] =	ssyncadd.s32 $0xFFFFC000  }
0x52: {  	[spmem:s3] =	stream.indirect.scatter.add.f32 [tilespmem:s21], [sflag:$0x4], $0x80, s28, s20, $0xb8;
	[tilespmem:$0x1E800] =	vst v63  }
0x53: {  	_ =	swait.ge [sflag:s18], $0x4000  }
0x54: {  	s29 =	simm.s32 $0x800;
	s28 =	simm.s32 $0x100;
	[sflag:s18] =	ssyncset.done $0x0  }
.LBB2_4:
0x55: {  	s30 =	sadd.s32 $0x80, s28  }
0x56: {  	[sflag:s18] =	ssyncadd.s32 $0xFFFFC000;
	s31 =	smov.u32 s29;
	s2 =	sadd.s32 $0x400, s29  }
0x57: {  	[tilespmem:s21], [sflag:$0x2] =	stream.indirect.gather [hbm4b:s1+s20], $0x80, s30, s20, $0xb8;
	[tilespmem:$0x1E800] =	vst v63  }
0x58: {  	p0 =	sne.s32 s29, $0x4800;
	_ =	swait.ge [sflag:s22], $0x4000  }
0x59: {  	[sflag:s22] =	ssyncset.done $0x0  }
0x5a: {  	s29 =	sadd.s32 $0x1400, s28;
	[sflag:s22] =	ssyncadd.s32 $0xFFFFC000  }
0x5b: {  	[spmem:s3] =	stream.indirect.scatter.add.f32 [tilespmem:s16], [sflag:$0x4], $0x80, s29, s20, $0xb8;
	[tilespmem:$0x1E800] =	vst v63  }
0x5c: {  	_ =	swait.ge [sflag:s18], $0x4000  }
0x5d: {  	[sflag:s18] =	ssyncset.done $0x0  }
0x5e: {  	s29 =	sadd.s32 $0x100, s28;
	[sflag:s18] =	ssyncadd.s32 $0xFFFFC000  }
0x5f: {  	[tilespmem:s16], [sflag:$0x1] =	stream.indirect.gather [hbm4b:s1+s20], $0x80, s29, s20, $0xb8;
	[tilespmem:$0x1E800] =	vst v63  }
0x60: {  	_ =	swait.ge [sflag:s23], $0x4000  }
.Ltmp1:
0x61: {  	[sflag:s23] =	ssyncset.done $0x0;
	(pc) =	sbr.rel @p0 .LBB2_4-.Ltmp1, $4  }
0x62: {  	s28 =	sadd.s32 $0x1480, s28;
	[sflag:s23] =	ssyncadd.s32 $0xFFFFC000  }
0x63: {  	[spmem:s3] =	stream.indirect.scatter.add.f32 [tilespmem:s21], [sflag:$0x4], $0x80, s28, s20, $0xb8;
	[tilespmem:$0x1E800] =	vst v63  }
0x64: {  	_ =	swait.ge [sflag:s18], $0x4000  }
0x65: {  	s29 =	smov.u32 s2;
	s28 =	sshra.s32 s31, $0x2;
	[sflag:s18] =	ssyncset.done $0x0  }
0x66: {  	s2 =	sadd.s32 $0x80, s28;
	[sflag:s18] =	ssyncadd.s32 $0xFFFFC000  }
0x67: {  	[tilespmem:s21], [sflag:$0x2] =	stream.indirect.gather [hbm4b:s1+s20], $0x80, s2, s20, $0xb8;
	[tilespmem:$0x1E800] =	vst v63  }
0x68: {  	_ =	swait.ge [sflag:s22], $0x4000  }
0x69: {  	[sflag:s22] =	ssyncset.done $0x0  }
0x6a: {  	s30 =	sadd.s32 $0x1400, s28;
	[sflag:s22] =	ssyncadd.s32 $0xFFFFC000  }
0x6b: {  	[spmem:s3] =	stream.indirect.scatter.add.f32 [tilespmem:s16], [sflag:$0x4], $0x80, s30, s20, $0xb8;
	[tilespmem:$0x1E800] =	vst v63  }
0x6c: {  	_ =	swait.ge [sflag:s18], $0x4000  }
0x6d: {  	[sflag:s18] =	ssyncset.done $0x0  }
0x6e: {  	s31 =	sadd.s32 $0x100, s28;
	[sflag:s18] =	ssyncadd.s32 $0xFFFFC000  }
0x6f: {  	[tilespmem:s16], [sflag:$0x1] =	stream.indirect.gather [hbm4b:s1+s20], $0x80, s31, s20, $0xb8;
	[tilespmem:$0x1E800] =	vst v63  }
0x70: {  	_ =	swait.ge [sflag:s23], $0x4000  }
0x71: {  	[sflag:s23] =	ssyncset.done $0x0  }
0x72: {  	s30 =	sadd.s32 $0x1480, s28;
	[sflag:s23] =	ssyncadd.s32 $0xFFFFC000  }
0x73: {  	[spmem:s3] =	stream.indirect.scatter.add.f32 [tilespmem:s21], [sflag:$0x4], $0x80, s30, s20, $0xb8;
	[tilespmem:$0x1E800] =	vst v63  }
0x74: {  	_ =	swait.ge [sflag:s18], $0x4000  }
0x75: {  	[sflag:s18] =	ssyncset.done $0x0  }
0x76: {  	[sflag:s18] =	ssyncadd.s32 $0xFFFFC000  }
0x77: {  	[tilespmem:s21], [sflag:$0x2] =	stream.indirect.gather [hbm4b:s1+s20], $0x80, s24, s20, $0xb8;
	[tilespmem:$0x1E800] =	vst v63  }
0x78: {  	_ =	swait.ge [sflag:s22], $0x4000  }
0x79: {  	[sflag:s22] =	ssyncset.done $0x0  }
0x7a: {  	[sflag:s22] =	ssyncadd.s32 $0xFFFFC000  }
0x7b: {  	[spmem:s3] =	stream.indirect.scatter.add.f32 [tilespmem:s16], [sflag:$0x4], $0x80, s25, s20, $0xb8;
	[tilespmem:$0x1E800] =	vst v63  }
0x7c: {  	_ =	swait.ge [sflag:s18], $0x4000  }
0x7d: {  	[sflag:s18] =	ssyncset.done $0x0  }
0x7e: {  	[sflag:s18] =	ssyncadd.s32 $0xFFFFC000  }
0x7f: {  	_ =	swait.ge [sflag:s23], $0x4000  }
0x80: {  	[sflag:s23] =	ssyncset.done $0x0  }
0x81: {  	[sflag:s23] =	ssyncadd.s32 $0xFFFFC000  }
0x82: {  	[spmem:s3] =	stream.indirect.scatter.add.f32 [tilespmem:s21], [sflag:$0x4], $0x80, s26, s20, $0xb8;
	[tilespmem:$0x1E800] =	vst v63  }
0x83: {  	_ =	swait.ge [sflag:s18], $0x4000  }
0x84: {  	[sflag:s18] =	ssyncset.done $0x0  }
0x85: {  	s31 =	simm.s32 $0x0;
	[sflag:s18] =	ssyncadd.s32 $0xFFFFC000  }
0x86: {  	[tilespmem:s31], [sflag:$0x4] =	stream.linear.gather [hbm4b:s14+s31], $0x1400, $0x38;
	[tilespmem:$0x1E800] =	vst v63  }
0x87: {  	_ =	swait.ge [sflag:s18], $0x1400  }
0x88: {  	[sflag:s18] =	ssyncset.done $0x0  }
0x89: {  	[sflag:s18] =	ssyncadd.s32 $0xFFFFEC00  }
0x8a: {  	[tilespmem:s19], [sflag:$0x4] =	stream.linear.gather [hbm4b:s15+s31], $0x1400, $0x38;
	[tilespmem:$0x1E800] =	vst v63  }
0x8b: {  	_ =	swait.ge [sflag:s18], $0x1400  }
0x8c: {  	[sflag:s18] =	ssyncset.done $0x0  }
0x8d: {  	[sflag:s18] =	ssyncadd.s32 $0xFFFFEC00  }
0x8e: {  	[tilespmem:s16], [sflag:$0x1] =	stream.indirect.gather [hbm4b:s1+s20], $0x80, s31, s20, $0xb8;
	[tilespmem:$0x1E800] =	vst v63  }
0x8f: {  	s30 =	simm.s32 $0x80  }
0x90: {  	[tilespmem:s21], [sflag:$0x2] =	stream.indirect.gather [hbm4b:s1+s20], $0x80, s30, s20, $0xb8;
	[tilespmem:$0x1E800] =	vst v63  }
0x91: {  	_ =	swait.ge [sflag:s22], $0x4000  }
0x92: {  	[sflag:s22] =	ssyncset.done $0x0  }
0x93: {  	s31 =	simm.s32 $0x1400;
	[sflag:s22] =	ssyncadd.s32 $0xFFFFC000  }
0x94: {  	[spmem:s3] =	stream.indirect.scatter.add.f32 [tilespmem:s16], [sflag:$0x4], $0x80, s31, s20, $0xb8;
	[tilespmem:$0x1E800] =	vst v63  }
0x95: {  	_ =	swait.ge [sflag:s18], $0x4000  }
0x96: {  	[sflag:s18] =	ssyncset.done $0x0  }
0x97: {  	s30 =	simm.s32 $0x100;
	[sflag:s18] =	ssyncadd.s32 $0xFFFFC000  }
0x98: {  	[tilespmem:s16], [sflag:$0x1] =	stream.indirect.gather [hbm4b:s1+s20], $0x80, s30, s20, $0xb8;
	[tilespmem:$0x1E800] =	vst v63  }
0x99: {  	_ =	swait.ge [sflag:s23], $0x4000  }
0x9a: {  	[sflag:s23] =	ssyncset.done $0x0  }
0x9b: {  	s31 =	simm.s32 $0x1480;
	[sflag:s23] =	ssyncadd.s32 $0xFFFFC000  }
0x9c: {  	[spmem:s3] =	stream.indirect.scatter.add.f32 [tilespmem:s21], [sflag:$0x4], $0x80, s31, s20, $0xb8;
	[tilespmem:$0x1E800] =	vst v63  }
0x9d: {  	_ =	swait.ge [sflag:s18], $0x4000  }
0x9e: {  	s29 =	simm.s32 $0x800;
	s28 =	simm.s32 $0x100;
	[sflag:s18] =	ssyncset.done $0x0  }
.LBB2_6:
0x9f: {  	s2 =	sadd.s32 $0x80, s28  }
0xa0: {  	[sflag:s18] =	ssyncadd.s32 $0xFFFFC000;
	s30 =	smov.u32 s29;
	s31 =	sadd.s32 $0x400, s29  }
0xa1: {  	[tilespmem:s21], [sflag:$0x2] =	stream.indirect.gather [hbm4b:s1+s20], $0x80, s2, s20, $0xb8;
	[tilespmem:$0x1E800] =	vst v63  }
0xa2: {  	p0 =	sne.s32 s29, $0x4800;
	_ =	swait.ge [sflag:s22], $0x4000  }
0xa3: {  	[sflag:s22] =	ssyncset.done $0x0  }
0xa4: {  	s2 =	sadd.s32 $0x1400, s28;
	[sflag:s22] =	ssyncadd.s32 $0xFFFFC000  }
0xa5: {  	[spmem:s3] =	stream.indirect.scatter.add.f32 [tilespmem:s16], [sflag:$0x4], $0x80, s2, s20, $0xb8;
	[tilespmem:$0x1E800] =	vst v63  }
0xa6: {  	_ =	swait.ge [sflag:s18], $0x4000  }
0xa7: {  	[sflag:s18] =	ssyncset.done $0x0  }
0xa8: {  	s2 =	sadd.s32 $0x100, s28;
	[sflag:s18] =	ssyncadd.s32 $0xFFFFC000  }
0xa9: {  	[tilespmem:s16], [sflag:$0x1] =	stream.indirect.gather [hbm4b:s1+s20], $0x80, s2, s20, $0xb8;
	[tilespmem:$0x1E800] =	vst v63  }
0xaa: {  	_ =	swait.ge [sflag:s23], $0x4000  }
.Ltmp2:
0xab: {  	[sflag:s23] =	ssyncset.done $0x0;
	(pc) =	sbr.rel @p0 .LBB2_6-.Ltmp2, $4  }
0xac: {  	s2 =	sadd.s32 $0x1480, s28;
	[sflag:s23] =	ssyncadd.s32 $0xFFFFC000  }
0xad: {  	[spmem:s3] =	stream.indirect.scatter.add.f32 [tilespmem:s21], [sflag:$0x4], $0x80, s2, s20, $0xb8;
	[tilespmem:$0x1E800] =	vst v63  }
0xae: {  	_ =	swait.ge [sflag:s18], $0x4000  }
0xaf: {  	s29 =	smov.u32 s31;
	s28 =	sshra.s32 s30, $0x2;
	[sflag:s18] =	ssyncset.done $0x0  }
0xb0: {  	s2 =	sadd.s32 $0x80, s28;
	[sflag:s18] =	ssyncadd.s32 $0xFFFFC000  }
0xb1: {  	[tilespmem:s21], [sflag:$0x2] =	stream.indirect.gather [hbm4b:s1+s20], $0x80, s2, s20, $0xb8;
	[tilespmem:$0x1E800] =	vst v63  }
0xb2: {  	_ =	swait.ge [sflag:s22], $0x4000  }
0xb3: {  	[sflag:s22] =	ssyncset.done $0x0  }
0xb4: {  	s30 =	sadd.s32 $0x1400, s28;
	[sflag:s22] =	ssyncadd.s32 $0xFFFFC000  }
0xb5: {  	[spmem:s3] =	stream.indirect.scatter.add.f32 [tilespmem:s16], [sflag:$0x4], $0x80, s30, s20, $0xb8;
	[tilespmem:$0x1E800] =	vst v63  }
0xb6: {  	_ =	swait.ge [sflag:s18], $0x4000  }
0xb7: {  	[sflag:s18] =	ssyncset.done $0x0  }
0xb8: {  	s31 =	sadd.s32 $0x100, s28;
	[sflag:s18] =	ssyncadd.s32 $0xFFFFC000  }
0xb9: {  	[tilespmem:s16], [sflag:$0x1] =	stream.indirect.gather [hbm4b:s1+s20], $0x80, s31, s20, $0xb8;
	[tilespmem:$0x1E800] =	vst v63  }
0xba: {  	_ =	swait.ge [sflag:s23], $0x4000  }
0xbb: {  	[sflag:s23] =	ssyncset.done $0x0  }
0xbc: {  	s29 =	sadd.s32 $0x1480, s28;
	[sflag:s23] =	ssyncadd.s32 $0xFFFFC000  }
0xbd: {  	[spmem:s3] =	stream.indirect.scatter.add.f32 [tilespmem:s21], [sflag:$0x4], $0x80, s29, s20, $0xb8;
	[tilespmem:$0x1E800] =	vst v63  }
0xbe: {  	_ =	swait.ge [sflag:s18], $0x4000  }
0xbf: {  	[sflag:s18] =	ssyncset.done $0x0  }
0xc0: {  	[sflag:s18] =	ssyncadd.s32 $0xFFFFC000  }
0xc1: {  	[tilespmem:s21], [sflag:$0x2] =	stream.indirect.gather [hbm4b:s1+s20], $0x80, s24, s20, $0xb8;
	[tilespmem:$0x1E800] =	vst v63  }
0xc2: {  	_ =	swait.ge [sflag:s22], $0x4000  }
0xc3: {  	[sflag:s22] =	ssyncset.done $0x0  }
0xc4: {  	[sflag:s22] =	ssyncadd.s32 $0xFFFFC000  }
0xc5: {  	[spmem:s3] =	stream.indirect.scatter.add.f32 [tilespmem:s16], [sflag:$0x4], $0x80, s25, s20, $0xb8;
	[tilespmem:$0x1E800] =	vst v63  }
0xc6: {  	_ =	swait.ge [sflag:s18], $0x4000  }
0xc7: {  	[sflag:s18] =	ssyncset.done $0x0  }
0xc8: {  	[sflag:s18] =	ssyncadd.s32 $0xFFFFC000  }
0xc9: {  	_ =	swait.ge [sflag:s23], $0x4000  }
0xca: {  	[sflag:s23] =	ssyncset.done $0x0  }
0xcb: {  	[sflag:s23] =	ssyncadd.s32 $0xFFFFC000  }
0xcc: {  	[spmem:s3] =	stream.indirect.scatter.add.f32 [tilespmem:s21], [sflag:$0x4], $0x80, s26, s20, $0xb8;
	[tilespmem:$0x1E800] =	vst v63  }
0xcd: {  	_ =	swait.ge [sflag:s18], $0x4000  }
0xce: {  	s4 =	sadd.s32 $0x1, s4;
	s30 =	sshll.u32 s0, $0x6;
	[sflag:s18] =	ssyncset.done $0x0  }
0xcf: {  	p0 =	sne.s32 s4, s11;
	s2 =	sor.u32 $0x1C04, s30;
	[sflag:s18] =	ssyncadd.s32 $0xFFFFC000  }
.Ltmp3:
0xd0: {  	s31 =	sshrl.u32 s5, $0x3;
	[bflag:$0x0] =	sbarrier.arrive $0xFFFF;
	(pc) =	sbr.rel @p0 .LBB2_1-.Ltmp3, $4  }
0xd1: {  	[hbm:s10], [sflag:s2] =	dma.local [spmem:s31], $0x2800  }
0xd2: {  	_ =	swait.ge [sflag:s18], $0x2800  }
0xd3: {  	[sflag:s18] =	ssyncset.done $0x0  }
0xd4: {  	[sflag:s18] =	ssyncadd.s32 $0xFFFFD800  }
0xd5: {  	_ =	sfence.sel $0x180000  }
0xd6: {  	[bflag:$0x0] =	sbarrier.arrive $0xFFFF  }
0xd7: {  	_ =	strace $0x9000004D  }
0xd8: {  	[bflag:$0x2] =	sbarrier.arrive $0xFFFF  }
0xd9: {  	p0 =	sne.s32 s0, $0x0;
	s0 =	rddreg [dreg:$0x3]  }
0xda: {  	s0 =	sadd.s32 @!p0 $0x100000, s0  }
0xdb: {  	[sflag:s0] =	ssyncadd.tile.s32 @!p0 $0x1;
	_ =	shalt  }
.Lfunc_end2:
_tile_overlayer_lowered:
.L_overlay_start_2:
0xdc: {  	(tag) =	ssettag $0x2  }
0xdd: {  	s0 =	rddreg [dreg:$0x0];
	s2 =	stileid.u32  }
0xde: {  	s1 =	rddreg [dreg:$0x1];
	p0 =	sne.s32 s2, $0x0  }
0xdf: {  	s3 =	rddreg [dreg:$0x2];
	[bflag:$0x3] =	sbarrier.arrive $0xFFFF;
	s2 =	simm.s32 @!p0 $0x1C04  }
0xe0: {  	[timem:s3], [sflag:s2] =	dma.local @!p0 [hbm:s0], s1  }
0xe1: {  	s0 =	simm.s32 @!p0 $0x4  }
0xe2: {  	_ =	swait.ge @!p0 [sflag:s0], s1  }
0xe3: {  	s1 =	ssub.s32 @!p0 $0x0, s1;
	[sflag:s0] =	ssyncset.done @!p0 $0x0  }
0xe4: {  	[sflag:s0] =	ssyncadd.s32 @!p0 s1  }
0xe5: {  	[bflag:$0x3] =	sbarrier.arrive $0xFFFF  }
0xe6: {  	_ =	shalt  }

// kernel: kernel.22.cloned.1.call-start
scs
__scs_entry_jumppad:
0x0: {  	(pc) =	sbr.rel $0x88, $3  }
0x1: {  	(tag) =	ssettag $0x0;
	lr =	simm.s32 $0x1  }
0x2: {  	[smem:$0x3F89] =	sst lr;
	_ =	strace $0xD0000000  }
0x3: {  	_ = 	snop  }
0x4: {  	_ = 	snop  }
0x5: {  	_ = 	snop  }
0x6: {  	_ = 	snop  }
0x7: {  	_ = 	snop  }
__scs_overlays_trampoline_lowered:
0x8: {  	[smem:$0x3F98] =	sst s0  }
0x9: {  	[smem:$0x3F99] =	sst s1  }
0xa: {  	[smem:$0x3F9A] =	sst s2  }
0xb: {  	[smem:$0x3F9B] =	sst s3  }
0xc: {  	[smem:$0x3F9C] =	sst s4  }
0xd: {  	[smem:$0x3F9D] =	sst s5  }
0xe: {  	[smem:$0x3F9E] =	sst s6  }
0xf: {  	[smem:$0x3F9F] =	sst s7  }
0x10: {  	[smem:$0x3FA0] =	sst s8  }
0x11: {  	[smem:$0x3FA1] =	sst s9;
	s0 =	simm.s32 @!p0 $0x0  }
0x12: {  	s1 =	sld [smem:$0x3F87];
	s0 =	simm.s32 @p0 $0x1  }
0x13: {  	[smem:$0x3FA2] =	sst s0;
	s0 =	simm.s32 @!p1 $0x0  }
0x14: {  	s2 =	sld [smem:$0x3F86];
	s0 =	simm.s32 @p1 $0x1  }
0x15: {  	[smem:$0x3FA3] =	sst s0;
	s0 =	simm.s32 @!p2 $0x0  }
0x16: {  	s3 =	sld [smem:$0x3FDB];
	s0 =	simm.s32 @p2 $0x1  }
0x17: {  	s4 =	simm.s32 $0x1BF5;
	[smem:$0x3FA5] =	sst s0  }
0x18: {  	s0 =	sld [smem:$0x3F88];
	_ =	swait.ge [sflag:s4], $0x0  }
0x19: {  	s7 =	sld [smem:$0x3F89]  }
0x1a: {  	s8 =	sadd.s32 $0xFFFFE003, lr  }
0x1b: {  	s9 =	sadd.s32 $0xFFFFFEF7, lr;
	s5 =	simm.s32 $0xFFFFFFFF;
	p2 =	slt.u32 s8, $0xFFFFF086  }
0x1c: {  	p1 =	slt.u32 s9, $0xF7A;
	s5 =	simm.s32 @!p2 $0x0  }
0x1d: {  	s5 =	simm.s32 @p1 $0x1;
	p0 =	seq.s32 s7, s2  }
0x1e: {  	s7 =	smul.u32 @!p0 $0xF7A, s2;
	p2 =	seq.s32 @!p0 s5, $0x0  }
0x1f: {  	s9 =	smul.u32 $0xF7A, s1;
	s8 =	simm.s32 @!p0 $0x1BF5;
	p2 =	por !p2, p0  }
0x20: {  	[sflag:s8] =	ssyncset.s32 @!p0 $0xFFFFF086;
	s6 =	sadd.s32 @!p0 s3, s7;
	s7 =	simm.s32 @!p0 $0x108  }
0x21: {  	s3 =	sadd.s32 s3, s9;
	s6 =	sadd.s32 @!p0 $0x88, s6;
	s7 =	simm.s32 @p2 $0x1082  }
0x22: {  	[simem:s7], [sflag:s8] =	dma.local @!p0 [hbm:s6], $0xF7A  }
0x23: {  	s9 =	sor.u32 $0xD0000000, s2;
	s6 =	simm.s32 $0x108;
	_ =	swait.ge @!p0 [sflag:s8], $0x0  }
0x24: {  	s3 =	sadd.s32 $0x88, s3;
	s6 =	simm.s32 @!p1 $0x1082;
	[sflag:s4] =	ssyncset.s32 $0xFFFFF086  }
0x25: {  	[simem:s6], [sflag:s4] =	dma.local [hbm:s3], $0xF7A  }
0x26: {  	[smem:$0x3F89] =	sst s1;
	(tag) =	ssettag s2;
	_ =	strace s9  }
0x27: {  	s1 =	sld [smem:$0x3F99]  }
0x28: {  	s2 =	sld [smem:$0x3F9A]  }
0x29: {  	s4 =	sld [smem:$0x3F9C]  }
0x2a: {  	p0 =	seq.s32 s5, $0x0;
	s5 =	sld [smem:$0x3F9D]  }
0x2b: {  	s6 =	sld [smem:$0x3F9E]  }
0x2c: {  	s7 =	sld [smem:$0x3F9F]  }
0x2d: {  	s3 =	simm.s32 $0x108;
	s8 =	sld [smem:$0x3FA0]  }
0x2e: {  	s3 =	simm.s32 @!p0 $0x1082;
	s9 =	sld [smem:$0x3FA1]  }
0x2f: {  	lr =	sadd.s32 s0, s3;
	s0 =	sld [smem:$0x3F98]  }
0x30: {  	s3 =	sld [smem:$0x3F9B]  }
0x31: {  	[smem:$0x3FA4] =	sst s10  }
0x32: {  	s10 =	sld [smem:$0x3FA2];
	_ =	sdelay $0x3  }
0x33: {  	p0 =	seq.s32 s10, $0x1;
	s10 =	sld [smem:$0x3FA4];
	_ =	sdelay $0x3  }
0x34: {  	[smem:$0x3FA4] =	sst s10  }
0x35: {  	s10 =	sld [smem:$0x3FA3];
	_ =	sdelay $0x3  }
0x36: {  	p1 =	seq.s32 s10, $0x1;
	s10 =	sld [smem:$0x3FA4];
	_ =	sdelay $0x3  }
0x37: {  	[smem:$0x3FA4] =	sst s10  }
0x38: {  	s10 =	sld [smem:$0x3FA5]  }
0x39: {  	_ = 	snop;
	(pc) =	sbr.ind lr, $3  }
0x3a: {  	_ = 	snop  }
0x3b: {  	_ = 	snop  }
0x3c: {  	p2 =	seq.s32 s10, $0x1;
	s10 =	sld [smem:$0x3FA4]  }
0x3d: {  	_ =	shalt  }
0x3e: {  	_ =	shalt  }
0x3f: {  	_ =	shalt  }
0x40: {  	_ =	shalt  }
0x41: {  	_ =	shalt  }
0x42: {  	_ =	shalt  }
0x43: {  	_ =	shalt  }
0x44: {  	_ =	shalt  }
0x45: {  	_ =	shalt  }
0x46: {  	_ =	shalt  }
0x47: {  	_ =	shalt  }
0x48: {  	_ =	shalt  }
0x49: {  	_ =	shalt  }
0x4a: {  	_ =	shalt  }
0x4b: {  	_ =	shalt  }
0x4c: {  	_ =	shalt  }
0x4d: {  	_ =	shalt  }
0x4e: {  	_ =	shalt  }
0x4f: {  	_ =	shalt  }
0x50: {  	_ =	shalt  }
0x51: {  	_ =	shalt  }
0x52: {  	_ =	shalt  }
0x53: {  	_ =	shalt  }
0x54: {  	_ =	shalt  }
0x55: {  	_ =	shalt  }
0x56: {  	_ =	shalt  }
0x57: {  	_ =	shalt  }
0x58: {  	_ =	shalt  }
0x59: {  	_ =	shalt  }
0x5a: {  	_ =	shalt  }
0x5b: {  	_ =	shalt  }
0x5c: {  	_ =	shalt  }
0x5d: {  	_ =	shalt  }
0x5e: {  	_ =	shalt  }
0x5f: {  	_ =	shalt  }
0x60: {  	_ =	shalt  }
0x61: {  	_ =	shalt  }
0x62: {  	_ =	shalt  }
0x63: {  	_ =	shalt  }
0x64: {  	_ =	shalt  }
0x65: {  	_ =	shalt  }
0x66: {  	_ =	shalt  }
0x67: {  	_ =	shalt  }
0x68: {  	_ =	shalt  }
0x69: {  	_ =	shalt  }
0x6a: {  	_ =	shalt  }
0x6b: {  	_ =	shalt  }
0x6c: {  	_ =	shalt  }
0x6d: {  	_ =	shalt  }
0x6e: {  	_ =	shalt  }
0x6f: {  	_ =	shalt  }
0x70: {  	_ =	shalt  }
0x71: {  	_ =	shalt  }
0x72: {  	_ =	shalt  }
0x73: {  	_ =	shalt  }
0x74: {  	_ =	shalt  }
0x75: {  	_ =	shalt  }
0x76: {  	_ =	shalt  }
0x77: {  	_ =	shalt  }
0x78: {  	_ =	shalt  }
0x79: {  	_ =	shalt  }
0x7a: {  	_ =	shalt  }
0x7b: {  	_ =	shalt  }
0x7c: {  	_ =	shalt  }
0x7d: {  	_ =	shalt  }
0x7e: {  	_ =	shalt  }
0x7f: {  	_ =	shalt  }
0x80: {  	_ =	shalt  }
0x81: {  	_ =	shalt  }
0x82: {  	_ =	shalt  }
0x83: {  	_ =	shalt  }
0x84: {  	_ =	shalt  }
0x85: {  	_ =	shalt  }
0x86: {  	_ =	shalt  }
0x87: {  	_ =	shalt  }
.Lfunc_end0:
.L_simem_size_0:
called_computation.3_lowered:
.L_overlay_start_0:
0x88: {  	s2 =	sld [smem:$0x3FD9]  }
0x89: {  	s3 =	sld [smem:$0x3FFE];
	_ =	sdelay $0x1  }
0x8a: {  	s1 =	srdreg.scid  }
0x8b: {  	s0 =	sand.u32 $0x1, s1  }
0x8c: {  	s17 =	sshll.u32 s0, $0xA;
	s2 =	sadd.s32 s3, s2  }
0x8d: {  	s2 =	sadd.s32 s2, s17  }
0x8e: {  	[smem:$0x3FB0] =	sst s2  }
0x8f: {  	_ = 	snop  }
0x90: {  	s2 =	sld [smem:$0x3FD0];
	(tm) =	ssettm $0x1  }
0x91: {  	s18 =	sld [smem:$0x3FFB];
	_ =	sdelay $0x3  }
0x92: {  	_ =	strace s18  }
0x93: {  	s3 =	sld [smem:$0x3FFC];
	_ =	sdelay $0x3  }
0x94: {  	_ =	strace s3  }
0x95: {  	s3 =	sld [smem:$0x3FFD];
	_ =	sdelay $0x3  }
0x96: {  	_ =	strace s3  }
0x97: {  	_ =	strace $0x8FFFFFFF  }
0x98: {  	s19 =	sld [smem:$0x3FDB];
	_ =	sdelay $0x1  }
0x99: {  	s4 =	simm.s32 $_scs_section_size  }
0x9a: {  	s5 =	simm.s32 $_size__tile_overlayer_lowered;
	s6 =	simm.s32 $_tile_overlayer_lowered  }
0x9b: {  	s22 =	simm.s32 $0x1BFF;
	s21 =	sshll.u32 s6, $0x1;
	s3 =	sadd.s32 s4, s19  }
0x9c: {  	s7 =	simm.s32 $0x0;
	s20 =	sshll.u32 s5, $0x1;
	s5 =	sadd.s32 s21, s3  }
0x9d: {  	[timem:s7], [sflag:s22] =	dma.local [hbm:s5], s20  }
0x9e: {  	_ =	swait.ge [sflag:s22], s20  }
0x9f: {  	s4 =	ssub.s32 $0x0, s20;
	[sflag:s22] =	ssyncset.done $0x0  }
0xa0: {  	[sflag:s22] =	ssyncadd.s32 s4;
	_ =	sdelay $0x1  }
0xa1: {  	s23 =	simm.s32 $0x1B8B  }
0xa2: {  	_ =	swait.ge [sflag:s23], $0x1  }
0xa3: {  	[sflag:s23] =	ssyncset.done $0x0  }
0xa4: {  	s25 =	simm.s32 $0x1B8E;
	s24 =	sld [smem:$0x3FFE];
	[sflag:s23] =	ssyncadd.s32 $0xFFFFFFFF  }
0xa5: {  	s26 =	simm.s32 $execute0_lowered;
	[smem:$0x3FD2] =	sst s25  }
0xa6: {  	s5 =	sshll.u32 s26, $0x1;
	_ =	strace $0x8000004F;
	[dreg:$0x1] =	wrdreg $0xFFFFFFFF  }
0xa7: {  	s28 =	simm.s32 $_size_execute0_lowered;
	s3 =	sadd.s32 s3, s5;
	[dreg:$0x0] =	wrdreg $0x0  }
0xa8: {  	s5 =	sshll.u32 s28, $0x1;
	[dreg:$0x2] =	wrdreg s3  }
0xa9: {  	[dreg:$0x3] =	wrdreg s5  }
0xaa: {  	[dreg:$0x4] =	wrdreg $0xC0  }
0xab: {  	_ =	task [dreg:s7], $0x5FFFF  }
0xac: {  	[dreg:$0x1] =	wrdreg $0xFFFFFFFF  }
0xad: {  	[dreg:$0x0] =	wrdreg $0x60  }
0xae: {  	[dreg:$0x2] =	wrdreg s2  }
0xaf: {  	[dreg:$0x3] =	wrdreg s24  }
0xb0: {  	[dreg:$0x4] =	wrdreg $0xA8000  }
0xb1: {  	[dreg:$0x5] =	wrdreg $0x9  }
0xb2: {  	_ =	task.clear_ibuf [dreg:s7], $0x6FFFF;
	_ =	strace $0x9000004F  }
0xb3: {  	s29 =	simm.s32 $0x9;
	_ =	strace $0x80000051  }
0xb4: {  	_ =	swait.ge [sflag:s29], $0x1  }
0xb5: {  	[sflag:s29] =	ssyncadd.s32 $0xFFFFFFFF  }
0xb6: {  	_ =	strace $0x90000051  }
0xb7: {  	_ =	sfence  }
0xb8: {  	s30 =	sld [smem:$0x0];
	_ =	sdelay $0x2  }
0xb9: {  	s31 =	sshll.u32 s1, $0xD;
	s1 =	sshrl.u32 s1, $0x2  }
0xba: {  	s3 =	sand.u32 $0x4000, s31;
	s1 =	sadd.s32 s1, s30  }
0xbb: {  	s0 =	sor.u32 s3, s0;
	s1 =	sshll.u32 s1, $0x11  }
0xbc: {  	s0 =	sor.u32 s1, s0  }
0xbd: {  	s0 =	sadd.s32 $0x8F2B, s0  }
0xbe: {  	[sflag:s0] =	ssyncadd.remote.s32 $0x1  }
0xbf: {  	_ =	sfence.sel $0xFFFF  }
0xc0: {  	[dreg:$0x0] =	wrdreg $0xFFFFFFFF;
	(pc) =	sbr.abs _section_cstart, $3  }
0xc1: {  	[dreg:$0x1] =	wrdreg $0xFFFFFFFF  }
0xc2: {  	_ =	task.clear_ibuf [dreg:s7], $0x2FFFF;
	_ =	strace $0x9FFFFFFF  }
0xc3: {  	(tm) =	ssettm $0x7FFFFFFF  }
tec
execute0_lowered:
.L_overlay_start_1:
0x0: {  	(tag) =	ssettag $0x1  }
0x1: {  	s1 =	rddreg [dreg:$0x0]  }
0x2: {  	s5 =	rddreg [dreg:$0x1]  }
0x3: {  	s0 =	srdreg.scid;
	s3 =	rddreg [dreg:$0x2];
	s4 =	simm.s32 $0x0  }
0x4: {  	s17 =	simm.s32 $0x3;
	s18 =	simm.s32 $0x4;
	s19 =	simm.s32 $0x1400  }
0x5: {  	s20 =	simm.s32 $0x80;
	s21 =	simm.s32 $0x6800;
	s22 =	simm.s32 $0x1  }
0x6: {  	s23 =	simm.s32 $0x2;
	s24 =	simm.s32 $0x1380;
	s6 =	sand.u32 $0x1, s0  }
0x7: {  	s25 =	simm.s32 $0x2700;
	s0 =	stileid.u32;
	s7 =	smul.u32 $0x140000, s6  }
0x8: {  	[smem:$0x7FF] =	sst s4;
	s14 =	sadd.s32 $0xFC00, s5;
	s8 =	smul.u32 $0x14000, s0  }
0x9: {  	s15 =	sadd.s32 $0x5C00, s5;
	s26 =	smul.u32 $0x50000, s0;
	s28 =	ssub.s32 $0x2, s6  }
0xa: {  	_ =	strace $0x80000050;
	s29 =	sshll.u32 s6, $0x4;
	s31 =	sshrl.u32 s28, $0x1  }
0xb: {  	s9 =	sor.u32 s0, s29;
	s7 =	sadd.s32 s8, s7;
	s30 =	sshrl.u32 s26, $0x2  }
0xc: {  	s11 =	ssub.s32 s28, s31;
	s13 =	smul.u32 $0x500, s9;
	s7 =	sshrl.u32 s7, $0x3  }
0xd: {  	s26 =	simm.s32 $0x2780;
	s11 =	smax.u32 s11, $0x1;
	s10 =	sadd.s32 s7, s5  }
0xe: {  	s5 =	sadd.s32 s30, s3;
	s16 =	sadd.s32 $0x280, s13;
	s12 =	sadd.s32 s14, s13  }
0xf: {  	s13 =	sadd.s32 s15, s13;
	s6 =	sadd.s32 $0x4000, s5;
	s7 =	sadd.s32 $0x8000, s5  }
0x10: {  	s8 =	sadd.s32 $0xC000, s5;
	s9 =	sadd.s32 $0x10000, s5;
	s10 =	sadd.s32 $0x92400, s10  }
0x11: {  	v0 =	vimm.f32 $0.0e+00;
	s14 =	sadd.s32 s14, s16;
	s15 =	sadd.s32 s15, s16;
	s16 =	simm.s32 $0x2800  }
.LBB2_1:
0x12: {  	s28 =	simm.s32 $0x0;
	s29 =	simm.s32 $0x200  }
.LBB2_2:
0x13: {  	p0 =	sne.s32 s29, $0xFE00;
	[tilespmem:s28+$0x2870] =	vst v0  }
0x14: {  	[tilespmem:s28+$0x2800] =	vst v0  }
0x15: {  	[tilespmem:s28+$0x2810] =	vst v0  }
.Ltmp0:
0x16: {  	[tilespmem:s28+$0x2820] =	vst v0;
	(pc) =	sbr.rel @p0 .LBB2_2-.Ltmp0, $4  }
0x17: {  	[tilespmem:s28+$0x2830] =	vst v0  }
0x18: {  	[tilespmem:s28+$0x2840] =	vst v0  }
0x19: {  	[tilespmem:s28+$0x2850] =	vst v0  }
0x1a: {  	[tilespmem:s28+$0x2860] =	vst v0;
	s28 =	sshra.s32 s29, $0x2;
	s29 =	sadd.s32 $0x200, s29  }
0x1b: {  	[tilespmem:s28+$0x2870] =	vst v0  }
0x1c: {  	[tilespmem:s28+$0x2800] =	vst v0  }
0x1d: {  	[tilespmem:s28+$0x2810] =	vst v0  }
0x1e: {  	[tilespmem:s28+$0x2820] =	vst v0  }
0x1f: {  	[tilespmem:s28+$0x2830] =	vst v0  }
0x20: {  	[tilespmem:s28+$0x2840] =	vst v0  }
0x21: {  	[tilespmem:s28+$0x2850] =	vst v0  }
0x22: {  	[tilespmem:s28+$0x2860] =	vst v0  }
0x23: {  	[spmem:s5] =	stream.linear.scatter [tilespmem:s16], [sflag:$0x3], $0x4000, $0x38;
	[tilespmem:$0x1E800] =	vst v63  }
0x24: {  	_ = 	snop  }
0x25: {  	[spmem:s6] =	stream.linear.scatter [tilespmem:s16], [sflag:$0x3], $0x4000, $0x38;
	[tilespmem:$0x1E800] =	vst v63  }
0x26: {  	_ = 	snop  }
0x27: {  	[spmem:s7] =	stream.linear.scatter [tilespmem:s16], [sflag:$0x3], $0x4000, $0x38;
	[tilespmem:$0x1E800] =	vst v63  }
0x28: {  	_ = 	snop  }
0x29: {  	[spmem:s8] =	stream.linear.scatter [tilespmem:s16], [sflag:$0x3], $0x4000, $0x38;
	[tilespmem:$0x1E800] =	vst v63  }
0x2a: {  	_ = 	snop  }
0x2b: {  	[spmem:s9] =	stream.linear.scatter [tilespmem:s16], [sflag:$0x3], $0x4000, $0x38;
	[tilespmem:$0x1E800] =	vst v63  }
0x2c: {  	_ =	swait.ge [sflag:s17], $0x4000  }
0x2d: {  	[sflag:s17] =	ssyncset.done $0x0  }
0x2e: {  	[sflag:s17] =	ssyncadd.s32 $0xFFFFC000  }
0x2f: {  	_ =	swait.ge [sflag:s17], $0x4000  }
0x30: {  	[sflag:s17] =	ssyncset.done $0x0  }
0x31: {  	[sflag:s17] =	ssyncadd.s32 $0xFFFFC000  }
0x32: {  	_ =	swait.ge [sflag:s17], $0x4000  }
0x33: {  	[sflag:s17] =	ssyncset.done $0x0  }
0x34: {  	[sflag:s17] =	ssyncadd.s32 $0xFFFFC000  }
0x35: {  	_ =	swait.ge [sflag:s17], $0x4000  }
0x36: {  	[sflag:s17] =	ssyncset.done $0x0  }
0x37: {  	[sflag:s17] =	ssyncadd.s32 $0xFFFFC000  }
0x38: {  	_ =	swait.ge [sflag:s17], $0x4000  }
0x39: {  	[sflag:s17] =	ssyncset.done $0x0  }
0x3a: {  	[sflag:s17] =	ssyncadd.s32 $0xFFFFC000  }
0x3b: {  	s28 =	simm.s32 $0x0;
	[bflag:$0x0] =	sbarrier.arrive $0xFFFF  }
0x3c: {  	[tilespmem:s28], [sflag:$0x4] =	stream.linear.gather [hbm4b:s12+s28], $0x1400, $0x38;
	[tilespmem:$0x1E800] =	vst v63  }
0x3d: {  	_ =	swait.ge [sflag:s18], $0x1400  }
0x3e: {  	[sflag:s18] =	ssyncset.done $0x0  }
0x3f: {  	[sflag:s18] =	ssyncadd.s32 $0xFFFFEC00  }
0x40: {  	[tilespmem:s19], [sflag:$0x4] =	stream.linear.gather [hbm4b:s13+s28], $0x1400, $0x38;
	[tilespmem:$0x1E800] =	vst v63  }
0x41: {  	_ =	swait.ge [sflag:s18], $0x1400  }
0x42: {  	[sflag:s18] =	ssyncset.done $0x0  }
0x43: {  	[sflag:s18] =	ssyncadd.s32 $0xFFFFEC00  }
0x44: {  	[tilespmem:s16], [sflag:$0x1] =	stream.indirect.gather [hbm4b:s1+s20], $0x80, s28, s20, $0xb8;
	[tilespmem:$0x1E800] =	vst v63  }
0x45: {  	s28 =	simm.s32 $0x80  }
0x46: {  	[tilespmem:s21], [sflag:$0x2] =	stream.indirect.gather [hbm4b:s1+s20], $0x80, s28, s20, $0xb8;
	[tilespmem:$0x1E800] =	vst v63  }
0x47: {  	_ =	swait.ge [sflag:s22], $0x4000  }
0x48: {  	[sflag:s22] =	ssyncset.done $0x0  }
0x49: {  	s28 =	simm.s32 $0x1400;
	[sflag:s22] =	ssyncadd.s32 $0xFFFFC000  }
0x4a: {  	[spmem:s3] =	stream.indirect.scatter.add.f32 [tilespmem:s16], [sflag:$0x4], $0x80, s28, s20, $0xb8;
	[tilespmem:$0x1E800] =	vst v63  }
0x4b: {  	_ =	swait.ge [sflag:s18], $0x4000  }
0x4c: {  	[sflag:s18] =	ssyncset.done $0x0  }
0x4d: {  	s28 =	simm.s32 $0x100;
	[sflag:s18] =	ssyncadd.s32 $0xFFFFC000  }
0x4e: {  	[tilespmem:s16], [sflag:$0x1] =	stream.indirect.gather [hbm4b:s1+s20], $0x80, s28, s20, $0xb8;
	[tilespmem:$0x1E800] =	vst v63  }
0x4f: {  	_ =	swait.ge [sflag:s23], $0x4000  }
0x50: {  	[sflag:s23] =	ssyncset.done $0x0  }
0x51: {  	s28 =	simm.s32 $0x1480;
	[sflag:s23] =	ssyncadd.s32 $0xFFFFC000  }
0x52: {  	[spmem:s3] =	stream.indirect.scatter.add.f32 [tilespmem:s21], [sflag:$0x4], $0x80, s28, s20, $0xb8;
	[tilespmem:$0x1E800] =	vst v63  }
0x53: {  	_ =	swait.ge [sflag:s18], $0x4000  }
0x54: {  	s29 =	simm.s32 $0x800;
	s28 =	simm.s32 $0x100;
	[sflag:s18] =	ssyncset.done $0x0  }
.LBB2_4:
0x55: {  	s30 =	sadd.s32 $0x80, s28  }
0x56: {  	[sflag:s18] =	ssyncadd.s32 $0xFFFFC000;
	s31 =	smov.u32 s29;
	s2 =	sadd.s32 $0x400, s29  }
0x57: {  	[tilespmem:s21], [sflag:$0x2] =	stream.indirect.gather [hbm4b:s1+s20], $0x80, s30, s20, $0xb8;
	[tilespmem:$0x1E800] =	vst v63  }
0x58: {  	p0 =	sne.s32 s29, $0x4800;
	_ =	swait.ge [sflag:s22], $0x4000  }
0x59: {  	[sflag:s22] =	ssyncset.done $0x0  }
0x5a: {  	s29 =	sadd.s32 $0x1400, s28;
	[sflag:s22] =	ssyncadd.s32 $0xFFFFC000  }
0x5b: {  	[spmem:s3] =	stream.indirect.scatter.add.f32 [tilespmem:s16], [sflag:$0x4], $0x80, s29, s20, $0xb8;
	[tilespmem:$0x1E800] =	vst v63  }
0x5c: {  	_ =	swait.ge [sflag:s18], $0x4000  }
0x5d: {  	[sflag:s18] =	ssyncset.done $0x0  }
0x5e: {  	s29 =	sadd.s32 $0x100, s28;
	[sflag:s18] =	ssyncadd.s32 $0xFFFFC000  }
0x5f: {  	[tilespmem:s16], [sflag:$0x1] =	stream.indirect.gather [hbm4b:s1+s20], $0x80, s29, s20, $0xb8;
	[tilespmem:$0x1E800] =	vst v63  }
0x60: {  	_ =	swait.ge [sflag:s23], $0x4000  }
.Ltmp1:
0x61: {  	[sflag:s23] =	ssyncset.done $0x0;
	(pc) =	sbr.rel @p0 .LBB2_4-.Ltmp1, $4  }
0x62: {  	s28 =	sadd.s32 $0x1480, s28;
	[sflag:s23] =	ssyncadd.s32 $0xFFFFC000  }
0x63: {  	[spmem:s3] =	stream.indirect.scatter.add.f32 [tilespmem:s21], [sflag:$0x4], $0x80, s28, s20, $0xb8;
	[tilespmem:$0x1E800] =	vst v63  }
0x64: {  	_ =	swait.ge [sflag:s18], $0x4000  }
0x65: {  	s29 =	smov.u32 s2;
	s28 =	sshra.s32 s31, $0x2;
	[sflag:s18] =	ssyncset.done $0x0  }
0x66: {  	s2 =	sadd.s32 $0x80, s28;
	[sflag:s18] =	ssyncadd.s32 $0xFFFFC000  }
0x67: {  	[tilespmem:s21], [sflag:$0x2] =	stream.indirect.gather [hbm4b:s1+s20], $0x80, s2, s20, $0xb8;
	[tilespmem:$0x1E800] =	vst v63  }
0x68: {  	_ =	swait.ge [sflag:s22], $0x4000  }
0x69: {  	[sflag:s22] =	ssyncset.done $0x0  }
0x6a: {  	s30 =	sadd.s32 $0x1400, s28;
	[sflag:s22] =	ssyncadd.s32 $0xFFFFC000  }
0x6b: {  	[spmem:s3] =	stream.indirect.scatter.add.f32 [tilespmem:s16], [sflag:$0x4], $0x80, s30, s20, $0xb8;
	[tilespmem:$0x1E800] =	vst v63  }
0x6c: {  	_ =	swait.ge [sflag:s18], $0x4000  }
0x6d: {  	[sflag:s18] =	ssyncset.done $0x0  }
0x6e: {  	s31 =	sadd.s32 $0x100, s28;
	[sflag:s18] =	ssyncadd.s32 $0xFFFFC000  }
0x6f: {  	[tilespmem:s16], [sflag:$0x1] =	stream.indirect.gather [hbm4b:s1+s20], $0x80, s31, s20, $0xb8;
	[tilespmem:$0x1E800] =	vst v63  }
0x70: {  	_ =	swait.ge [sflag:s23], $0x4000  }
0x71: {  	[sflag:s23] =	ssyncset.done $0x0  }
0x72: {  	s30 =	sadd.s32 $0x1480, s28;
	[sflag:s23] =	ssyncadd.s32 $0xFFFFC000  }
0x73: {  	[spmem:s3] =	stream.indirect.scatter.add.f32 [tilespmem:s21], [sflag:$0x4], $0x80, s30, s20, $0xb8;
	[tilespmem:$0x1E800] =	vst v63  }
0x74: {  	_ =	swait.ge [sflag:s18], $0x4000  }
0x75: {  	[sflag:s18] =	ssyncset.done $0x0  }
0x76: {  	[sflag:s18] =	ssyncadd.s32 $0xFFFFC000  }
0x77: {  	[tilespmem:s21], [sflag:$0x2] =	stream.indirect.gather [hbm4b:s1+s20], $0x80, s24, s20, $0xb8;
	[tilespmem:$0x1E800] =	vst v63  }
0x78: {  	_ =	swait.ge [sflag:s22], $0x4000  }
0x79: {  	[sflag:s22] =	ssyncset.done $0x0  }
0x7a: {  	[sflag:s22] =	ssyncadd.s32 $0xFFFFC000  }
0x7b: {  	[spmem:s3] =	stream.indirect.scatter.add.f32 [tilespmem:s16], [sflag:$0x4], $0x80, s25, s20, $0xb8;
	[tilespmem:$0x1E800] =	vst v63  }
0x7c: {  	_ =	swait.ge [sflag:s18], $0x4000  }
0x7d: {  	[sflag:s18] =	ssyncset.done $0x0  }
0x7e: {  	[sflag:s18] =	ssyncadd.s32 $0xFFFFC000  }
0x7f: {  	_ =	swait.ge [sflag:s23], $0x4000  }
0x80: {  	[sflag:s23] =	ssyncset.done $0x0  }
0x81: {  	[sflag:s23] =	ssyncadd.s32 $0xFFFFC000  }
0x82: {  	[spmem:s3] =	stream.indirect.scatter.add.f32 [tilespmem:s21], [sflag:$0x4], $0x80, s26, s20, $0xb8;
	[tilespmem:$0x1E800] =	vst v63  }
0x83: {  	_ =	swait.ge [sflag:s18], $0x4000  }
0x84: {  	[sflag:s18] =	ssyncset.done $0x0  }
0x85: {  	s31 =	simm.s32 $0x0;
	[sflag:s18] =	ssyncadd.s32 $0xFFFFC000  }
0x86: {  	[tilespmem:s31], [sflag:$0x4] =	stream.linear.gather [hbm4b:s14+s31], $0x1400, $0x38;
	[tilespmem:$0x1E800] =	vst v63  }
0x87: {  	_ =	swait.ge [sflag:s18], $0x1400  }
0x88: {  	[sflag:s18] =	ssyncset.done $0x0  }
0x89: {  	[sflag:s18] =	ssyncadd.s32 $0xFFFFEC00  }
0x8a: {  	[tilespmem:s19], [sflag:$0x4] =	stream.linear.gather [hbm4b:s15+s31], $0x1400, $0x38;
	[tilespmem:$0x1E800] =	vst v63  }
0x8b: {  	_ =	swait.ge [sflag:s18], $0x1400  }
0x8c: {  	[sflag:s18] =	ssyncset.done $0x0  }
0x8d: {  	[sflag:s18] =	ssyncadd.s32 $0xFFFFEC00  }
0x8e: {  	[tilespmem:s16], [sflag:$0x1] =	stream.indirect.gather [hbm4b:s1+s20], $0x80, s31, s20, $0xb8;
	[tilespmem:$0x1E800] =	vst v63  }
0x8f: {  	s30 =	simm.s32 $0x80  }
0x90: {  	[tilespmem:s21], [sflag:$0x2] =	stream.indirect.gather [hbm4b:s1+s20], $0x80, s30, s20, $0xb8;
	[tilespmem:$0x1E800] =	vst v63  }
0x91: {  	_ =	swait.ge [sflag:s22], $0x4000  }
0x92: {  	[sflag:s22] =	ssyncset.done $0x0  }
0x93: {  	s31 =	simm.s32 $0x1400;
	[sflag:s22] =	ssyncadd.s32 $0xFFFFC000  }
0x94: {  	[spmem:s3] =	stream.indirect.scatter.add.f32 [tilespmem:s16], [sflag:$0x4], $0x80, s31, s20, $0xb8;
	[tilespmem:$0x1E800] =	vst v63  }
0x95: {  	_ =	swait.ge [sflag:s18], $0x4000  }
0x96: {  	[sflag:s18] =	ssyncset.done $0x0  }
0x97: {  	s30 =	simm.s32 $0x100;
	[sflag:s18] =	ssyncadd.s32 $0xFFFFC000  }
0x98: {  	[tilespmem:s16], [sflag:$0x1] =	stream.indirect.gather [hbm4b:s1+s20], $0x80, s30, s20, $0xb8;
	[tilespmem:$0x1E800] =	vst v63  }
0x99: {  	_ =	swait.ge [sflag:s23], $0x4000  }
0x9a: {  	[sflag:s23] =	ssyncset.done $0x0  }
0x9b: {  	s31 =	simm.s32 $0x1480;
	[sflag:s23] =	ssyncadd.s32 $0xFFFFC000  }
0x9c: {  	[spmem:s3] =	stream.indirect.scatter.add.f32 [tilespmem:s21], [sflag:$0x4], $0x80, s31, s20, $0xb8;
	[tilespmem:$0x1E800] =	vst v63  }
0x9d: {  	_ =	swait.ge [sflag:s18], $0x4000  }
0x9e: {  	s29 =	simm.s32 $0x800;
	s28 =	simm.s32 $0x100;
	[sflag:s18] =	ssyncset.done $0x0  }
.LBB2_6:
0x9f: {  	s2 =	sadd.s32 $0x80, s28  }
0xa0: {  	[sflag:s18] =	ssyncadd.s32 $0xFFFFC000;
	s30 =	smov.u32 s29;
	s31 =	sadd.s32 $0x400, s29  }
0xa1: {  	[tilespmem:s21], [sflag:$0x2] =	stream.indirect.gather [hbm4b:s1+s20], $0x80, s2, s20, $0xb8;
	[tilespmem:$0x1E800] =	vst v63  }
0xa2: {  	p0 =	sne.s32 s29, $0x4800;
	_ =	swait.ge [sflag:s22], $0x4000  }
0xa3: {  	[sflag:s22] =	ssyncset.done $0x0  }
0xa4: {  	s2 =	sadd.s32 $0x1400, s28;
	[sflag:s22] =	ssyncadd.s32 $0xFFFFC000  }
0xa5: {  	[spmem:s3] =	stream.indirect.scatter.add.f32 [tilespmem:s16], [sflag:$0x4], $0x80, s2, s20, $0xb8;
	[tilespmem:$0x1E800] =	vst v63  }
0xa6: {  	_ =	swait.ge [sflag:s18], $0x4000  }
0xa7: {  	[sflag:s18] =	ssyncset.done $0x0  }
0xa8: {  	s2 =	sadd.s32 $0x100, s28;
	[sflag:s18] =	ssyncadd.s32 $0xFFFFC000  }
0xa9: {  	[tilespmem:s16], [sflag:$0x1] =	stream.indirect.gather [hbm4b:s1+s20], $0x80, s2, s20, $0xb8;
	[tilespmem:$0x1E800] =	vst v63  }
0xaa: {  	_ =	swait.ge [sflag:s23], $0x4000  }
.Ltmp2:
0xab: {  	[sflag:s23] =	ssyncset.done $0x0;
	(pc) =	sbr.rel @p0 .LBB2_6-.Ltmp2, $4  }
0xac: {  	s2 =	sadd.s32 $0x1480, s28;
	[sflag:s23] =	ssyncadd.s32 $0xFFFFC000  }
0xad: {  	[spmem:s3] =	stream.indirect.scatter.add.f32 [tilespmem:s21], [sflag:$0x4], $0x80, s2, s20, $0xb8;
	[tilespmem:$0x1E800] =	vst v63  }
0xae: {  	_ =	swait.ge [sflag:s18], $0x4000  }
0xaf: {  	s29 =	smov.u32 s31;
	s28 =	sshra.s32 s30, $0x2;
	[sflag:s18] =	ssyncset.done $0x0  }
0xb0: {  	s2 =	sadd.s32 $0x80, s28;
	[sflag:s18] =	ssyncadd.s32 $0xFFFFC000  }
0xb1: {  	[tilespmem:s21], [sflag:$0x2] =	stream.indirect.gather [hbm4b:s1+s20], $0x80, s2, s20, $0xb8;
	[tilespmem:$0x1E800] =	vst v63  }
0xb2: {  	_ =	swait.ge [sflag:s22], $0x4000  }
0xb3: {  	[sflag:s22] =	ssyncset.done $0x0  }
0xb4: {  	s30 =	sadd.s32 $0x1400, s28;
	[sflag:s22] =	ssyncadd.s32 $0xFFFFC000  }
0xb5: {  	[spmem:s3] =	stream.indirect.scatter.add.f32 [tilespmem:s16], [sflag:$0x4], $0x80, s30, s20, $0xb8;
	[tilespmem:$0x1E800] =	vst v63  }
0xb6: {  	_ =	swait.ge [sflag:s18], $0x4000  }
0xb7: {  	[sflag:s18] =	ssyncset.done $0x0  }
0xb8: {  	s31 =	sadd.s32 $0x100, s28;
	[sflag:s18] =	ssyncadd.s32 $0xFFFFC000  }
0xb9: {  	[tilespmem:s16], [sflag:$0x1] =	stream.indirect.gather [hbm4b:s1+s20], $0x80, s31, s20, $0xb8;
	[tilespmem:$0x1E800] =	vst v63  }
0xba: {  	_ =	swait.ge [sflag:s23], $0x4000  }
0xbb: {  	[sflag:s23] =	ssyncset.done $0x0  }
0xbc: {  	s29 =	sadd.s32 $0x1480, s28;
	[sflag:s23] =	ssyncadd.s32 $0xFFFFC000  }
0xbd: {  	[spmem:s3] =	stream.indirect.scatter.add.f32 [tilespmem:s21], [sflag:$0x4], $0x80, s29, s20, $0xb8;
	[tilespmem:$0x1E800] =	vst v63  }
0xbe: {  	_ =	swait.ge [sflag:s18], $0x4000  }
0xbf: {  	[sflag:s18] =	ssyncset.done $0x0  }
0xc0: {  	[sflag:s18] =	ssyncadd.s32 $0xFFFFC000  }
0xc1: {  	[tilespmem:s21], [sflag:$0x2] =	stream.indirect.gather [hbm4b:s1+s20], $0x80, s24, s20, $0xb8;
	[tilespmem:$0x1E800] =	vst v63  }
0xc2: {  	_ =	swait.ge [sflag:s22], $0x4000  }
0xc3: {  	[sflag:s22] =	ssyncset.done $0x0  }
0xc4: {  	[sflag:s22] =	ssyncadd.s32 $0xFFFFC000  }
0xc5: {  	[spmem:s3] =	stream.indirect.scatter.add.f32 [tilespmem:s16], [sflag:$0x4], $0x80, s25, s20, $0xb8;
	[tilespmem:$0x1E800] =	vst v63  }
0xc6: {  	_ =	swait.ge [sflag:s18], $0x4000  }
0xc7: {  	[sflag:s18] =	ssyncset.done $0x0  }
0xc8: {  	[sflag:s18] =	ssyncadd.s32 $0xFFFFC000  }
0xc9: {  	_ =	swait.ge [sflag:s23], $0x4000  }
0xca: {  	[sflag:s23] =	ssyncset.done $0x0  }
0xcb: {  	[sflag:s23] =	ssyncadd.s32 $0xFFFFC000  }
0xcc: {  	[spmem:s3] =	stream.indirect.scatter.add.f32 [tilespmem:s21], [sflag:$0x4], $0x80, s26, s20, $0xb8;
	[tilespmem:$0x1E800] =	vst v63  }
0xcd: {  	_ =	swait.ge [sflag:s18], $0x4000  }
0xce: {  	s4 =	sadd.s32 $0x1, s4;
	s30 =	sshll.u32 s0, $0x6;
	[sflag:s18] =	ssyncset.done $0x0  }
0xcf: {  	p0 =	sne.s32 s4, s11;
	s2 =	sor.u32 $0x1C04, s30;
	[sflag:s18] =	ssyncadd.s32 $0xFFFFC000  }
.Ltmp3:
0xd0: {  	s31 =	sshrl.u32 s5, $0x3;
	[bflag:$0x0] =	sbarrier.arrive $0xFFFF;
	(pc) =	sbr.rel @p0 .LBB2_1-.Ltmp3, $4  }
0xd1: {  	[hbm:s10], [sflag:s2] =	dma.local [spmem:s31], $0x2800  }
0xd2: {  	_ =	swait.ge [sflag:s18], $0x2800  }
0xd3: {  	[sflag:s18] =	ssyncset.done $0x0  }
0xd4: {  	[sflag:s18] =	ssyncadd.s32 $0xFFFFD800  }
0xd5: {  	_ =	sfence.sel $0x180000  }
0xd6: {  	[bflag:$0x0] =	sbarrier.arrive $0xFFFF  }
0xd7: {  	_ =	strace $0x90000050  }
0xd8: {  	[bflag:$0x2] =	sbarrier.arrive $0xFFFF  }
0xd9: {  	p0 =	sne.s32 s0, $0x0;
	s0 =	rddreg [dreg:$0x3]  }
0xda: {  	s0 =	sadd.s32 @!p0 $0x100000, s0  }
0xdb: {  	[sflag:s0] =	ssyncadd.tile.s32 @!p0 $0x1;
	_ =	shalt  }
.Lfunc_end2:
_tile_overlayer_lowered:
.L_overlay_start_2:
0xdc: {  	(tag) =	ssettag $0x2  }
0xdd: {  	s0 =	rddreg [dreg:$0x0];
	s2 =	stileid.u32  }
0xde: {  	s1 =	rddreg [dreg:$0x1];
	p0 =	sne.s32 s2, $0x0  }
0xdf: {  	s3 =	rddreg [dreg:$0x2];
	[bflag:$0x3] =	sbarrier.arrive $0xFFFF;
	s2 =	simm.s32 @!p0 $0x1C04  }
0xe0: {  	[timem:s3], [sflag:s2] =	dma.local @!p0 [hbm:s0], s1  }
0xe1: {  	s0 =	simm.s32 @!p0 $0x4  }
0xe2: {  	_ =	swait.ge @!p0 [sflag:s0], s1  }
0xe3: {  	s1 =	ssub.s32 @!p0 $0x0, s1;
	[sflag:s0] =	ssyncset.done @!p0 $0x0  }
0xe4: {  	[sflag:s0] =	ssyncadd.s32 @!p0 s1  }
0xe5: {  	[bflag:$0x3] =	sbarrier.arrive $0xFFFF  }
0xe6: {  	_ =	shalt  }

</sc_bundles>
